<compile_context>
chip_gen: v7x
topology: tpu7x:2x2x1
jax: 0.10.2.dev20260603
libtpu: 0.0.44.dev20260713+nightly
codegen_flags: <defaults>
</compile_context>

<pallas_src>
import functools

import jax
import jax.numpy as jnp
from jax import lax
from jax.experimental import pallas as pl
from jax.experimental.pallas import tpu as pltpu
from jax.experimental.pallas import tpu_sc as plsc

N = 10000
E = 320000
D = 128
NC = 2
NS = 16
CH = 88
N_PAD = 10112
ROWS_PER_TILE = N_PAD // NS
E_PER_TILE = 228 * CH
E_PAD = NS * E_PER_TILE
DEG_PER_TILE = E // NS
DEG_STAGE = 2000


def _sc_deg_body(dst_hbm, out_hbm, hist_v, stage_v):
    c = lax.axis_index("c")
    s = lax.axis_index("s")

    @pl.loop(0, N_PAD // 16)
    def _zero(i):
        hist_v[pl.ds(i * 16, 16)] = jnp.zeros((16,), jnp.float32)

    ones = jnp.ones((16,), jnp.float32)
    base = c * E + s * DEG_PER_TILE

    @pl.loop(0, DEG_PER_TILE // DEG_STAGE)
    def _outer(k):
        pltpu.sync_copy(dst_hbm.at[pl.ds(base + k * DEG_STAGE, DEG_STAGE)],
                        stage_v)

        @pl.loop(0, DEG_STAGE // 16)
        def _inner(j):
            idx = stage_v[pl.ds(j * 16, 16)]
            plsc.addupdate_scatter(hist_v, [idx], ones)

    pltpu.sync_copy(hist_v, out_hbm.at[pl.ds((c * NS + s) * N_PAD, N_PAD)])


def _sc_deg(dst_flat):
    mesh = plsc.VectorSubcoreMesh(core_axis_name="c", subcore_axis_name="s")
    fn = pl.kernel(
        _sc_deg_body,
        out_type=jax.ShapeDtypeStruct((NC * NS * N_PAD,), jnp.float32),
        mesh=mesh,
        scratch_types=[
            pltpu.VMEM((N_PAD,), jnp.float32),
            pltpu.VMEM((DEG_STAGE,), jnp.int32),
        ],
        compiler_params=pltpu.CompilerParams(needs_layout_passes=False),
    )
    return fn(dst_flat)


def _tc_dinv_body(degp_ref, dinv_ref):
    dinv_ref[:, 0:1] = lax.rsqrt(
        jnp.sum(degp_ref[0], axis=0) + 1.0).reshape(-1, 1)
    dinv_ref[:, 1:2] = lax.rsqrt(
        jnp.sum(degp_ref[1], axis=0) + 1.0).reshape(-1, 1)


def _tc_dinv(degp):
    return pl.pallas_call(
        _tc_dinv_body,
        out_shape=jax.ShapeDtypeStruct((N_PAD, NC), jnp.float32),
    )(degp)


def _tc_prescale_body(x0_ref, x1_ref, w0_ref, w1_ref, dinv_ref, g_ref):
    m0 = jnp.dot(x0_ref[...], w0_ref[...], preferred_element_type=jnp.float32)
    m1 = jnp.dot(x1_ref[...], w1_ref[...], preferred_element_type=jnp.float32)
    g_ref[0] = m0 * dinv_ref[:, 0:1]
    g_ref[1] = m1 * dinv_ref[:, 1:2]


def _tc_prescale(x0, x1, w0, w1, dinv):
    bn = 2000
    grid = (N // bn,)
    return pl.pallas_call(
        _tc_prescale_body,
        grid=grid,
        in_specs=[
            pl.BlockSpec((bn, D), lambda i: (i, 0)),
            pl.BlockSpec((bn, D), lambda i: (i, 0)),
            pl.BlockSpec((D, D), lambda i: (0, 0)),
            pl.BlockSpec((D, D), lambda i: (0, 0)),
            pl.BlockSpec((bn, NC), lambda i: (i, 0)),
        ],
        out_specs=pl.BlockSpec((NC, bn, D), lambda i: (0, i, 0)),
        out_shape=jax.ShapeDtypeStruct((NC, N, D), jnp.float32),
    )(x0, x1, w0, w1, dinv)


CHUNKS = E_PER_TILE // CH


def _sc_agg_body(g_hbm, idxp_hbm, zeros_hbm, out_hbm,
                 acc_sh, ibuf_v, rows_v, sem_i, sem_g,
                 sem_s0, sem_s1, sem_s2, sem_s3):
    c = lax.axis_index("c")
    s = lax.axis_index("s")
    w = c * NS + s

    r0 = s * ROWS_PER_TILE
    pltpu.sync_copy(zeros_hbm.at[pl.ds(r0, ROWS_PER_TILE)],
                    acc_sh.at[pl.ds(r0, ROWS_PER_TILE)])

    crow = w * CHUNKS
    sem_s = (sem_s0, sem_s1, sem_s2, sem_s3)

    pltpu.sync_copy(idxp_hbm.at[crow], ibuf_v.at[0])
    pltpu.async_copy(idxp_hbm.at[crow + 1], ibuf_v.at[1], sem_i)
    pltpu.async_copy(idxp_hbm.at[crow + 2], ibuf_v.at[2], sem_i)
    pltpu.async_copy(idxp_hbm.at[crow + 3], ibuf_v.at[3], sem_i)
    plsc.subcore_barrier()
    pltpu.async_copy(g_hbm.at[ibuf_v.at[0, 0]], rows_v.at[0], sem_g)
    pltpu.make_async_copy(idxp_hbm.at[crow], ibuf_v.at[1], sem_i).wait()
    pltpu.async_copy(g_hbm.at[ibuf_v.at[1, 0]], rows_v.at[1], sem_g)
    pltpu.make_async_copy(idxp_hbm.at[crow], ibuf_v.at[2], sem_i).wait()
    pltpu.async_copy(g_hbm.at[ibuf_v.at[2, 0]], rows_v.at[2], sem_g)

    @pl.loop(0, CHUNKS, step=12)
    def _chunk(i0):
        for u in range(12):
            i = i0 + u
            r = u % 4
            q = u % 6
            r3 = (u + 3) % 4
            q3 = (u + 3) % 6
            q4 = (u + 4) % 6

            @pl.when(i + 3 < CHUNKS)
            def _():
                pltpu.make_async_copy(
                    idxp_hbm.at[crow], ibuf_v.at[q3], sem_i).wait()
                @pl.when(i >= 1)
                def _():
                    pltpu.make_async_copy(
                        g_hbm.at[pl.ds(0, CH)], rows_v.at[r3],
                        sem_s[r3]).wait()
                @pl.when(i + 4 < CHUNKS)
                def _():
                    pltpu.async_copy(
                        idxp_hbm.at[crow + i + 4], ibuf_v.at[q4], sem_i)
                pltpu.async_copy(
                    g_hbm.at[ibuf_v.at[q3, 0]], rows_v.at[r3], sem_g)

            pltpu.make_async_copy(
                g_hbm.at[ibuf_v.at[q, 0]], rows_v.at[r], sem_g).wait()
            pltpu.async_copy(rows_v.at[r], acc_sh.at[ibuf_v.at[q, 1]],
                             sem_s[r], add=True)

    pltpu.make_async_copy(g_hbm.at[pl.ds(0, CH)], rows_v.at[0], sem_s0).wait()
    pltpu.make_async_copy(g_hbm.at[pl.ds(0, CH)], rows_v.at[1], sem_s1).wait()
    pltpu.make_async_copy(g_hbm.at[pl.ds(0, CH)], rows_v.at[2], sem_s2).wait()
    pltpu.make_async_copy(g_hbm.at[pl.ds(0, CH)], rows_v.at[3], sem_s3).wait()

    plsc.subcore_barrier()
    pltpu.sync_copy(acc_sh.at[pl.ds(r0, ROWS_PER_TILE)],
                    out_hbm.at[pl.ds(c * N_PAD + r0, ROWS_PER_TILE)])


def _sc_agg(g_flat, idx_pair, zeros_init):
    mesh = plsc.VectorSubcoreMesh(core_axis_name="c", subcore_axis_name="s")
    fn = pl.kernel(
        _sc_agg_body,
        out_type=jax.ShapeDtypeStruct((NC * N_PAD, D), jnp.float32),
        mesh=mesh,
        scratch_types=[
            pltpu.VMEM_SHARED((N_PAD, D), jnp.float32),
            pltpu.VMEM((6, 2, CH), jnp.int32),
            pltpu.VMEM((4, CH, D), jnp.float32),
            pltpu.SemaphoreType.DMA,
            pltpu.SemaphoreType.DMA,
            pltpu.SemaphoreType.DMA,
            pltpu.SemaphoreType.DMA,
            pltpu.SemaphoreType.DMA,
            pltpu.SemaphoreType.DMA,
        ],
    )
    return fn(g_flat, idx_pair, zeros_init)


def _tc_finish_body(agg_ref, g_ref, dinv_ref, b0_ref, b1_ref,
                    wfc1_ref, bfc1_ref, wfc2_ref, bfc2_ref,
                    out_ref, acc_s):
    i = pl.program_id(0)

    @pl.when(i == 0)
    def _():
        acc_s[...] = jnp.zeros_like(acc_s)

    a0 = agg_ref[0].astype(jnp.float32) + g_ref[0].astype(jnp.float32)
    a1 = agg_ref[1].astype(jnp.float32) + g_ref[1].astype(jnp.float32)
    o0 = a0 * dinv_ref[:, 0:1] + b0_ref[...]
    o1 = a1 * dinv_ref[:, 1:2] + b1_ref[...]
    o0 = jnp.maximum(o0, 0.0)
    o1 = jnp.maximum(o1, 0.0)
    acc_s[0:1, :] += jnp.sum(o0, axis=0).reshape(1, D)
    acc_s[1:2, :] += jnp.sum(o1, axis=0).reshape(1, D)

    @pl.when(i == pl.num_programs(0) - 1)
    def _():
        hm = acc_s[0:1, :] * (1.0 / N)
        hi = acc_s[1:2, :] * (1.0 / N)
        h = jnp.dot(hm, wfc1_ref[0:D, :], preferred_element_type=jnp.float32)
        h += jnp.dot(hi, wfc1_ref[D:2 * D, :],
                     preferred_element_type=jnp.float32)
        h = jnp.maximum(h + bfc1_ref[...], 0.0)
        o = jnp.dot(h, wfc2_ref[...], preferred_element_type=jnp.float32)
        o = o + bfc2_ref[...]
        out_ref[...] = jax.nn.sigmoid(o)


def _tc_finish(agg, g, dinv, b0, b1, wfc1, bfc1, wfc2, bfc2):
    bn = 2000
    grid = (N // bn,)
    return pl.pallas_call(
        _tc_finish_body,
        grid=grid,
        in_specs=[
            pl.BlockSpec((NC, bn, D), lambda i: (0, i, 0)),
            pl.BlockSpec((NC, bn, D), lambda i: (0, i, 0)),
            pl.BlockSpec((bn, NC), lambda i: (i, 0)),
            pl.BlockSpec((1, D), lambda i: (0, 0)),
            pl.BlockSpec((1, D), lambda i: (0, 0)),
            pl.BlockSpec((2 * D, D), lambda i: (0, 0)),
            pl.BlockSpec((1, D), lambda i: (0, 0)),
            pl.BlockSpec((D, 1), lambda i: (0, 0)),
            pl.BlockSpec((1, 1), lambda i: (0, 0)),
        ],
        out_specs=pl.BlockSpec((1, 1), lambda i: (0, 0)),
        out_shape=jax.ShapeDtypeStruct((1, 1), jnp.float32),
        scratch_shapes=[pltpu.VMEM((NC, D), jnp.float32)],
    )(agg, g, dinv, b0, b1, wfc1, bfc1, wfc2, bfc2)


@jax.jit
def kernel(x_molecular, edge_index_molecular, x_interaction,
           edge_index_interaction, W_mol, b_mol, W_int, b_int,
           W_fc1, b_fc1, W_fc2, b_fc2):
    ei0 = edge_index_molecular.astype(jnp.int32)
    ei1 = edge_index_interaction.astype(jnp.int32)

    pad = jnp.zeros((E_PAD - E,), jnp.int32)
    padn = jnp.full((E_PAD - E,), N, jnp.int32)
    src_flat = jnp.concatenate([ei0[0], pad, ei1[0] + N, pad + N])
    dst_flat = jnp.concatenate([ei0[1], padn, ei1[1], padn])
    deg_dst = jnp.concatenate([ei0[1], ei1[1]])
    idx_pair = jnp.stack(
        [src_flat.reshape(-1, CH), dst_flat.reshape(-1, CH)], axis=1)

    degp = _sc_deg(deg_dst).reshape(NC, NS, N_PAD)
    dinv = _tc_dinv(degp)

    g = _tc_prescale(x_molecular, x_interaction, W_mol, W_int, dinv)
    g_flat = g.reshape(NC * N, D)

    zeros_init = jnp.zeros((N_PAD, D), jnp.float32)
    agg = _sc_agg(g_flat, idx_pair, zeros_init)

    out = _tc_finish(agg.reshape(NC, N_PAD, D), g, dinv,
                     b_mol.reshape(1, D), b_int.reshape(1, D),
                     W_fc1, b_fc1.reshape(1, D),
                     W_fc2, b_fc2.reshape(1, 1))
    return out.reshape(1)

# --- scband reference (transcript-rebuilt; emitter-appended) ---
"""Pipeline reference for scband-dual-gnn-11141145166020 (READ-ONLY COPY).

The authoritative reference and input builder live on the scoring server;
editing this copy changes nothing except your own understanding.
"""

import jax, jax.numpy as jnp
import numpy as np

N_NODES = 10000
N_EDGES = 320000
D_IN = 128
D_HID = 128
N_CLS = 1


def gcn_conv(x, edge_index, W, b):
    N = x.shape[0]
    src = edge_index[0]
    dst = edge_index[1]
    loop = jnp.arange(N, dtype=src.dtype)
    src = jnp.concatenate([src, loop])
    dst = jnp.concatenate([dst, loop])
    h = x @ W
    deg = jnp.zeros((N,), dtype=h.dtype).at[dst].add(1.0)
    dinv = jnp.where(deg > 0, jax.lax.rsqrt(deg), 0.0)
    norm = dinv[src] * dinv[dst]
    msgs = h[src] * norm[:, None]
    out = jnp.zeros_like(h).at[dst].add(msgs)
    return out + b


def setup_inputs(seed: int = 0) -> dict:
    key = jax.random.key(seed)
    ks = jax.random.split(key, 12)
    x_molecular = jax.random.normal(ks[0], (N_NODES, D_IN), dtype=jnp.float32)
    x_interaction = jax.random.normal(ks[1], (N_NODES, D_IN), dtype=jnp.float32)
    edge_index_molecular = jax.random.randint(ks[2], (2, N_EDGES), 0, N_NODES, dtype=jnp.int64)
    edge_index_interaction = jax.random.randint(ks[3], (2, N_EDGES), 0, N_NODES, dtype=jnp.int64)
    s = 1.0 / np.sqrt(D_IN)
    W_mol = jax.random.uniform(ks[4], (D_IN, D_HID), jnp.float32, -s, s)
    b_mol = jnp.zeros((D_HID,), jnp.float32)
    W_int = jax.random.uniform(ks[5], (D_IN, D_HID), jnp.float32, -s, s)
    b_int = jnp.zeros((D_HID,), jnp.float32)
    s1 = 1.0 / np.sqrt(2 * D_HID)
    W_fc1 = jax.random.uniform(ks[6], (2 * D_HID, D_HID), jnp.float32, -s1, s1)
    b_fc1 = jax.random.uniform(ks[7], (D_HID,), jnp.float32, -s1, s1)
    s2 = 1.0 / np.sqrt(D_HID)
    W_fc2 = jax.random.uniform(ks[8], (D_HID, N_CLS), jnp.float32, -s2, s2)
    b_fc2 = jax.random.uniform(ks[9], (N_CLS,), jnp.float32, -s2, s2)
    return {
        "x_molecular": x_molecular,
        "edge_index_molecular": edge_index_molecular,
        "x_interaction": x_interaction,
        "edge_index_interaction": edge_index_interaction,
        "W_mol": W_mol, "b_mol": b_mol,
        "W_int": W_int, "b_int": b_int,
        "W_fc1": W_fc1, "b_fc1": b_fc1,
        "W_fc2": W_fc2, "b_fc2": b_fc2,
    }


def reference(x_molecular, edge_index_molecular, x_interaction, edge_index_interaction,
              W_mol, b_mol, W_int, b_int, W_fc1, b_fc1, W_fc2, b_fc2):
    # dropout is identity in eval mode
    hm = jax.nn.relu(gcn_conv(x_molecular, edge_index_molecular, W_mol, b_mol))
    hm = jnp.mean(hm, axis=0)
    hi = jax.nn.relu(gcn_conv(x_interaction, edge_index_interaction, W_int, b_int))
    hi = jnp.mean(hi, axis=0)
    h = jnp.concatenate([hm, hi], axis=-1)
    h = jax.nn.relu(h @ W_fc1 + b_fc1)
    out = h @ W_fc2 + b_fc2
    return jax.nn.sigmoid(out)

if __name__ == "__main__":
    import jax
    _d = setup_inputs()
    print(jax.jit(kernel)(*tuple(_d.values())))

</pallas_src>

<mosaic_0001>
#map = affine_map<(d0, d1) -> (0)>
module attributes {stable_mosaic.version = 14 : i64} {
  func.func @_sc_deg_body(%arg0: i32, %arg1: i32, %arg2: memref<640000xi32, #tpu.memory_space<hbm>>, %arg3: memref<323584xf32, #tpu.memory_space<hbm>>, %arg4: memref<10112xf32, #tpu.memory_space<vmem>>, %arg5: memref<2000xi32, #tpu.memory_space<vmem>>) attributes {dimension_semantics = [#tpu.dimension_semantics<core_parallel>, #tpu.dimension_semantics<subcore_parallel>], iteration_bounds = array<i64: 2, 16>, scalar_prefetch = 0 : i64, scratch_operands = 2 : i64, tpu.core_type = #tpu.core_type<sc_vector_subcore>, window_params = [{transform_indices = #map}, {transform_indices = #map}]} {
    %scan3A = arith.constant 0 : i32
    %scan3A_0 = arith.constant 632 : i32
    %scan3A_1 = arith.addi %scan3A, %scan3A_0 : i32
    %scan3A_2 = arith.constant 1 : i32
    scf.for %scan3A_18 = %scan3A to %scan3A_1 step %scan3A_2  : i32 {
      %mul3A_19 = arith.constant 1 : i32
      %mul3A_20 = arith.muli %scan3A_18, %mul3A_19 : i32
      %add3A_21 = arith.constant 0 : i32
      %add3A_22 = arith.addi %add3A_21, %mul3A_20 : i32
      %broadcast_in_dim3A_23 = arith.constant 0.000000e+00 : f32
      %broadcast_in_dim3A_24 = vector.broadcast %broadcast_in_dim3A_23 : f32 to vector<16xf32>
      %mul3A_25 = arith.constant 16 : i32
      %mul3A_26 = arith.muli %add3A_22, %mul3A_25 : i32
      %swap3A = arith.index_cast %mul3A_26 : i32 to index
      %swap3A_27 = tpu.vector_load %arg4[%swap3A] {strides = array<i32>} : memref<10112xf32, #tpu.memory_space<vmem>>, vector<16xf32>,
      tpu.vector_store %arg4[%swap3A], %broadcast_in_dim3A_24 {strides = array<i32>} : memref<10112xf32, #tpu.memory_space<vmem>>, vector<16xf32>,
    }
    %scan3A_3 = arith.constant 632 : i32
    %broadcast_in_dim3A = arith.constant 1.000000e+00 : f32
    %broadcast_in_dim3A_4 = vector.broadcast %broadcast_in_dim3A : f32 to vector<16xf32>
    %mul3A = arith.constant 320000 : i32
    %mul3A_5 = arith.muli %arg0, %mul3A : i32
    %mul3A_6 = arith.constant 20000 : i32
    %mul3A_7 = arith.muli %arg1, %mul3A_6 : i32
    %add3A = arith.addi %mul3A_5, %mul3A_7 : i32
    %scan3A_8 = arith.constant 0 : i32
    %scan3A_9 = arith.constant 10 : i32
    %scan3A_10 = arith.addi %scan3A_8, %scan3A_9 : i32
    %scan3A_11 = arith.constant 1 : i32
    scf.for %scan3A_18 = %scan3A_8 to %scan3A_10 step %scan3A_11  : i32 {
      %mul3A_19 = arith.constant 1 : i32
      %mul3A_20 = arith.muli %scan3A_18, %mul3A_19 : i32
      %add3A_21 = arith.constant 0 : i32
      %add3A_22 = arith.addi %add3A_21, %mul3A_20 : i32
      %mul3A_23 = arith.constant 2000 : i32
      %mul3A_24 = arith.muli %add3A_22, %mul3A_23 : i32
      %add3A_25 = arith.addi %add3A, %mul3A_24 : i32
      "tpu.region"() ({
        %run_scoped3A = tpu.sem_alloc : memref<!tpu.dma_semaphore, #tpu.memory_space<semaphore_mem>>
        %dma_start3A = tpu.memref_slice %arg2[%add3A_25] : memref<640000xi32, #tpu.memory_space<hbm>> -> memref<2000xi32, #tpu.memory_space<hbm>>
        %dma_start3A_31 = tpu.memref_slice %arg2[%add3A_25] : memref<640000xi32, #tpu.memory_space<hbm>> -> memref<2000xi32, #tpu.memory_space<hbm>>
        tpu.enqueue_dma source(%dma_start3A_31 : memref<2000xi32, #tpu.memory_space<hbm>>) target(%arg5 : memref<2000xi32, #tpu.memory_space<vmem>>) target_semaphore(%run_scoped3A : memref<!tpu.dma_semaphore, #tpu.memory_space<semaphore_mem>>)
        %dma_wait3A = tpu.memref_slice %arg2[%add3A_25] : memref<640000xi32, #tpu.memory_space<hbm>> -> memref<2000xi32, #tpu.memory_space<hbm>>
        %dma_wait3A_32 = tpu.memref_slice %arg2[%add3A_25] : memref<640000xi32, #tpu.memory_space<hbm>> -> memref<2000xi32, #tpu.memory_space<hbm>>
        tpu.wait_dma2 semaphore(%run_scoped3A : memref<!tpu.dma_semaphore, #tpu.memory_space<semaphore_mem>>) src(%dma_wait3A_32 : memref<2000xi32, #tpu.memory_space<hbm>>) dst(%arg5 : memref<2000xi32, #tpu.memory_space<vmem>>)
        tpu.yield
      }) : () -> ()
      %scan3A_26 = arith.constant 0 : i32
      %scan3A_27 = arith.constant 125 : i32
      %scan3A_28 = arith.addi %scan3A_26, %scan3A_27 : i32
      %scan3A_29 = arith.constant 1 : i32
      scf.for %scan3A_31 = %scan3A_26 to %scan3A_28 step %scan3A_29  : i32 {
        %mul3A_32 = arith.constant 1 : i32
        %mul3A_33 = arith.muli %scan3A_31, %mul3A_32 : i32
        %add3A_34 = arith.constant 0 : i32
        %add3A_35 = arith.addi %add3A_34, %mul3A_33 : i32
        %mul3A_36 = arith.constant 16 : i32
        %mul3A_37 = arith.muli %add3A_35, %mul3A_36 : i32
        %get3A = arith.index_cast %mul3A_37 : i32 to index
        %get3A_38 = tpu.vector_load %arg5[%get3A] {strides = array<i32>} : memref<2000xi32, #tpu.memory_space<vmem>>, vector<16xi32>,
        tpu.vector_store_idx %arg4[%get3A_38], %broadcast_in_dim3A_4 {add = true} : memref<10112xf32, #tpu.memory_space<vmem>>[vector<16xi32>], vector<16xf32>,
      }
      %scan3A_30 = arith.constant 125 : i32
    }
    %scan3A_12 = arith.constant 10 : i32
    %mul3A_13 = arith.constant 16 : i32
    %mul3A_14 = arith.muli %arg0, %mul3A_13 : i32
    %add3A_15 = arith.addi %mul3A_14, %arg1 : i32
    %mul3A_16 = arith.constant 10112 : i32
    %mul3A_17 = arith.muli %add3A_15, %mul3A_16 : i32
    "tpu.region"() ({
      %run_scoped3A = tpu.sem_alloc : memref<!tpu.dma_semaphore, #tpu.memory_space<semaphore_mem>>
      %dma_start3A = tpu.memref_slice %arg3[%mul3A_17] : memref<323584xf32, #tpu.memory_space<hbm>> -> memref<10112xf32, #tpu.memory_space<hbm>>
      %dma_start3A_18 = tpu.memref_slice %arg3[%mul3A_17] : memref<323584xf32, #tpu.memory_space<hbm>> -> memref<10112xf32, #tpu.memory_space<hbm>>
      tpu.enqueue_dma source(%arg4 : memref<10112xf32, #tpu.memory_space<vmem>>) target(%dma_start3A_18 : memref<10112xf32, #tpu.memory_space<hbm>>) target_semaphore(%run_scoped3A : memref<!tpu.dma_semaphore, #tpu.memory_space<semaphore_mem>>)
      %dma_wait3A = tpu.memref_slice %arg3[%mul3A_17] : memref<323584xf32, #tpu.memory_space<hbm>> -> memref<10112xf32, #tpu.memory_space<hbm>>
      %dma_wait3A_19 = tpu.memref_slice %arg3[%mul3A_17] : memref<323584xf32, #tpu.memory_space<hbm>> -> memref<10112xf32, #tpu.memory_space<hbm>>
      tpu.wait_dma2 semaphore(%run_scoped3A : memref<!tpu.dma_semaphore, #tpu.memory_space<semaphore_mem>>) src(%arg4 : memref<10112xf32, #tpu.memory_space<vmem>>) dst(%dma_wait3A_19 : memref<10112xf32, #tpu.memory_space<hbm>>)
      tpu.yield
    }) : () -> ()
    return
  }
}

#map = affine_map<(d0, d1) -> (0, 0)>
#map1 = affine_map<(d0, d1) -> (0, 0, 0)>
module attributes {stable_mosaic.version = 14 : i64} {
  func.func @_sc_agg_body(%arg0: i32, %arg1: i32, %arg2: memref<20000x128xf32, #tpu.memory_space<hbm>>, %arg3: memref<7296x2x88xi32, #tpu.memory_space<hbm>>, %arg4: memref<10112x128xf32, #tpu.memory_space<hbm>>, %arg5: memref<20224x128xf32, #tpu.memory_space<hbm>>, %arg6: memref<10112x128xf32, #tpu.memory_space<vmem_shared>>, %arg7: memref<6x2x88xi32, #tpu.memory_space<vmem>>, %arg8: memref<4x88x128xf32, #tpu.memory_space<vmem>>, %arg9: memref<!tpu.dma_semaphore, #tpu.memory_space<semaphore_mem>>, %arg10: memref<!tpu.dma_semaphore, #tpu.memory_space<semaphore_mem>>, %arg11: memref<!tpu.dma_semaphore, #tpu.memory_space<semaphore_mem>>, %arg12: memref<!tpu.dma_semaphore, #tpu.memory_space<semaphore_mem>>, %arg13: memref<!tpu.dma_semaphore, #tpu.memory_space<semaphore_mem>>, %arg14: memref<!tpu.dma_semaphore, #tpu.memory_space<semaphore_mem>>) attributes {dimension_semantics = [#tpu.dimension_semantics<core_parallel>, #tpu.dimension_semantics<subcore_parallel>], iteration_bounds = array<i64: 2, 16>, scalar_prefetch = 0 : i64, scratch_operands = 9 : i64, tpu.core_type = #tpu.core_type<sc_vector_subcore>, window_params = [{transform_indices = #map}, {transform_indices = #map1}, {transform_indices = #map}, {transform_indices = #map}]} {
    %mul3A = arith.constant 16 : i32
    %mul3A_0 = arith.muli %arg0, %mul3A : i32
    %add3A = arith.addi %mul3A_0, %arg1 : i32
    %mul3A_1 = arith.constant 632 : i32
    %mul3A_2 = arith.muli %arg1, %mul3A_1 : i32
    "tpu.region"() ({
      %run_scoped3A_201 = tpu.sem_alloc : memref<!tpu.dma_semaphore, #tpu.memory_space<semaphore_mem>>
      %dma_start3A_202 = arith.constant 0 : i32
      %dma_start3A_203 = tpu.memref_slice %arg6[%mul3A_2, %dma_start3A_202] : memref<10112x128xf32, #tpu.memory_space<vmem_shared>> -> memref<632x128xf32, #tpu.memory_space<vmem_shared>>
      %dma_start3A_204 = arith.constant 0 : i32
      %dma_start3A_205 = tpu.memref_slice %arg4[%mul3A_2, %dma_start3A_204] : memref<10112x128xf32, #tpu.memory_space<hbm>> -> memref<632x128xf32, #tpu.memory_space<hbm>>
      tpu.enqueue_dma source(%dma_start3A_205 : memref<632x128xf32, #tpu.memory_space<hbm>>) target(%dma_start3A_203 : memref<632x128xf32, #tpu.memory_space<vmem_shared>>) target_semaphore(%run_scoped3A_201 : memref<!tpu.dma_semaphore, #tpu.memory_space<semaphore_mem>>)
      %dma_wait3A_206 = arith.constant 0 : i32
      %dma_wait3A_207 = tpu.memref_slice %arg6[%mul3A_2, %dma_wait3A_206] : memref<10112x128xf32, #tpu.memory_space<vmem_shared>> -> memref<632x128xf32, #tpu.memory_space<vmem_shared>>
      %dma_wait3A_208 = arith.constant 0 : i32
      %dma_wait3A_209 = tpu.memref_slice %arg4[%mul3A_2, %dma_wait3A_208] : memref<10112x128xf32, #tpu.memory_space<hbm>> -> memref<632x128xf32, #tpu.memory_space<hbm>>
      tpu.wait_dma2 semaphore(%run_scoped3A_201 : memref<!tpu.dma_semaphore, #tpu.memory_space<semaphore_mem>>) src(%dma_wait3A_209 : memref<632x128xf32, #tpu.memory_space<hbm>>) dst(%dma_wait3A_207 : memref<632x128xf32, #tpu.memory_space<vmem_shared>>)
      tpu.yield
    }) : () -> ()
    %mul3A_3 = arith.constant 228 : i32
    %mul3A_4 = arith.muli %add3A, %mul3A_3 : i32
    %run_scoped3A = arith.constant 0 : i32
    "tpu.region"() ({
      %run_scoped3A_201 = tpu.sem_alloc : memref<!tpu.dma_semaphore, #tpu.memory_space<semaphore_mem>>
      %dma_start3A_202 = arith.constant 0 : i32
      %dma_start3A_203 = arith.constant 0 : i32
      %dma_start3A_204 = tpu.memref_slice %arg7[%run_scoped3A, %dma_start3A_202, %dma_start3A_203] : memref<6x2x88xi32, #tpu.memory_space<vmem>> -> memref<1x2x88xi32, #tpu.memory_space<vmem>>
      %dma_start3A_205 = tpu.memref_squeeze %dma_start3A_204 : memref<1x2x88xi32, #tpu.memory_space<vmem>> -> memref<2x88xi32, #tpu.memory_space<vmem>>
      %dma_start3A_206 = arith.constant 0 : i32
      %dma_start3A_207 = arith.constant 0 : i32
      %dma_start3A_208 = tpu.memref_slice %arg3[%mul3A_4, %dma_start3A_206, %dma_start3A_207] : memref<7296x2x88xi32, #tpu.memory_space<hbm>> -> memref<1x2x88xi32, #tpu.memory_space<hbm>>
      %dma_start3A_209 = tpu.memref_squeeze %dma_start3A_208 : memref<1x2x88xi32, #tpu.memory_space<hbm>> -> memref<2x88xi32, #tpu.memory_space<hbm>>
      %dma_start3A_210 = arith.constant 0 : i32
      %dma_start3A_211 = arith.constant 0 : i32
      %dma_start3A_212 = tpu.memref_slice %arg7[%run_scoped3A, %dma_start3A_210, %dma_start3A_211] : memref<6x2x88xi32, #tpu.memory_space<vmem>> -> memref<1x2x88xi32, #tpu.memory_space<vmem>>
      %dma_start3A_213 = tpu.memref_squeeze %dma_start3A_212 : memref<1x2x88xi32, #tpu.memory_space<vmem>> -> memref<2x88xi32, #tpu.memory_space<vmem>>
      %dma_start3A_214 = arith.constant 0 : i32
      %dma_start3A_215 = arith.constant 0 : i32
      %dma_start3A_216 = tpu.memref_slice %arg3[%mul3A_4, %dma_start3A_214, %dma_start3A_215] : memref<7296x2x88xi32, #tpu.memory_space<hbm>> -> memref<1x2x88xi32, #tpu.memory_space<hbm>>
      %dma_start3A_217 = tpu.memref_squeeze %dma_start3A_216 : memref<1x2x88xi32, #tpu.memory_space<hbm>> -> memref<2x88xi32, #tpu.memory_space<hbm>>
      tpu.enqueue_dma source(%dma_start3A_217 : memref<2x88xi32, #tpu.memory_space<hbm>>) target(%dma_start3A_213 : memref<2x88xi32, #tpu.memory_space<vmem>>) target_semaphore(%run_scoped3A_201 : memref<!tpu.dma_semaphore, #tpu.memory_space<semaphore_mem>>)
      %dma_wait3A_218 = arith.constant 0 : i32
      %dma_wait3A_219 = arith.constant 0 : i32
      %dma_wait3A_220 = tpu.memref_slice %arg7[%run_scoped3A, %dma_wait3A_218, %dma_wait3A_219] : memref<6x2x88xi32, #tpu.memory_space<vmem>> -> memref<1x2x88xi32, #tpu.memory_space<vmem>>
      %dma_wait3A_221 = tpu.memref_squeeze %dma_wait3A_220 : memref<1x2x88xi32, #tpu.memory_space<vmem>> -> memref<2x88xi32, #tpu.memory_space<vmem>>
      %dma_wait3A_222 = arith.constant 0 : i32
      %dma_wait3A_223 = arith.constant 0 : i32
      %dma_wait3A_224 = tpu.memref_slice %arg3[%mul3A_4, %dma_wait3A_222, %dma_wait3A_223] : memref<7296x2x88xi32, #tpu.memory_space<hbm>> -> memref<1x2x88xi32, #tpu.memory_space<hbm>>
      %dma_wait3A_225 = tpu.memref_squeeze %dma_wait3A_224 : memref<1x2x88xi32, #tpu.memory_space<hbm>> -> memref<2x88xi32, #tpu.memory_space<hbm>>
      %dma_wait3A_226 = arith.constant 0 : i32
      %dma_wait3A_227 = arith.constant 0 : i32
      %dma_wait3A_228 = tpu.memref_slice %arg7[%run_scoped3A, %dma_wait3A_226, %dma_wait3A_227] : memref<6x2x88xi32, #tpu.memory_space<vmem>> -> memref<1x2x88xi32, #tpu.memory_space<vmem>>
      %dma_wait3A_229 = tpu.memref_squeeze %dma_wait3A_228 : memref<1x2x88xi32, #tpu.memory_space<vmem>> -> memref<2x88xi32, #tpu.memory_space<vmem>>
      %dma_wait3A_230 = arith.constant 0 : i32
      %dma_wait3A_231 = arith.constant 0 : i32
      %dma_wait3A_232 = tpu.memref_slice %arg3[%mul3A_4, %dma_wait3A_230, %dma_wait3A_231] : memref<7296x2x88xi32, #tpu.memory_space<hbm>> -> memref<1x2x88xi32, #tpu.memory_space<hbm>>
      %dma_wait3A_233 = tpu.memref_squeeze %dma_wait3A_232 : memref<1x2x88xi32, #tpu.memory_space<hbm>> -> memref<2x88xi32, #tpu.memory_space<hbm>>
      tpu.wait_dma2 semaphore(%run_scoped3A_201 : memref<!tpu.dma_semaphore, #tpu.memory_space<semaphore_mem>>) src(%dma_wait3A_233 : memref<2x88xi32, #tpu.memory_space<hbm>>) dst(%dma_wait3A_229 : memref<2x88xi32, #tpu.memory_space<vmem>>)
      tpu.yield
    }) : () -> ()
    %add3A_5 = arith.constant 1 : i32
    %add3A_6 = arith.addi %mul3A_4, %add3A_5 : i32
    %dma_start3A = arith.constant 1 : i32
    %dma_start3A_7 = arith.constant 0 : i32
    %dma_start3A_8 = arith.constant 0 : i32
    %dma_start3A_9 = tpu.memref_slice %arg7[%dma_start3A, %dma_start3A_7, %dma_start3A_8] : memref<6x2x88xi32, #tpu.memory_space<vmem>> -> memref<1x2x88xi32, #tpu.memory_space<vmem>>
    %dma_start3A_10 = tpu.memref_squeeze %dma_start3A_9 : memref<1x2x88xi32, #tpu.memory_space<vmem>> -> memref<2x88xi32, #tpu.memory_space<vmem>>
    %dma_start3A_11 = arith.constant 0 : i32
    %dma_start3A_12 = arith.constant 0 : i32
    %dma_start3A_13 = tpu.memref_slice %arg3[%add3A_6, %dma_start3A_11, %dma_start3A_12] : memref<7296x2x88xi32, #tpu.memory_space<hbm>> -> memref<1x2x88xi32, #tpu.memory_space<hbm>>
    %dma_start3A_14 = tpu.memref_squeeze %dma_start3A_13 : memref<1x2x88xi32, #tpu.memory_space<hbm>> -> memref<2x88xi32, #tpu.memory_space<hbm>>
    %dma_start3A_15 = arith.constant 0 : i32
    %dma_start3A_16 = arith.constant 0 : i32
    %dma_start3A_17 = tpu.memref_slice %arg7[%dma_start3A, %dma_start3A_15, %dma_start3A_16] : memref<6x2x88xi32, #tpu.memory_space<vmem>> -> memref<1x2x88xi32, #tpu.memory_space<vmem>>
    %dma_start3A_18 = tpu.memref_squeeze %dma_start3A_17 : memref<1x2x88xi32, #tpu.memory_space<vmem>> -> memref<2x88xi32, #tpu.memory_space<vmem>>
    %dma_start3A_19 = arith.constant 0 : i32
    %dma_start3A_20 = arith.constant 0 : i32
    %dma_start3A_21 = tpu.memref_slice %arg3[%add3A_6, %dma_start3A_19, %dma_start3A_20] : memref<7296x2x88xi32, #tpu.memory_space<hbm>> -> memref<1x2x88xi32, #tpu.memory_space<hbm>>
    %dma_start3A_22 = tpu.memref_squeeze %dma_start3A_21 : memref<1x2x88xi32, #tpu.memory_space<hbm>> -> memref<2x88xi32, #tpu.memory_space<hbm>>
    tpu.enqueue_dma source(%dma_start3A_22 : memref<2x88xi32, #tpu.memory_space<hbm>>) target(%dma_start3A_18 : memref<2x88xi32, #tpu.memory_space<vmem>>) target_semaphore(%arg9 : memref<!tpu.dma_semaphore, #tpu.memory_space<semaphore_mem>>)
    %add3A_23 = arith.constant 2 : i32
    %add3A_24 = arith.addi %mul3A_4, %add3A_23 : i32
    %dma_start3A_25 = arith.constant 2 : i32
    %dma_start3A_26 = arith.constant 0 : i32
    %dma_start3A_27 = arith.constant 0 : i32
    %dma_start3A_28 = tpu.memref_slice %arg7[%dma_start3A_25, %dma_start3A_26, %dma_start3A_27] : memref<6x2x88xi32, #tpu.memory_space<vmem>> -> memref<1x2x88xi32, #tpu.memory_space<vmem>>
    %dma_start3A_29 = tpu.memref_squeeze %dma_start3A_28 : memref<1x2x88xi32, #tpu.memory_space<vmem>> -> memref<2x88xi32, #tpu.memory_space<vmem>>
    %dma_start3A_30 = arith.constant 0 : i32
    %dma_start3A_31 = arith.constant 0 : i32
    %dma_start3A_32 = tpu.memref_slice %arg3[%add3A_24, %dma_start3A_30, %dma_start3A_31] : memref<7296x2x88xi32, #tpu.memory_space<hbm>> -> memref<1x2x88xi32, #tpu.memory_space<hbm>>
    %dma_start3A_33 = tpu.memref_squeeze %dma_start3A_32 : memref<1x2x88xi32, #tpu.memory_space<hbm>> -> memref<2x88xi32, #tpu.memory_space<hbm>>
    %dma_start3A_34 = arith.constant 0 : i32
    %dma_start3A_35 = arith.constant 0 : i32
    %dma_start3A_36 = tpu.memref_slice %arg7[%dma_start3A_25, %dma_start3A_34, %dma_start3A_35] : memref<6x2x88xi32, #tpu.memory_space<vmem>> -> memref<1x2x88xi32, #tpu.memory_space<vmem>>
    %dma_start3A_37 = tpu.memref_squeeze %dma_start3A_36 : memref<1x2x88xi32, #tpu.memory_space<vmem>> -> memref<2x88xi32, #tpu.memory_space<vmem>>
    %dma_start3A_38 = arith.constant 0 : i32
    %dma_start3A_39 = arith.constant 0 : i32
    %dma_start3A_40 = tpu.memref_slice %arg3[%add3A_24, %dma_start3A_38, %dma_start3A_39] : memref<7296x2x88xi32, #tpu.memory_space<hbm>> -> memref<1x2x88xi32, #tpu.memory_space<hbm>>
    %dma_start3A_41 = tpu.memref_squeeze %dma_start3A_40 : memref<1x2x88xi32, #tpu.memory_space<hbm>> -> memref<2x88xi32, #tpu.memory_space<hbm>>
    tpu.enqueue_dma source(%dma_start3A_41 : memref<2x88xi32, #tpu.memory_space<hbm>>) target(%dma_start3A_37 : memref<2x88xi32, #tpu.memory_space<vmem>>) target_semaphore(%arg9 : memref<!tpu.dma_semaphore, #tpu.memory_space<semaphore_mem>>)
    %add3A_42 = arith.constant 3 : i32
    %add3A_43 = arith.addi %mul3A_4, %add3A_42 : i32
    %dma_start3A_44 = arith.constant 3 : i32
    %dma_start3A_45 = arith.constant 0 : i32
    %dma_start3A_46 = arith.constant 0 : i32
    %dma_start3A_47 = tpu.memref_slice %arg7[%dma_start3A_44, %dma_start3A_45, %dma_start3A_46] : memref<6x2x88xi32, #tpu.memory_space<vmem>> -> memref<1x2x88xi32, #tpu.memory_space<vmem>>
    %dma_start3A_48 = tpu.memref_squeeze %dma_start3A_47 : memref<1x2x88xi32, #tpu.memory_space<vmem>> -> memref<2x88xi32, #tpu.memory_space<vmem>>
    %dma_start3A_49 = arith.constant 0 : i32
    %dma_start3A_50 = arith.constant 0 : i32
    %dma_start3A_51 = tpu.memref_slice %arg3[%add3A_43, %dma_start3A_49, %dma_start3A_50] : memref<7296x2x88xi32, #tpu.memory_space<hbm>> -> memref<1x2x88xi32, #tpu.memory_space<hbm>>
    %dma_start3A_52 = tpu.memref_squeeze %dma_start3A_51 : memref<1x2x88xi32, #tpu.memory_space<hbm>> -> memref<2x88xi32, #tpu.memory_space<hbm>>
    %dma_start3A_53 = arith.constant 0 : i32
    %dma_start3A_54 = arith.constant 0 : i32
    %dma_start3A_55 = tpu.memref_slice %arg7[%dma_start3A_44, %dma_start3A_53, %dma_start3A_54] : memref<6x2x88xi32, #tpu.memory_space<vmem>> -> memref<1x2x88xi32, #tpu.memory_space<vmem>>
    %dma_start3A_56 = tpu.memref_squeeze %dma_start3A_55 : memref<1x2x88xi32, #tpu.memory_space<vmem>> -> memref<2x88xi32, #tpu.memory_space<vmem>>
    %dma_start3A_57 = arith.constant 0 : i32
    %dma_start3A_58 = arith.constant 0 : i32
    %dma_start3A_59 = tpu.memref_slice %arg3[%add3A_43, %dma_start3A_57, %dma_start3A_58] : memref<7296x2x88xi32, #tpu.memory_space<hbm>> -> memref<1x2x88xi32, #tpu.memory_space<hbm>>
    %dma_start3A_60 = tpu.memref_squeeze %dma_start3A_59 : memref<1x2x88xi32, #tpu.memory_space<hbm>> -> memref<2x88xi32, #tpu.memory_space<hbm>>
    tpu.enqueue_dma source(%dma_start3A_60 : memref<2x88xi32, #tpu.memory_space<hbm>>) target(%dma_start3A_56 : memref<2x88xi32, #tpu.memory_space<vmem>>) target_semaphore(%arg9 : memref<!tpu.dma_semaphore, #tpu.memory_space<semaphore_mem>>)
    %barrier3A = arith.constant 0 : index
    tpu.barrier barrier_id(%barrier3A)
    %dma_start3A_61 = arith.constant 0 : i32
    %dma_start3A_62 = arith.constant 0 : i32
    %dma_start3A_63 = arith.constant 0 : i32
    %dma_start3A_64 = arith.constant 0 : i32
    %dma_start3A_65 = arith.constant 0 : i32
    %dma_start3A_66 = tpu.memref_slice %arg8[%dma_start3A_63, %dma_start3A_64, %dma_start3A_65] : memref<4x88x128xf32, #tpu.memory_space<vmem>> -> memref<1x88x128xf32, #tpu.memory_space<vmem>>
    %dma_start3A_67 = tpu.memref_squeeze %dma_start3A_66 : memref<1x88x128xf32, #tpu.memory_space<vmem>> -> memref<88x128xf32, #tpu.memory_space<vmem>>
    %dma_start3A_68 = arith.constant 0 : i32
    %dma_start3A_69 = tpu.memref_slice %arg7[%dma_start3A_61, %dma_start3A_62, %dma_start3A_68] : memref<6x2x88xi32, #tpu.memory_space<vmem>> -> memref<1x1x88xi32, #tpu.memory_space<vmem>>
    %dma_start3A_70 = tpu.memref_squeeze %dma_start3A_69 : memref<1x1x88xi32, #tpu.memory_space<vmem>> -> memref<88xi32, #tpu.memory_space<vmem>>
    %dma_start3A_71 = arith.constant 0 : i32
    %dma_start3A_72 = arith.constant 0 : i32
    %dma_start3A_73 = tpu.memref_slice %arg2[%dma_start3A_71, %dma_start3A_72] : memref<20000x128xf32, #tpu.memory_space<hbm>> -> memref<20000x128xf32, #tpu.memory_space<hbm>>
    tpu.enqueue_indirect_dma source(%dma_start3A_73 : memref<20000x128xf32, #tpu.memory_space<hbm>>) target(%dma_start3A_67 : memref<88x128xf32, #tpu.memory_space<vmem>>) offsets(%dma_start3A_70 : memref<88xi32, #tpu.memory_space<vmem>>) semaphore(%arg10 : memref<!tpu.dma_semaphore, #tpu.memory_space<semaphore_mem>>)
    %dma_wait3A = arith.constant 1 : i32
    %dma_wait3A_74 = arith.constant 0 : i32
    %dma_wait3A_75 = arith.constant 0 : i32
    %dma_wait3A_76 = tpu.memref_slice %arg7[%dma_wait3A, %dma_wait3A_74, %dma_wait3A_75] : memref<6x2x88xi32, #tpu.memory_space<vmem>> -> memref<1x2x88xi32, #tpu.memory_space<vmem>>
    %dma_wait3A_77 = tpu.memref_squeeze %dma_wait3A_76 : memref<1x2x88xi32, #tpu.memory_space<vmem>> -> memref<2x88xi32, #tpu.memory_space<vmem>>
    %dma_wait3A_78 = arith.constant 0 : i32
    %dma_wait3A_79 = arith.constant 0 : i32
    %dma_wait3A_80 = tpu.memref_slice %arg3[%mul3A_4, %dma_wait3A_78, %dma_wait3A_79] : memref<7296x2x88xi32, #tpu.memory_space<hbm>> -> memref<1x2x88xi32, #tpu.memory_space<hbm>>
    %dma_wait3A_81 = tpu.memref_squeeze %dma_wait3A_80 : memref<1x2x88xi32, #tpu.memory_space<hbm>> -> memref<2x88xi32, #tpu.memory_space<hbm>>
    %dma_wait3A_82 = arith.constant 0 : i32
    %dma_wait3A_83 = arith.constant 0 : i32
    %dma_wait3A_84 = tpu.memref_slice %arg7[%dma_wait3A, %dma_wait3A_82, %dma_wait3A_83] : memref<6x2x88xi32, #tpu.memory_space<vmem>> -> memref<1x2x88xi32, #tpu.memory_space<vmem>>
    %dma_wait3A_85 = tpu.memref_squeeze %dma_wait3A_84 : memref<1x2x88xi32, #tpu.memory_space<vmem>> -> memref<2x88xi32, #tpu.memory_space<vmem>>
    %dma_wait3A_86 = arith.constant 0 : i32
    %dma_wait3A_87 = arith.constant 0 : i32
    %dma_wait3A_88 = tpu.memref_slice %arg3[%mul3A_4, %dma_wait3A_86, %dma_wait3A_87] : memref<7296x2x88xi32, #tpu.memory_space<hbm>> -> memref<1x2x88xi32, #tpu.memory_space<hbm>>
    %dma_wait3A_89 = tpu.memref_squeeze %dma_wait3A_88 : memref<1x2x88xi32, #tpu.memory_space<hbm>> -> memref<2x88xi32, #tpu.memory_space<hbm>>
    tpu.wait_dma2 semaphore(%arg9 : memref<!tpu.dma_semaphore, #tpu.memory_space<semaphore_mem>>) src(%dma_wait3A_89 : memref<2x88xi32, #tpu.memory_space<hbm>>) dst(%dma_wait3A_85 : memref<2x88xi32, #tpu.memory_space<vmem>>)
    %dma_start3A_90 = arith.constant 1 : i32
    %dma_start3A_91 = arith.constant 0 : i32
    %dma_start3A_92 = arith.constant 1 : i32
    %dma_start3A_93 = arith.constant 0 : i32
    %dma_start3A_94 = arith.constant 0 : i32
    %dma_start3A_95 = tpu.memref_slice %arg8[%dma_start3A_92, %dma_start3A_93, %dma_start3A_94] : memref<4x88x128xf32, #tpu.memory_space<vmem>> -> memref<1x88x128xf32, #tpu.memory_space<vmem>>
    %dma_start3A_96 = tpu.memref_squeeze %dma_start3A_95 : memref<1x88x128xf32, #tpu.memory_space<vmem>> -> memref<88x128xf32, #tpu.memory_space<vmem>>
    %dma_start3A_97 = arith.constant 0 : i32
    %dma_start3A_98 = tpu.memref_slice %arg7[%dma_start3A_90, %dma_start3A_91, %dma_start3A_97] : memref<6x2x88xi32, #tpu.memory_space<vmem>> -> memref<1x1x88xi32, #tpu.memory_space<vmem>>
    %dma_start3A_99 = tpu.memref_squeeze %dma_start3A_98 : memref<1x1x88xi32, #tpu.memory_space<vmem>> -> memref<88xi32, #tpu.memory_space<vmem>>
    %dma_start3A_100 = arith.constant 0 : i32
    %dma_start3A_101 = arith.constant 0 : i32
    %dma_start3A_102 = tpu.memref_slice %arg2[%dma_start3A_100, %dma_start3A_101] : memref<20000x128xf32, #tpu.memory_space<hbm>> -> memref<20000x128xf32, #tpu.memory_space<hbm>>
    tpu.enqueue_indirect_dma source(%dma_start3A_102 : memref<20000x128xf32, #tpu.memory_space<hbm>>) target(%dma_start3A_96 : memref<88x128xf32, #tpu.memory_space<vmem>>) offsets(%dma_start3A_99 : memref<88xi32, #tpu.memory_space<vmem>>) semaphore(%arg10 : memref<!tpu.dma_semaphore, #tpu.memory_space<semaphore_mem>>)
    %dma_wait3A_103 = arith.constant 2 : i32
    %dma_wait3A_104 = arith.constant 0 : i32
    %dma_wait3A_105 = arith.constant 0 : i32
    %dma_wait3A_106 = tpu.memref_slice %arg7[%dma_wait3A_103, %dma_wait3A_104, %dma_wait3A_105] : memref<6x2x88xi32, #tpu.memory_space<vmem>> -> memref<1x2x88xi32, #tpu.memory_space<vmem>>
    %dma_wait3A_107 = tpu.memref_squeeze %dma_wait3A_106 : memref<1x2x88xi32, #tpu.memory_space<vmem>> -> memref<2x88xi32, #tpu.memory_space<vmem>>
    %dma_wait3A_108 = arith.constant 0 : i32
    %dma_wait3A_109 = arith.constant 0 : i32
    %dma_wait3A_110 = tpu.memref_slice %arg3[%mul3A_4, %dma_wait3A_108, %dma_wait3A_109] : memref<7296x2x88xi32, #tpu.memory_space<hbm>> -> memref<1x2x88xi32, #tpu.memory_space<hbm>>
    %dma_wait3A_111 = tpu.memref_squeeze %dma_wait3A_110 : memref<1x2x88xi32, #tpu.memory_space<hbm>> -> memref<2x88xi32, #tpu.memory_space<hbm>>
    %dma_wait3A_112 = arith.constant 0 : i32
    %dma_wait3A_113 = arith.constant 0 : i32
    %dma_wait3A_114 = tpu.memref_slice %arg7[%dma_wait3A_103, %dma_wait3A_112, %dma_wait3A_113] : memref<6x2x88xi32, #tpu.memory_space<vmem>> -> memref<1x2x88xi32, #tpu.memory_space<vmem>>
    %dma_wait3A_115 = tpu.memref_squeeze %dma_wait3A_114 : memref<1x2x88xi32, #tpu.memory_space<vmem>> -> memref<2x88xi32, #tpu.memory_space<vmem>>
    %dma_wait3A_116 = arith.constant 0 : i32
    %dma_wait3A_117 = arith.constant 0 : i32
    %dma_wait3A_118 = tpu.memref_slice %arg3[%mul3A_4, %dma_wait3A_116, %dma_wait3A_117] : memref<7296x2x88xi32, #tpu.memory_space<hbm>> -> memref<1x2x88xi32, #tpu.memory_space<hbm>>
    %dma_wait3A_119 = tpu.memref_squeeze %dma_wait3A_118 : memref<1x2x88xi32, #tpu.memory_space<hbm>> -> memref<2x88xi32, #tpu.memory_space<hbm>>
    tpu.wait_dma2 semaphore(%arg9 : memref<!tpu.dma_semaphore, #tpu.memory_space<semaphore_mem>>) src(%dma_wait3A_119 : memref<2x88xi32, #tpu.memory_space<hbm>>) dst(%dma_wait3A_115 : memref<2x88xi32, #tpu.memory_space<vmem>>)
    %dma_start3A_120 = arith.constant 2 : i32
    %dma_start3A_121 = arith.constant 0 : i32
    %dma_start3A_122 = arith.constant 2 : i32
    %dma_start3A_123 = arith.constant 0 : i32
    %dma_start3A_124 = arith.constant 0 : i32
    %dma_start3A_125 = tpu.memref_slice %arg8[%dma_start3A_122, %dma_start3A_123, %dma_start3A_124] : memref<4x88x128xf32, #tpu.memory_space<vmem>> -> memref<1x88x128xf32, #tpu.memory_space<vmem>>
    %dma_start3A_126 = tpu.memref_squeeze %dma_start3A_125 : memref<1x88x128xf32, #tpu.memory_space<vmem>> -> memref<88x128xf32, #tpu.memory_space<vmem>>
    %dma_start3A_127 = arith.constant 0 : i32
    %dma_start3A_128 = tpu.memref_slice %arg7[%dma_start3A_120, %dma_start3A_121, %dma_start3A_127] : memref<6x2x88xi32, #tpu.memory_space<vmem>> -> memref<1x1x88xi32, #tpu.memory_space<vmem>>
    %dma_start3A_129 = tpu.memref_squeeze %dma_start3A_128 : memref<1x1x88xi32, #tpu.memory_space<vmem>> -> memref<88xi32, #tpu.memory_space<vmem>>
    %dma_start3A_130 = arith.constant 0 : i32
    %dma_start3A_131 = arith.constant 0 : i32
    %dma_start3A_132 = tpu.memref_slice %arg2[%dma_start3A_130, %dma_start3A_131] : memref<20000x128xf32, #tpu.memory_space<hbm>> -> memref<20000x128xf32, #tpu.memory_space<hbm>>
    tpu.enqueue_indirect_dma source(%dma_start3A_132 : memref<20000x128xf32, #tpu.memory_space<hbm>>) target(%dma_start3A_126 : memref<88x128xf32, #tpu.memory_space<vmem>>) offsets(%dma_start3A_129 : memref<88xi32, #tpu.memory_space<vmem>>) semaphore(%arg10 : memref<!tpu.dma_semaphore, #tpu.memory_space<semaphore_mem>>)
    %scan3A = arith.constant 0 : i32
    %scan3A_133 = arith.constant 19 : i32
    %scan3A_134 = arith.addi %scan3A, %scan3A_133 : i32
    %scan3A_135 = arith.constant 1 : i32
    scf.for %scan3A_201 = %scan3A to %scan3A_134 step %scan3A_135  : i32 {
      %mul3A_202 = arith.constant 12 : i32
      %mul3A_203 = arith.muli %scan3A_201, %mul3A_202 : i32
      %add3A_204 = arith.constant 0 : i32
      %add3A_205 = arith.addi %add3A_204, %mul3A_203 : i32
      %add3A_206 = arith.constant 0 : i32
      %add3A_207 = arith.addi %add3A_205, %add3A_206 : i32
      %add3A_208 = arith.constant 3 : i32
      %add3A_209 = arith.addi %add3A_207, %add3A_208 : i32
      %lt3A = arith.constant 228 : i32
      %lt3A_210 = arith.cmpi slt, %add3A_209, %lt3A : i32
      %convert_element_type3A = arith.extui %lt3A_210 : i1 to i32
      %cond3A = arith.constant 0 : i32
      %cond3A_211 = arith.cmpi ne, %convert_element_type3A, %cond3A : i32
      scf.if %cond3A_211 {
        %dma_wait3A_623 = arith.constant 3 : i32
        %dma_wait3A_624 = arith.constant 0 : i32
        %dma_wait3A_625 = arith.constant 0 : i32
        %dma_wait3A_626 = tpu.memref_slice %arg7[%dma_wait3A_623, %dma_wait3A_624, %dma_wait3A_625] : memref<6x2x88xi32, #tpu.memory_space<vmem>> -> memref<1x2x88xi32, #tpu.memory_space<vmem>>
        %dma_wait3A_627 = tpu.memref_squeeze %dma_wait3A_626 : memref<1x2x88xi32, #tpu.memory_space<vmem>> -> memref<2x88xi32, #tpu.memory_space<vmem>>
        %dma_wait3A_628 = arith.constant 0 : i32
        %dma_wait3A_629 = arith.constant 0 : i32
        %dma_wait3A_630 = tpu.memref_slice %arg3[%mul3A_4, %dma_wait3A_628, %dma_wait3A_629] : memref<7296x2x88xi32, #tpu.memory_space<hbm>> -> memref<1x2x88xi32, #tpu.memory_space<hbm>>
        %dma_wait3A_631 = tpu.memref_squeeze %dma_wait3A_630 : memref<1x2x88xi32, #tpu.memory_space<hbm>> -> memref<2x88xi32, #tpu.memory_space<hbm>>
        %dma_wait3A_632 = arith.constant 0 : i32
        %dma_wait3A_633 = arith.constant 0 : i32
        %dma_wait3A_634 = tpu.memref_slice %arg7[%dma_wait3A_623, %dma_wait3A_632, %dma_wait3A_633] : memref<6x2x88xi32, #tpu.memory_space<vmem>> -> memref<1x2x88xi32, #tpu.memory_space<vmem>>
        %dma_wait3A_635 = tpu.memref_squeeze %dma_wait3A_634 : memref<1x2x88xi32, #tpu.memory_space<vmem>> -> memref<2x88xi32, #tpu.memory_space<vmem>>
        %dma_wait3A_636 = arith.constant 0 : i32
        %dma_wait3A_637 = arith.constant 0 : i32
        %dma_wait3A_638 = tpu.memref_slice %arg3[%mul3A_4, %dma_wait3A_636, %dma_wait3A_637] : memref<7296x2x88xi32, #tpu.memory_space<hbm>> -> memref<1x2x88xi32, #tpu.memory_space<hbm>>
        %dma_wait3A_639 = tpu.memref_squeeze %dma_wait3A_638 : memref<1x2x88xi32, #tpu.memory_space<hbm>> -> memref<2x88xi32, #tpu.memory_space<hbm>>
        tpu.wait_dma2 semaphore(%arg9 : memref<!tpu.dma_semaphore, #tpu.memory_space<semaphore_mem>>) src(%dma_wait3A_639 : memref<2x88xi32, #tpu.memory_space<hbm>>) dst(%dma_wait3A_635 : memref<2x88xi32, #tpu.memory_space<vmem>>)
        %ge3A = arith.constant 1 : i32
        %ge3A_640 = arith.cmpi sge, %add3A_207, %ge3A : i32
        %convert_element_type3A_641 = arith.extui %ge3A_640 : i1 to i32
        %cond3A_642 = arith.constant 0 : i32
        %cond3A_643 = arith.cmpi ne, %convert_element_type3A_641, %cond3A_642 : i32
        scf.if %cond3A_643 {
          %dma_wait3A_664 = arith.constant 3 : i32
          %dma_wait3A_665 = arith.constant 0 : i32
          %dma_wait3A_666 = arith.constant 0 : i32
          %dma_wait3A_667 = tpu.memref_slice %arg8[%dma_wait3A_664, %dma_wait3A_665, %dma_wait3A_666] : memref<4x88x128xf32, #tpu.memory_space<vmem>> -> memref<1x88x128xf32, #tpu.memory_space<vmem>>
          %dma_wait3A_668 = tpu.memref_squeeze %dma_wait3A_667 : memref<1x88x128xf32, #tpu.memory_space<vmem>> -> memref<88x128xf32, #tpu.memory_space<vmem>>
          %dma_wait3A_669 = arith.constant 0 : i32
          %dma_wait3A_670 = arith.constant 0 : i32
          %dma_wait3A_671 = tpu.memref_slice %arg2[%dma_wait3A_669, %dma_wait3A_670] : memref<20000x128xf32, #tpu.memory_space<hbm>> -> memref<88x128xf32, #tpu.memory_space<hbm>>
          %dma_wait3A_672 = arith.constant 0 : i32
          %dma_wait3A_673 = arith.constant 0 : i32
          %dma_wait3A_674 = tpu.memref_slice %arg8[%dma_wait3A_664, %dma_wait3A_672, %dma_wait3A_673] : memref<4x88x128xf32, #tpu.memory_space<vmem>> -> memref<1x88x128xf32, #tpu.memory_space<vmem>>
          %dma_wait3A_675 = tpu.memref_squeeze %dma_wait3A_674 : memref<1x88x128xf32, #tpu.memory_space<vmem>> -> memref<88x128xf32, #tpu.memory_space<vmem>>
          %dma_wait3A_676 = arith.constant 0 : i32
          %dma_wait3A_677 = arith.constant 0 : i32
          %dma_wait3A_678 = tpu.memref_slice %arg2[%dma_wait3A_676, %dma_wait3A_677] : memref<20000x128xf32, #tpu.memory_space<hbm>> -> memref<88x128xf32, #tpu.memory_space<hbm>>
          tpu.wait_dma2 semaphore(%arg14 : memref<!tpu.dma_semaphore, #tpu.memory_space<semaphore_mem>>) src(%dma_wait3A_678 : memref<88x128xf32, #tpu.memory_space<hbm>>) dst(%dma_wait3A_675 : memref<88x128xf32, #tpu.memory_space<vmem>>)
        } else {
        }
        %add3A_644 = arith.constant 4 : i32
        %add3A_645 = arith.addi %add3A_207, %add3A_644 : i32
        %lt3A_646 = arith.constant 228 : i32
        %lt3A_647 = arith.cmpi slt, %add3A_645, %lt3A_646 : i32
        %convert_element_type3A_648 = arith.extui %lt3A_647 : i1 to i32
        %cond3A_649 = arith.constant 0 : i32
        %cond3A_650 = arith.cmpi ne, %convert_element_type3A_648, %cond3A_649 : i32
        scf.if %cond3A_650 {
          %add3A_664 = arith.addi %mul3A_4, %add3A_207 : i32
          %add3A_665 = arith.constant 4 : i32
          %add3A_666 = arith.addi %add3A_664, %add3A_665 : i32
          %dma_start3A_667 = arith.constant 4 : i32
          %dma_start3A_668 = arith.constant 0 : i32
          %dma_start3A_669 = arith.constant 0 : i32
          %dma_start3A_670 = tpu.memref_slice %arg7[%dma_start3A_667, %dma_start3A_668, %dma_start3A_669] : memref<6x2x88xi32, #tpu.memory_space<vmem>> -> memref<1x2x88xi32, #tpu.memory_space<vmem>>
          %dma_start3A_671 = tpu.memref_squeeze %dma_start3A_670 : memref<1x2x88xi32, #tpu.memory_space<vmem>> -> memref<2x88xi32, #tpu.memory_space<vmem>>
          %dma_start3A_672 = arith.constant 0 : i32
          %dma_start3A_673 = arith.constant 0 : i32
          %dma_start3A_674 = tpu.memref_slice %arg3[%add3A_666, %dma_start3A_672, %dma_start3A_673] : memref<7296x2x88xi32, #tpu.memory_space<hbm>> -> memref<1x2x88xi32, #tpu.memory_space<hbm>>
          %dma_start3A_675 = tpu.memref_squeeze %dma_start3A_674 : memref<1x2x88xi32, #tpu.memory_space<hbm>> -> memref<2x88xi32, #tpu.memory_space<hbm>>
          %dma_start3A_676 = arith.constant 0 : i32
          %dma_start3A_677 = arith.constant 0 : i32
          %dma_start3A_678 = tpu.memref_slice %arg7[%dma_start3A_667, %dma_start3A_676, %dma_start3A_677] : memref<6x2x88xi32, #tpu.memory_space<vmem>> -> memref<1x2x88xi32, #tpu.memory_space<vmem>>
          %dma_start3A_679 = tpu.memref_squeeze %dma_start3A_678 : memref<1x2x88xi32, #tpu.memory_space<vmem>> -> memref<2x88xi32, #tpu.memory_space<vmem>>
          %dma_start3A_680 = arith.constant 0 : i32
          %dma_start3A_681 = arith.constant 0 : i32
          %dma_start3A_682 = tpu.memref_slice %arg3[%add3A_666, %dma_start3A_680, %dma_start3A_681] : memref<7296x2x88xi32, #tpu.memory_space<hbm>> -> memref<1x2x88xi32, #tpu.memory_space<hbm>>
          %dma_start3A_683 = tpu.memref_squeeze %dma_start3A_682 : memref<1x2x88xi32, #tpu.memory_space<hbm>> -> memref<2x88xi32, #tpu.memory_space<hbm>>
          tpu.enqueue_dma source(%dma_start3A_683 : memref<2x88xi32, #tpu.memory_space<hbm>>) target(%dma_start3A_679 : memref<2x88xi32, #tpu.memory_space<vmem>>) target_semaphore(%arg9 : memref<!tpu.dma_semaphore, #tpu.memory_space<semaphore_mem>>)
        } else {
        }
        %dma_start3A_651 = arith.constant 3 : i32
        %dma_start3A_652 = arith.constant 0 : i32
        %dma_start3A_653 = arith.constant 3 : i32
        %dma_start3A_654 = arith.constant 0 : i32
        %dma_start3A_655 = arith.constant 0 : i32
        %dma_start3A_656 = tpu.memref_slice %arg8[%dma_start3A_653, %dma_start3A_654, %dma_start3A_655] : memref<4x88x128xf32, #tpu.memory_space<vmem>> -> memref<1x88x128xf32, #tpu.memory_space<vmem>>
        %dma_start3A_657 = tpu.memref_squeeze %dma_start3A_656 : memref<1x88x128xf32, #tpu.memory_space<vmem>> -> memref<88x128xf32, #tpu.memory_space<vmem>>
        %dma_start3A_658 = arith.constant 0 : i32
        %dma_start3A_659 = tpu.memref_slice %arg7[%dma_start3A_651, %dma_start3A_652, %dma_start3A_658] : memref<6x2x88xi32, #tpu.memory_space<vmem>> -> memref<1x1x88xi32, #tpu.memory_space<vmem>>
        %dma_start3A_660 = tpu.memref_squeeze %dma_start3A_659 : memref<1x1x88xi32, #tpu.memory_space<vmem>> -> memref<88xi32, #tpu.memory_space<vmem>>
        %dma_start3A_661 = arith.constant 0 : i32
        %dma_start3A_662 = arith.constant 0 : i32
        %dma_start3A_663 = tpu.memref_slice %arg2[%dma_start3A_661, %dma_start3A_662] : memref<20000x128xf32, #tpu.memory_space<hbm>> -> memref<20000x128xf32, #tpu.memory_space<hbm>>
        tpu.enqueue_indirect_dma source(%dma_start3A_663 : memref<20000x128xf32, #tpu.memory_space<hbm>>) target(%dma_start3A_657 : memref<88x128xf32, #tpu.memory_space<vmem>>) offsets(%dma_start3A_660 : memref<88xi32, #tpu.memory_space<vmem>>) semaphore(%arg10 : memref<!tpu.dma_semaphore, #tpu.memory_space<semaphore_mem>>)
      } else {
      }
      %dma_wait3A_212 = arith.constant 0 : i32
      %dma_wait3A_213 = arith.constant 0 : i32
      %dma_wait3A_214 = arith.constant 0 : i32
      %dma_wait3A_215 = arith.constant 0 : i32
      %dma_wait3A_216 = arith.constant 0 : i32
      %dma_wait3A_217 = tpu.memref_slice %arg8[%dma_wait3A_214, %dma_wait3A_215, %dma_wait3A_216] : memref<4x88x128xf32, #tpu.memory_space<vmem>> -> memref<1x88x128xf32, #tpu.memory_space<vmem>>
      %dma_wait3A_218 = tpu.memref_squeeze %dma_wait3A_217 : memref<1x88x128xf32, #tpu.memory_space<vmem>> -> memref<88x128xf32, #tpu.memory_space<vmem>>
      %dma_wait3A_219 = arith.constant 0 : i32
      %dma_wait3A_220 = tpu.memref_slice %arg7[%dma_wait3A_212, %dma_wait3A_213, %dma_wait3A_219] : memref<6x2x88xi32, #tpu.memory_space<vmem>> -> memref<1x1x88xi32, #tpu.memory_space<vmem>>
      %dma_wait3A_221 = tpu.memref_squeeze %dma_wait3A_220 : memref<1x1x88xi32, #tpu.memory_space<vmem>> -> memref<88xi32, #tpu.memory_space<vmem>>
      %dma_wait3A_222 = arith.constant 0 : i32
      %dma_wait3A_223 = arith.constant 0 : i32
      %dma_wait3A_224 = tpu.memref_slice %arg2[%dma_wait3A_222, %dma_wait3A_223] : memref<20000x128xf32, #tpu.memory_space<hbm>> -> memref<20000x128xf32, #tpu.memory_space<hbm>>
      tpu.wait_indirect_dma semaphore(%arg10 : memref<!tpu.dma_semaphore, #tpu.memory_space<semaphore_mem>>) src(%dma_wait3A_224 : memref<20000x128xf32, #tpu.memory_space<hbm>>) dst(%dma_wait3A_218 : memref<88x128xf32, #tpu.memory_space<vmem>>)
      %dma_start3A_225 = arith.constant 0 : i32
      %dma_start3A_226 = arith.constant 0 : i32
      %dma_start3A_227 = arith.constant 1 : i32
      %dma_start3A_228 = arith.constant 0 : i32
      %dma_start3A_229 = arith.constant 0 : i32
      %dma_start3A_230 = tpu.memref_slice %arg8[%dma_start3A_225, %dma_start3A_228, %dma_start3A_229] : memref<4x88x128xf32, #tpu.memory_space<vmem>> -> memref<1x88x128xf32, #tpu.memory_space<vmem>>
      %dma_start3A_231 = tpu.memref_squeeze %dma_start3A_230 : memref<1x88x128xf32, #tpu.memory_space<vmem>> -> memref<88x128xf32, #tpu.memory_space<vmem>>
      %dma_start3A_232 = arith.constant 0 : i32
      %dma_start3A_233 = tpu.memref_slice %arg7[%dma_start3A_226, %dma_start3A_227, %dma_start3A_232] : memref<6x2x88xi32, #tpu.memory_space<vmem>> -> memref<1x1x88xi32, #tpu.memory_space<vmem>>
      %dma_start3A_234 = tpu.memref_squeeze %dma_start3A_233 : memref<1x1x88xi32, #tpu.memory_space<vmem>> -> memref<88xi32, #tpu.memory_space<vmem>>
      %dma_start3A_235 = arith.constant 0 : i32
      %dma_start3A_236 = arith.constant 0 : i32
      %dma_start3A_237 = tpu.memref_slice %arg6[%dma_start3A_235, %dma_start3A_236] : memref<10112x128xf32, #tpu.memory_space<vmem_shared>> -> memref<10112x128xf32, #tpu.memory_space<vmem_shared>>
      tpu.enqueue_indirect_dma source(%dma_start3A_231 : memref<88x128xf32, #tpu.memory_space<vmem>>) target(%dma_start3A_237 : memref<10112x128xf32, #tpu.memory_space<vmem_shared>>) offsets(%dma_start3A_234 : memref<88xi32, #tpu.memory_space<vmem>>) semaphore(%arg11 : memref<!tpu.dma_semaphore, #tpu.memory_space<semaphore_mem>>) {add = true}
      %add3A_238 = arith.constant 1 : i32
      %add3A_239 = arith.addi %add3A_205, %add3A_238 : i32
      %add3A_240 = arith.constant 3 : i32
      %add3A_241 = arith.addi %add3A_239, %add3A_240 : i32
      %lt3A_242 = arith.constant 228 : i32
      %lt3A_243 = arith.cmpi slt, %add3A_241, %lt3A_242 : i32
      %convert_element_type3A_244 = arith.extui %lt3A_243 : i1 to i32
      %cond3A_245 = arith.constant 0 : i32
      %cond3A_246 = arith.cmpi ne, %convert_element_type3A_244, %cond3A_245 : i32
      scf.if %cond3A_246 {
        %dma_wait3A_623 = arith.constant 4 : i32
        %dma_wait3A_624 = arith.constant 0 : i32
        %dma_wait3A_625 = arith.constant 0 : i32
        %dma_wait3A_626 = tpu.memref_slice %arg7[%dma_wait3A_623, %dma_wait3A_624, %dma_wait3A_625] : memref<6x2x88xi32, #tpu.memory_space<vmem>> -> memref<1x2x88xi32, #tpu.memory_space<vmem>>
        %dma_wait3A_627 = tpu.memref_squeeze %dma_wait3A_626 : memref<1x2x88xi32, #tpu.memory_space<vmem>> -> memref<2x88xi32, #tpu.memory_space<vmem>>
        %dma_wait3A_628 = arith.constant 0 : i32
        %dma_wait3A_629 = arith.constant 0 : i32
        %dma_wait3A_630 = tpu.memref_slice %arg3[%mul3A_4, %dma_wait3A_628, %dma_wait3A_629] : memref<7296x2x88xi32, #tpu.memory_space<hbm>> -> memref<1x2x88xi32, #tpu.memory_space<hbm>>
        %dma_wait3A_631 = tpu.memref_squeeze %dma_wait3A_630 : memref<1x2x88xi32, #tpu.memory_space<hbm>> -> memref<2x88xi32, #tpu.memory_space<hbm>>
        %dma_wait3A_632 = arith.constant 0 : i32
        %dma_wait3A_633 = arith.constant 0 : i32
        %dma_wait3A_634 = tpu.memref_slice %arg7[%dma_wait3A_623, %dma_wait3A_632, %dma_wait3A_633] : memref<6x2x88xi32, #tpu.memory_space<vmem>> -> memref<1x2x88xi32, #tpu.memory_space<vmem>>
        %dma_wait3A_635 = tpu.memref_squeeze %dma_wait3A_634 : memref<1x2x88xi32, #tpu.memory_space<vmem>> -> memref<2x88xi32, #tpu.memory_space<vmem>>
        %dma_wait3A_636 = arith.constant 0 : i32
        %dma_wait3A_637 = arith.constant 0 : i32
        %dma_wait3A_638 = tpu.memref_slice %arg3[%mul3A_4, %dma_wait3A_636, %dma_wait3A_637] : memref<7296x2x88xi32, #tpu.memory_space<hbm>> -> memref<1x2x88xi32, #tpu.memory_space<hbm>>
        %dma_wait3A_639 = tpu.memref_squeeze %dma_wait3A_638 : memref<1x2x88xi32, #tpu.memory_space<hbm>> -> memref<2x88xi32, #tpu.memory_space<hbm>>
        tpu.wait_dma2 semaphore(%arg9 : memref<!tpu.dma_semaphore, #tpu.memory_space<semaphore_mem>>) src(%dma_wait3A_639 : memref<2x88xi32, #tpu.memory_space<hbm>>) dst(%dma_wait3A_635 : memref<2x88xi32, #tpu.memory_space<vmem>>)
        %ge3A = arith.constant 1 : i32
        %ge3A_640 = arith.cmpi sge, %add3A_239, %ge3A : i32
        %convert_element_type3A_641 = arith.extui %ge3A_640 : i1 to i32
        %cond3A_642 = arith.constant 0 : i32
        %cond3A_643 = arith.cmpi ne, %convert_element_type3A_641, %cond3A_642 : i32
        scf.if %cond3A_643 {
          %dma_wait3A_664 = arith.constant 0 : i32
          %dma_wait3A_665 = arith.constant 0 : i32
          %dma_wait3A_666 = arith.constant 0 : i32
          %dma_wait3A_667 = tpu.memref_slice %arg8[%dma_wait3A_664, %dma_wait3A_665, %dma_wait3A_666] : memref<4x88x128xf32, #tpu.memory_space<vmem>> -> memref<1x88x128xf32, #tpu.memory_space<vmem>>
          %dma_wait3A_668 = tpu.memref_squeeze %dma_wait3A_667 : memref<1x88x128xf32, #tpu.memory_space<vmem>> -> memref<88x128xf32, #tpu.memory_space<vmem>>
          %dma_wait3A_669 = arith.constant 0 : i32
          %dma_wait3A_670 = arith.constant 0 : i32
          %dma_wait3A_671 = tpu.memref_slice %arg2[%dma_wait3A_669, %dma_wait3A_670] : memref<20000x128xf32, #tpu.memory_space<hbm>> -> memref<88x128xf32, #tpu.memory_space<hbm>>
          %dma_wait3A_672 = arith.constant 0 : i32
          %dma_wait3A_673 = arith.constant 0 : i32
          %dma_wait3A_674 = tpu.memref_slice %arg8[%dma_wait3A_664, %dma_wait3A_672, %dma_wait3A_673] : memref<4x88x128xf32, #tpu.memory_space<vmem>> -> memref<1x88x128xf32, #tpu.memory_space<vmem>>
          %dma_wait3A_675 = tpu.memref_squeeze %dma_wait3A_674 : memref<1x88x128xf32, #tpu.memory_space<vmem>> -> memref<88x128xf32, #tpu.memory_space<vmem>>
          %dma_wait3A_676 = arith.constant 0 : i32
          %dma_wait3A_677 = arith.constant 0 : i32
          %dma_wait3A_678 = tpu.memref_slice %arg2[%dma_wait3A_676, %dma_wait3A_677] : memref<20000x128xf32, #tpu.memory_space<hbm>> -> memref<88x128xf32, #tpu.memory_space<hbm>>
          tpu.wait_dma2 semaphore(%arg11 : memref<!tpu.dma_semaphore, #tpu.memory_space<semaphore_mem>>) src(%dma_wait3A_678 : memref<88x128xf32, #tpu.memory_space<hbm>>) dst(%dma_wait3A_675 : memref<88x128xf32, #tpu.memory_space<vmem>>)
        } else {
        }
        %add3A_644 = arith.constant 4 : i32
        %add3A_645 = arith.addi %add3A_239, %add3A_644 : i32
        %lt3A_646 = arith.constant 228 : i32
        %lt3A_647 = arith.cmpi slt, %add3A_645, %lt3A_646 : i32
        %convert_element_type3A_648 = arith.extui %lt3A_647 : i1 to i32
        %cond3A_649 = arith.constant 0 : i32
        %cond3A_650 = arith.cmpi ne, %convert_element_type3A_648, %cond3A_649 : i32
        scf.if %cond3A_650 {
          %add3A_664 = arith.addi %mul3A_4, %add3A_239 : i32
          %add3A_665 = arith.constant 4 : i32
          %add3A_666 = arith.addi %add3A_664, %add3A_665 : i32
          %dma_start3A_667 = arith.constant 5 : i32
          %dma_start3A_668 = arith.constant 0 : i32
          %dma_start3A_669 = arith.constant 0 : i32
          %dma_start3A_670 = tpu.memref_slice %arg7[%dma_start3A_667, %dma_start3A_668, %dma_start3A_669] : memref<6x2x88xi32, #tpu.memory_space<vmem>> -> memref<1x2x88xi32, #tpu.memory_space<vmem>>
          %dma_start3A_671 = tpu.memref_squeeze %dma_start3A_670 : memref<1x2x88xi32, #tpu.memory_space<vmem>> -> memref<2x88xi32, #tpu.memory_space<vmem>>
          %dma_start3A_672 = arith.constant 0 : i32
          %dma_start3A_673 = arith.constant 0 : i32
          %dma_start3A_674 = tpu.memref_slice %arg3[%add3A_666, %dma_start3A_672, %dma_start3A_673] : memref<7296x2x88xi32, #tpu.memory_space<hbm>> -> memref<1x2x88xi32, #tpu.memory_space<hbm>>
          %dma_start3A_675 = tpu.memref_squeeze %dma_start3A_674 : memref<1x2x88xi32, #tpu.memory_space<hbm>> -> memref<2x88xi32, #tpu.memory_space<hbm>>
          %dma_start3A_676 = arith.constant 0 : i32
          %dma_start3A_677 = arith.constant 0 : i32
          %dma_start3A_678 = tpu.memref_slice %arg7[%dma_start3A_667, %dma_start3A_676, %dma_start3A_677] : memref<6x2x88xi32, #tpu.memory_space<vmem>> -> memref<1x2x88xi32, #tpu.memory_space<vmem>>
          %dma_start3A_679 = tpu.memref_squeeze %dma_start3A_678 : memref<1x2x88xi32, #tpu.memory_space<vmem>> -> memref<2x88xi32, #tpu.memory_space<vmem>>
          %dma_start3A_680 = arith.constant 0 : i32
          %dma_start3A_681 = arith.constant 0 : i32
          %dma_start3A_682 = tpu.memref_slice %arg3[%add3A_666, %dma_start3A_680, %dma_start3A_681] : memref<7296x2x88xi32, #tpu.memory_space<hbm>> -> memref<1x2x88xi32, #tpu.memory_space<hbm>>
          %dma_start3A_683 = tpu.memref_squeeze %dma_start3A_682 : memref<1x2x88xi32, #tpu.memory_space<hbm>> -> memref<2x88xi32, #tpu.memory_space<hbm>>
          tpu.enqueue_dma source(%dma_start3A_683 : memref<2x88xi32, #tpu.memory_space<hbm>>) target(%dma_start3A_679 : memref<2x88xi32, #tpu.memory_space<vmem>>) target_semaphore(%arg9 : memref<!tpu.dma_semaphore, #tpu.memory_space<semaphore_mem>>)
        } else {
        }
        %dma_start3A_651 = arith.constant 4 : i32
        %dma_start3A_652 = arith.constant 0 : i32
        %dma_start3A_653 = arith.constant 0 : i32
        %dma_start3A_654 = arith.constant 0 : i32
        %dma_start3A_655 = arith.constant 0 : i32
        %dma_start3A_656 = tpu.memref_slice %arg8[%dma_start3A_653, %dma_start3A_654, %dma_start3A_655] : memref<4x88x128xf32, #tpu.memory_space<vmem>> -> memref<1x88x128xf32, #tpu.memory_space<vmem>>
        %dma_start3A_657 = tpu.memref_squeeze %dma_start3A_656 : memref<1x88x128xf32, #tpu.memory_space<vmem>> -> memref<88x128xf32, #tpu.memory_space<vmem>>
        %dma_start3A_658 = arith.constant 0 : i32
        %dma_start3A_659 = tpu.memref_slice %arg7[%dma_start3A_651, %dma_start3A_652, %dma_start3A_658] : memref<6x2x88xi32, #tpu.memory_space<vmem>> -> memref<1x1x88xi32, #tpu.memory_space<vmem>>
        %dma_start3A_660 = tpu.memref_squeeze %dma_start3A_659 : memref<1x1x88xi32, #tpu.memory_space<vmem>> -> memref<88xi32, #tpu.memory_space<vmem>>
        %dma_start3A_661 = arith.constant 0 : i32
        %dma_start3A_662 = arith.constant 0 : i32
        %dma_start3A_663 = tpu.memref_slice %arg2[%dma_start3A_661, %dma_start3A_662] : memref<20000x128xf32, #tpu.memory_space<hbm>> -> memref<20000x128xf32, #tpu.memory_space<hbm>>
        tpu.enqueue_indirect_dma source(%dma_start3A_663 : memref<20000x128xf32, #tpu.memory_space<hbm>>) target(%dma_start3A_657 : memref<88x128xf32, #tpu.memory_space<vmem>>) offsets(%dma_start3A_660 : memref<88xi32, #tpu.memory_space<vmem>>) semaphore(%arg10 : memref<!tpu.dma_semaphore, #tpu.memory_space<semaphore_mem>>)
      } else {
      }
      %dma_wait3A_247 = arith.constant 1 : i32
      %dma_wait3A_248 = arith.constant 0 : i32
      %dma_wait3A_249 = arith.constant 1 : i32
      %dma_wait3A_250 = arith.constant 0 : i32
      %dma_wait3A_251 = arith.constant 0 : i32
      %dma_wait3A_252 = tpu.memref_slice %arg8[%dma_wait3A_249, %dma_wait3A_250, %dma_wait3A_251] : memref<4x88x128xf32, #tpu.memory_space<vmem>> -> memref<1x88x128xf32, #tpu.memory_space<vmem>>
      %dma_wait3A_253 = tpu.memref_squeeze %dma_wait3A_252 : memref<1x88x128xf32, #tpu.memory_space<vmem>> -> memref<88x128xf32, #tpu.memory_space<vmem>>
      %dma_wait3A_254 = arith.constant 0 : i32
      %dma_wait3A_255 = tpu.memref_slice %arg7[%dma_wait3A_247, %dma_wait3A_248, %dma_wait3A_254] : memref<6x2x88xi32, #tpu.memory_space<vmem>> -> memref<1x1x88xi32, #tpu.memory_space<vmem>>
      %dma_wait3A_256 = tpu.memref_squeeze %dma_wait3A_255 : memref<1x1x88xi32, #tpu.memory_space<vmem>> -> memref<88xi32, #tpu.memory_space<vmem>>
      %dma_wait3A_257 = arith.constant 0 : i32
      %dma_wait3A_258 = arith.constant 0 : i32
      %dma_wait3A_259 = tpu.memref_slice %arg2[%dma_wait3A_257, %dma_wait3A_258] : memref<20000x128xf32, #tpu.memory_space<hbm>> -> memref<20000x128xf32, #tpu.memory_space<hbm>>
      tpu.wait_indirect_dma semaphore(%arg10 : memref<!tpu.dma_semaphore, #tpu.memory_space<semaphore_mem>>) src(%dma_wait3A_259 : memref<20000x128xf32, #tpu.memory_space<hbm>>) dst(%dma_wait3A_253 : memref<88x128xf32, #tpu.memory_space<vmem>>)
      %dma_start3A_260 = arith.constant 1 : i32
      %dma_start3A_261 = arith.constant 1 : i32
      %dma_start3A_262 = arith.constant 1 : i32
      %dma_start3A_263 = arith.constant 0 : i32
      %dma_start3A_264 = arith.constant 0 : i32
      %dma_start3A_265 = tpu.memref_slice %arg8[%dma_start3A_260, %dma_start3A_263, %dma_start3A_264] : memref<4x88x128xf32, #tpu.memory_space<vmem>> -> memref<1x88x128xf32, #tpu.memory_space<vmem>>
      %dma_start3A_266 = tpu.memref_squeeze %dma_start3A_265 : memref<1x88x128xf32, #tpu.memory_space<vmem>> -> memref<88x128xf32, #tpu.memory_space<vmem>>
      %dma_start3A_267 = arith.constant 0 : i32
      %dma_start3A_268 = tpu.memref_slice %arg7[%dma_start3A_261, %dma_start3A_262, %dma_start3A_267] : memref<6x2x88xi32, #tpu.memory_space<vmem>> -> memref<1x1x88xi32, #tpu.memory_space<vmem>>
      %dma_start3A_269 = tpu.memref_squeeze %dma_start3A_268 : memref<1x1x88xi32, #tpu.memory_space<vmem>> -> memref<88xi32, #tpu.memory_space<vmem>>
      %dma_start3A_270 = arith.constant 0 : i32
      %dma_start3A_271 = arith.constant 0 : i32
      %dma_start3A_272 = tpu.memref_slice %arg6[%dma_start3A_270, %dma_start3A_271] : memref<10112x128xf32, #tpu.memory_space<vmem_shared>> -> memref<10112x128xf32, #tpu.memory_space<vmem_shared>>
      tpu.enqueue_indirect_dma source(%dma_start3A_266 : memref<88x128xf32, #tpu.memory_space<vmem>>) target(%dma_start3A_272 : memref<10112x128xf32, #tpu.memory_space<vmem_shared>>) offsets(%dma_start3A_269 : memref<88xi32, #tpu.memory_space<vmem>>) semaphore(%arg12 : memref<!tpu.dma_semaphore, #tpu.memory_space<semaphore_mem>>) {add = true}
      %add3A_273 = arith.constant 2 : i32
      %add3A_274 = arith.addi %add3A_205, %add3A_273 : i32
      %add3A_275 = arith.constant 3 : i32
      %add3A_276 = arith.addi %add3A_274, %add3A_275 : i32
      %lt3A_277 = arith.constant 228 : i32
      %lt3A_278 = arith.cmpi slt, %add3A_276, %lt3A_277 : i32
      %convert_element_type3A_279 = arith.extui %lt3A_278 : i1 to i32
      %cond3A_280 = arith.constant 0 : i32
      %cond3A_281 = arith.cmpi ne, %convert_element_type3A_279, %cond3A_280 : i32
      scf.if %cond3A_281 {
        %dma_wait3A_623 = arith.constant 5 : i32
        %dma_wait3A_624 = arith.constant 0 : i32
        %dma_wait3A_625 = arith.constant 0 : i32
        %dma_wait3A_626 = tpu.memref_slice %arg7[%dma_wait3A_623, %dma_wait3A_624, %dma_wait3A_625] : memref<6x2x88xi32, #tpu.memory_space<vmem>> -> memref<1x2x88xi32, #tpu.memory_space<vmem>>
        %dma_wait3A_627 = tpu.memref_squeeze %dma_wait3A_626 : memref<1x2x88xi32, #tpu.memory_space<vmem>> -> memref<2x88xi32, #tpu.memory_space<vmem>>
        %dma_wait3A_628 = arith.constant 0 : i32
        %dma_wait3A_629 = arith.constant 0 : i32
        %dma_wait3A_630 = tpu.memref_slice %arg3[%mul3A_4, %dma_wait3A_628, %dma_wait3A_629] : memref<7296x2x88xi32, #tpu.memory_space<hbm>> -> memref<1x2x88xi32, #tpu.memory_space<hbm>>
        %dma_wait3A_631 = tpu.memref_squeeze %dma_wait3A_630 : memref<1x2x88xi32, #tpu.memory_space<hbm>> -> memref<2x88xi32, #tpu.memory_space<hbm>>
        %dma_wait3A_632 = arith.constant 0 : i32
        %dma_wait3A_633 = arith.constant 0 : i32
        %dma_wait3A_634 = tpu.memref_slice %arg7[%dma_wait3A_623, %dma_wait3A_632, %dma_wait3A_633] : memref<6x2x88xi32, #tpu.memory_space<vmem>> -> memref<1x2x88xi32, #tpu.memory_space<vmem>>
        %dma_wait3A_635 = tpu.memref_squeeze %dma_wait3A_634 : memref<1x2x88xi32, #tpu.memory_space<vmem>> -> memref<2x88xi32, #tpu.memory_space<vmem>>
        %dma_wait3A_636 = arith.constant 0 : i32
        %dma_wait3A_637 = arith.constant 0 : i32
        %dma_wait3A_638 = tpu.memref_slice %arg3[%mul3A_4, %dma_wait3A_636, %dma_wait3A_637] : memref<7296x2x88xi32, #tpu.memory_space<hbm>> -> memref<1x2x88xi32, #tpu.memory_space<hbm>>
        %dma_wait3A_639 = tpu.memref_squeeze %dma_wait3A_638 : memref<1x2x88xi32, #tpu.memory_space<hbm>> -> memref<2x88xi32, #tpu.memory_space<hbm>>
        tpu.wait_dma2 semaphore(%arg9 : memref<!tpu.dma_semaphore, #tpu.memory_space<semaphore_mem>>) src(%dma_wait3A_639 : memref<2x88xi32, #tpu.memory_space<hbm>>) dst(%dma_wait3A_635 : memref<2x88xi32, #tpu.memory_space<vmem>>)
        %ge3A = arith.constant 1 : i32
        %ge3A_640 = arith.cmpi sge, %add3A_274, %ge3A : i32
        %convert_element_type3A_641 = arith.extui %ge3A_640 : i1 to i32
        %cond3A_642 = arith.constant 0 : i32
        %cond3A_643 = arith.cmpi ne, %convert_element_type3A_641, %cond3A_642 : i32
        scf.if %cond3A_643 {
          %dma_wait3A_664 = arith.constant 1 : i32
          %dma_wait3A_665 = arith.constant 0 : i32
          %dma_wait3A_666 = arith.constant 0 : i32
          %dma_wait3A_667 = tpu.memref_slice %arg8[%dma_wait3A_664, %dma_wait3A_665, %dma_wait3A_666] : memref<4x88x128xf32, #tpu.memory_space<vmem>> -> memref<1x88x128xf32, #tpu.memory_space<vmem>>
          %dma_wait3A_668 = tpu.memref_squeeze %dma_wait3A_667 : memref<1x88x128xf32, #tpu.memory_space<vmem>> -> memref<88x128xf32, #tpu.memory_space<vmem>>
          %dma_wait3A_669 = arith.constant 0 : i32
          %dma_wait3A_670 = arith.constant 0 : i32
          %dma_wait3A_671 = tpu.memref_slice %arg2[%dma_wait3A_669, %dma_wait3A_670] : memref<20000x128xf32, #tpu.memory_space<hbm>> -> memref<88x128xf32, #tpu.memory_space<hbm>>
          %dma_wait3A_672 = arith.constant 0 : i32
          %dma_wait3A_673 = arith.constant 0 : i32
          %dma_wait3A_674 = tpu.memref_slice %arg8[%dma_wait3A_664, %dma_wait3A_672, %dma_wait3A_673] : memref<4x88x128xf32, #tpu.memory_space<vmem>> -> memref<1x88x128xf32, #tpu.memory_space<vmem>>
          %dma_wait3A_675 = tpu.memref_squeeze %dma_wait3A_674 : memref<1x88x128xf32, #tpu.memory_space<vmem>> -> memref<88x128xf32, #tpu.memory_space<vmem>>
          %dma_wait3A_676 = arith.constant 0 : i32
          %dma_wait3A_677 = arith.constant 0 : i32
          %dma_wait3A_678 = tpu.memref_slice %arg2[%dma_wait3A_676, %dma_wait3A_677] : memref<20000x128xf32, #tpu.memory_space<hbm>> -> memref<88x128xf32, #tpu.memory_space<hbm>>
          tpu.wait_dma2 semaphore(%arg12 : memref<!tpu.dma_semaphore, #tpu.memory_space<semaphore_mem>>) src(%dma_wait3A_678 : memref<88x128xf32, #tpu.memory_space<hbm>>) dst(%dma_wait3A_675 : memref<88x128xf32, #tpu.memory_space<vmem>>)
        } else {
        }
        %add3A_644 = arith.constant 4 : i32
        %add3A_645 = arith.addi %add3A_274, %add3A_644 : i32
        %lt3A_646 = arith.constant 228 : i32
        %lt3A_647 = arith.cmpi slt, %add3A_645, %lt3A_646 : i32
        %convert_element_type3A_648 = arith.extui %lt3A_647 : i1 to i32
        %cond3A_649 = arith.constant 0 : i32
        %cond3A_650 = arith.cmpi ne, %convert_element_type3A_648, %cond3A_649 : i32
        scf.if %cond3A_650 {
          %add3A_664 = arith.addi %mul3A_4, %add3A_274 : i32
          %add3A_665 = arith.constant 4 : i32
          %add3A_666 = arith.addi %add3A_664, %add3A_665 : i32
          %dma_start3A_667 = arith.constant 0 : i32
          %dma_start3A_668 = arith.constant 0 : i32
          %dma_start3A_669 = arith.constant 0 : i32
          %dma_start3A_670 = tpu.memref_slice %arg7[%dma_start3A_667, %dma_start3A_668, %dma_start3A_669] : memref<6x2x88xi32, #tpu.memory_space<vmem>> -> memref<1x2x88xi32, #tpu.memory_space<vmem>>
          %dma_start3A_671 = tpu.memref_squeeze %dma_start3A_670 : memref<1x2x88xi32, #tpu.memory_space<vmem>> -> memref<2x88xi32, #tpu.memory_space<vmem>>
          %dma_start3A_672 = arith.constant 0 : i32
          %dma_start3A_673 = arith.constant 0 : i32
          %dma_start3A_674 = tpu.memref_slice %arg3[%add3A_666, %dma_start3A_672, %dma_start3A_673] : memref<7296x2x88xi32, #tpu.memory_space<hbm>> -> memref<1x2x88xi32, #tpu.memory_space<hbm>>
          %dma_start3A_675 = tpu.memref_squeeze %dma_start3A_674 : memref<1x2x88xi32, #tpu.memory_space<hbm>> -> memref<2x88xi32, #tpu.memory_space<hbm>>
          %dma_start3A_676 = arith.constant 0 : i32
          %dma_start3A_677 = arith.constant 0 : i32
          %dma_start3A_678 = tpu.memref_slice %arg7[%dma_start3A_667, %dma_start3A_676, %dma_start3A_677] : memref<6x2x88xi32, #tpu.memory_space<vmem>> -> memref<1x2x88xi32, #tpu.memory_space<vmem>>
          %dma_start3A_679 = tpu.memref_squeeze %dma_start3A_678 : memref<1x2x88xi32, #tpu.memory_space<vmem>> -> memref<2x88xi32, #tpu.memory_space<vmem>>
          %dma_start3A_680 = arith.constant 0 : i32
          %dma_start3A_681 = arith.constant 0 : i32
          %dma_start3A_682 = tpu.memref_slice %arg3[%add3A_666, %dma_start3A_680, %dma_start3A_681] : memref<7296x2x88xi32, #tpu.memory_space<hbm>> -> memref<1x2x88xi32, #tpu.memory_space<hbm>>
          %dma_start3A_683 = tpu.memref_squeeze %dma_start3A_682 : memref<1x2x88xi32, #tpu.memory_space<hbm>> -> memref<2x88xi32, #tpu.memory_space<hbm>>
          tpu.enqueue_dma source(%dma_start3A_683 : memref<2x88xi32, #tpu.memory_space<hbm>>) target(%dma_start3A_679 : memref<2x88xi32, #tpu.memory_space<vmem>>) target_semaphore(%arg9 : memref<!tpu.dma_semaphore, #tpu.memory_space<semaphore_mem>>)
        } else {
        }
        %dma_start3A_651 = arith.constant 5 : i32
        %dma_start3A_652 = arith.constant 0 : i32
        %dma_start3A_653 = arith.constant 1 : i32
        %dma_start3A_654 = arith.constant 0 : i32
        %dma_start3A_655 = arith.constant 0 : i32
        %dma_start3A_656 = tpu.memref_slice %arg8[%dma_start3A_653, %dma_start3A_654, %dma_start3A_655] : memref<4x88x128xf32, #tpu.memory_space<vmem>> -> memref<1x88x128xf32, #tpu.memory_space<vmem>>
        %dma_start3A_657 = tpu.memref_squeeze %dma_start3A_656 : memref<1x88x128xf32, #tpu.memory_space<vmem>> -> memref<88x128xf32, #tpu.memory_space<vmem>>
        %dma_start3A_658 = arith.constant 0 : i32
        %dma_start3A_659 = tpu.memref_slice %arg7[%dma_start3A_651, %dma_start3A_652, %dma_start3A_658] : memref<6x2x88xi32, #tpu.memory_space<vmem>> -> memref<1x1x88xi32, #tpu.memory_space<vmem>>
        %dma_start3A_660 = tpu.memref_squeeze %dma_start3A_659 : memref<1x1x88xi32, #tpu.memory_space<vmem>> -> memref<88xi32, #tpu.memory_space<vmem>>
        %dma_start3A_661 = arith.constant 0 : i32
        %dma_start3A_662 = arith.constant 0 : i32
        %dma_start3A_663 = tpu.memref_slice %arg2[%dma_start3A_661, %dma_start3A_662] : memref<20000x128xf32, #tpu.memory_space<hbm>> -> memref<20000x128xf32, #tpu.memory_space<hbm>>
        tpu.enqueue_indirect_dma source(%dma_start3A_663 : memref<20000x128xf32, #tpu.memory_space<hbm>>) target(%dma_start3A_657 : memref<88x128xf32, #tpu.memory_space<vmem>>) offsets(%dma_start3A_660 : memref<88xi32, #tpu.memory_space<vmem>>) semaphore(%arg10 : memref<!tpu.dma_semaphore, #tpu.memory_space<semaphore_mem>>)
      } else {
      }
      %dma_wait3A_282 = arith.constant 2 : i32
      %dma_wait3A_283 = arith.constant 0 : i32
      %dma_wait3A_284 = arith.constant 2 : i32
      %dma_wait3A_285 = arith.constant 0 : i32
      %dma_wait3A_286 = arith.constant 0 : i32
      %dma_wait3A_287 = tpu.memref_slice %arg8[%dma_wait3A_284, %dma_wait3A_285, %dma_wait3A_286] : memref<4x88x128xf32, #tpu.memory_space<vmem>> -> memref<1x88x128xf32, #tpu.memory_space<vmem>>
      %dma_wait3A_288 = tpu.memref_squeeze %dma_wait3A_287 : memref<1x88x128xf32, #tpu.memory_space<vmem>> -> memref<88x128xf32, #tpu.memory_space<vmem>>
      %dma_wait3A_289 = arith.constant 0 : i32
      %dma_wait3A_290 = tpu.memref_slice %arg7[%dma_wait3A_282, %dma_wait3A_283, %dma_wait3A_289] : memref<6x2x88xi32, #tpu.memory_space<vmem>> -> memref<1x1x88xi32, #tpu.memory_space<vmem>>
      %dma_wait3A_291 = tpu.memref_squeeze %dma_wait3A_290 : memref<1x1x88xi32, #tpu.memory_space<vmem>> -> memref<88xi32, #tpu.memory_space<vmem>>
      %dma_wait3A_292 = arith.constant 0 : i32
      %dma_wait3A_293 = arith.constant 0 : i32
      %dma_wait3A_294 = tpu.memref_slice %arg2[%dma_wait3A_292, %dma_wait3A_293] : memref<20000x128xf32, #tpu.memory_space<hbm>> -> memref<20000x128xf32, #tpu.memory_space<hbm>>
      tpu.wait_indirect_dma semaphore(%arg10 : memref<!tpu.dma_semaphore, #tpu.memory_space<semaphore_mem>>) src(%dma_wait3A_294 : memref<20000x128xf32, #tpu.memory_space<hbm>>) dst(%dma_wait3A_288 : memref<88x128xf32, #tpu.memory_space<vmem>>)
      %dma_start3A_295 = arith.constant 2 : i32
      %dma_start3A_296 = arith.constant 2 : i32
      %dma_start3A_297 = arith.constant 1 : i32
      %dma_start3A_298 = arith.constant 0 : i32
      %dma_start3A_299 = arith.constant 0 : i32
      %dma_start3A_300 = tpu.memref_slice %arg8[%dma_start3A_295, %dma_start3A_298, %dma_start3A_299] : memref<4x88x128xf32, #tpu.memory_space<vmem>> -> memref<1x88x128xf32, #tpu.memory_space<vmem>>
      %dma_start3A_301 = tpu.memref_squeeze %dma_start3A_300 : memref<1x88x128xf32, #tpu.memory_space<vmem>> -> memref<88x128xf32, #tpu.memory_space<vmem>>
      %dma_start3A_302 = arith.constant 0 : i32
      %dma_start3A_303 = tpu.memref_slice %arg7[%dma_start3A_296, %dma_start3A_297, %dma_start3A_302] : memref<6x2x88xi32, #tpu.memory_space<vmem>> -> memref<1x1x88xi32, #tpu.memory_space<vmem>>
      %dma_start3A_304 = tpu.memref_squeeze %dma_start3A_303 : memref<1x1x88xi32, #tpu.memory_space<vmem>> -> memref<88xi32, #tpu.memory_space<vmem>>
      %dma_start3A_305 = arith.constant 0 : i32
      %dma_start3A_306 = arith.constant 0 : i32
      %dma_start3A_307 = tpu.memref_slice %arg6[%dma_start3A_305, %dma_start3A_306] : memref<10112x128xf32, #tpu.memory_space<vmem_shared>> -> memref<10112x128xf32, #tpu.memory_space<vmem_shared>>
      tpu.enqueue_indirect_dma source(%dma_start3A_301 : memref<88x128xf32, #tpu.memory_space<vmem>>) target(%dma_start3A_307 : memref<10112x128xf32, #tpu.memory_space<vmem_shared>>) offsets(%dma_start3A_304 : memref<88xi32, #tpu.memory_space<vmem>>) semaphore(%arg13 : memref<!tpu.dma_semaphore, #tpu.memory_space<semaphore_mem>>) {add = true}
      %add3A_308 = arith.constant 3 : i32
      %add3A_309 = arith.addi %add3A_205, %add3A_308 : i32
      %add3A_310 = arith.constant 3 : i32
      %add3A_311 = arith.addi %add3A_309, %add3A_310 : i32
      %lt3A_312 = arith.constant 228 : i32
      %lt3A_313 = arith.cmpi slt, %add3A_311, %lt3A_312 : i32
      %convert_element_type3A_314 = arith.extui %lt3A_313 : i1 to i32
      %cond3A_315 = arith.constant 0 : i32
      %cond3A_316 = arith.cmpi ne, %convert_element_type3A_314, %cond3A_315 : i32
      scf.if %cond3A_316 {
        %dma_wait3A_623 = arith.constant 0 : i32
        %dma_wait3A_624 = arith.constant 0 : i32
        %dma_wait3A_625 = arith.constant 0 : i32
        %dma_wait3A_626 = tpu.memref_slice %arg7[%dma_wait3A_623, %dma_wait3A_624, %dma_wait3A_625] : memref<6x2x88xi32, #tpu.memory_space<vmem>> -> memref<1x2x88xi32, #tpu.memory_space<vmem>>
        %dma_wait3A_627 = tpu.memref_squeeze %dma_wait3A_626 : memref<1x2x88xi32, #tpu.memory_space<vmem>> -> memref<2x88xi32, #tpu.memory_space<vmem>>
        %dma_wait3A_628 = arith.constant 0 : i32
        %dma_wait3A_629 = arith.constant 0 : i32
        %dma_wait3A_630 = tpu.memref_slice %arg3[%mul3A_4, %dma_wait3A_628, %dma_wait3A_629] : memref<7296x2x88xi32, #tpu.memory_space<hbm>> -> memref<1x2x88xi32, #tpu.memory_space<hbm>>
        %dma_wait3A_631 = tpu.memref_squeeze %dma_wait3A_630 : memref<1x2x88xi32, #tpu.memory_space<hbm>> -> memref<2x88xi32, #tpu.memory_space<hbm>>
        %dma_wait3A_632 = arith.constant 0 : i32
        %dma_wait3A_633 = arith.constant 0 : i32
        %dma_wait3A_634 = tpu.memref_slice %arg7[%dma_wait3A_623, %dma_wait3A_632, %dma_wait3A_633] : memref<6x2x88xi32, #tpu.memory_space<vmem>> -> memref<1x2x88xi32, #tpu.memory_space<vmem>>
        %dma_wait3A_635 = tpu.memref_squeeze %dma_wait3A_634 : memref<1x2x88xi32, #tpu.memory_space<vmem>> -> memref<2x88xi32, #tpu.memory_space<vmem>>
        %dma_wait3A_636 = arith.constant 0 : i32
        %dma_wait3A_637 = arith.constant 0 : i32
        %dma_wait3A_638 = tpu.memref_slice %arg3[%mul3A_4, %dma_wait3A_636, %dma_wait3A_637] : memref<7296x2x88xi32, #tpu.memory_space<hbm>> -> memref<1x2x88xi32, #tpu.memory_space<hbm>>
        %dma_wait3A_639 = tpu.memref_squeeze %dma_wait3A_638 : memref<1x2x88xi32, #tpu.memory_space<hbm>> -> memref<2x88xi32, #tpu.memory_space<hbm>>
        tpu.wait_dma2 semaphore(%arg9 : memref<!tpu.dma_semaphore, #tpu.memory_space<semaphore_mem>>) src(%dma_wait3A_639 : memref<2x88xi32, #tpu.memory_space<hbm>>) dst(%dma_wait3A_635 : memref<2x88xi32, #tpu.memory_space<vmem>>)
        %ge3A = arith.constant 1 : i32
        %ge3A_640 = arith.cmpi sge, %add3A_309, %ge3A : i32
        %convert_element_type3A_641 = arith.extui %ge3A_640 : i1 to i32
        %cond3A_642 = arith.constant 0 : i32
        %cond3A_643 = arith.cmpi ne, %convert_element_type3A_641, %cond3A_642 : i32
        scf.if %cond3A_643 {
          %dma_wait3A_664 = arith.constant 2 : i32
          %dma_wait3A_665 = arith.constant 0 : i32
          %dma_wait3A_666 = arith.constant 0 : i32
          %dma_wait3A_667 = tpu.memref_slice %arg8[%dma_wait3A_664, %dma_wait3A_665, %dma_wait3A_666] : memref<4x88x128xf32, #tpu.memory_space<vmem>> -> memref<1x88x128xf32, #tpu.memory_space<vmem>>
          %dma_wait3A_668 = tpu.memref_squeeze %dma_wait3A_667 : memref<1x88x128xf32, #tpu.memory_space<vmem>> -> memref<88x128xf32, #tpu.memory_space<vmem>>
          %dma_wait3A_669 = arith.constant 0 : i32
          %dma_wait3A_670 = arith.constant 0 : i32
          %dma_wait3A_671 = tpu.memref_slice %arg2[%dma_wait3A_669, %dma_wait3A_670] : memref<20000x128xf32, #tpu.memory_space<hbm>> -> memref<88x128xf32, #tpu.memory_space<hbm>>
          %dma_wait3A_672 = arith.constant 0 : i32
          %dma_wait3A_673 = arith.constant 0 : i32
          %dma_wait3A_674 = tpu.memref_slice %arg8[%dma_wait3A_664, %dma_wait3A_672, %dma_wait3A_673] : memref<4x88x128xf32, #tpu.memory_space<vmem>> -> memref<1x88x128xf32, #tpu.memory_space<vmem>>
          %dma_wait3A_675 = tpu.memref_squeeze %dma_wait3A_674 : memref<1x88x128xf32, #tpu.memory_space<vmem>> -> memref<88x128xf32, #tpu.memory_space<vmem>>
          %dma_wait3A_676 = arith.constant 0 : i32
          %dma_wait3A_677 = arith.constant 0 : i32
          %dma_wait3A_678 = tpu.memref_slice %arg2[%dma_wait3A_676, %dma_wait3A_677] : memref<20000x128xf32, #tpu.memory_space<hbm>> -> memref<88x128xf32, #tpu.memory_space<hbm>>
          tpu.wait_dma2 semaphore(%arg13 : memref<!tpu.dma_semaphore, #tpu.memory_space<semaphore_mem>>) src(%dma_wait3A_678 : memref<88x128xf32, #tpu.memory_space<hbm>>) dst(%dma_wait3A_675 : memref<88x128xf32, #tpu.memory_space<vmem>>)
        } else {
        }
        %add3A_644 = arith.constant 4 : i32
        %add3A_645 = arith.addi %add3A_309, %add3A_644 : i32
        %lt3A_646 = arith.constant 228 : i32
        %lt3A_647 = arith.cmpi slt, %add3A_645, %lt3A_646 : i32
        %convert_element_type3A_648 = arith.extui %lt3A_647 : i1 to i32
        %cond3A_649 = arith.constant 0 : i32
        %cond3A_650 = arith.cmpi ne, %convert_element_type3A_648, %cond3A_649 : i32
        scf.if %cond3A_650 {
          %add3A_664 = arith.addi %mul3A_4, %add3A_309 : i32
          %add3A_665 = arith.constant 4 : i32
          %add3A_666 = arith.addi %add3A_664, %add3A_665 : i32
          %dma_start3A_667 = arith.constant 1 : i32
          %dma_start3A_668 = arith.constant 0 : i32
          %dma_start3A_669 = arith.constant 0 : i32
          %dma_start3A_670 = tpu.memref_slice %arg7[%dma_start3A_667, %dma_start3A_668, %dma_start3A_669] : memref<6x2x88xi32, #tpu.memory_space<vmem>> -> memref<1x2x88xi32, #tpu.memory_space<vmem>>
          %dma_start3A_671 = tpu.memref_squeeze %dma_start3A_670 : memref<1x2x88xi32, #tpu.memory_space<vmem>> -> memref<2x88xi32, #tpu.memory_space<vmem>>
          %dma_start3A_672 = arith.constant 0 : i32
          %dma_start3A_673 = arith.constant 0 : i32
          %dma_start3A_674 = tpu.memref_slice %arg3[%add3A_666, %dma_start3A_672, %dma_start3A_673] : memref<7296x2x88xi32, #tpu.memory_space<hbm>> -> memref<1x2x88xi32, #tpu.memory_space<hbm>>
          %dma_start3A_675 = tpu.memref_squeeze %dma_start3A_674 : memref<1x2x88xi32, #tpu.memory_space<hbm>> -> memref<2x88xi32, #tpu.memory_space<hbm>>
          %dma_start3A_676 = arith.constant 0 : i32
          %dma_start3A_677 = arith.constant 0 : i32
          %dma_start3A_678 = tpu.memref_slice %arg7[%dma_start3A_667, %dma_start3A_676, %dma_start3A_677] : memref<6x2x88xi32, #tpu.memory_space<vmem>> -> memref<1x2x88xi32, #tpu.memory_space<vmem>>
          %dma_start3A_679 = tpu.memref_squeeze %dma_start3A_678 : memref<1x2x88xi32, #tpu.memory_space<vmem>> -> memref<2x88xi32, #tpu.memory_space<vmem>>
          %dma_start3A_680 = arith.constant 0 : i32
          %dma_start3A_681 = arith.constant 0 : i32
          %dma_start3A_682 = tpu.memref_slice %arg3[%add3A_666, %dma_start3A_680, %dma_start3A_681] : memref<7296x2x88xi32, #tpu.memory_space<hbm>> -> memref<1x2x88xi32, #tpu.memory_space<hbm>>
          %dma_start3A_683 = tpu.memref_squeeze %dma_start3A_682 : memref<1x2x88xi32, #tpu.memory_space<hbm>> -> memref<2x88xi32, #tpu.memory_space<hbm>>
          tpu.enqueue_dma source(%dma_start3A_683 : memref<2x88xi32, #tpu.memory_space<hbm>>) target(%dma_start3A_679 : memref<2x88xi32, #tpu.memory_space<vmem>>) target_semaphore(%arg9 : memref<!tpu.dma_semaphore, #tpu.memory_space<semaphore_mem>>)
        } else {
        }
        %dma_start3A_651 = arith.constant 0 : i32
        %dma_start3A_652 = arith.constant 0 : i32
        %dma_start3A_653 = arith.constant 2 : i32
        %dma_start3A_654 = arith.constant 0 : i32
        %dma_start3A_655 = arith.constant 0 : i32
        %dma_start3A_656 = tpu.memref_slice %arg8[%dma_start3A_653, %dma_start3A_654, %dma_start3A_655] : memref<4x88x128xf32, #tpu.memory_space<vmem>> -> memref<1x88x128xf32, #tpu.memory_space<vmem>>
        %dma_start3A_657 = tpu.memref_squeeze %dma_start3A_656 : memref<1x88x128xf32, #tpu.memory_space<vmem>> -> memref<88x128xf32, #tpu.memory_space<vmem>>
        %dma_start3A_658 = arith.constant 0 : i32
        %dma_start3A_659 = tpu.memref_slice %arg7[%dma_start3A_651, %dma_start3A_652, %dma_start3A_658] : memref<6x2x88xi32, #tpu.memory_space<vmem>> -> memref<1x1x88xi32, #tpu.memory_space<vmem>>
        %dma_start3A_660 = tpu.memref_squeeze %dma_start3A_659 : memref<1x1x88xi32, #tpu.memory_space<vmem>> -> memref<88xi32, #tpu.memory_space<vmem>>
        %dma_start3A_661 = arith.constant 0 : i32
        %dma_start3A_662 = arith.constant 0 : i32
        %dma_start3A_663 = tpu.memref_slice %arg2[%dma_start3A_661, %dma_start3A_662] : memref<20000x128xf32, #tpu.memory_space<hbm>> -> memref<20000x128xf32, #tpu.memory_space<hbm>>
        tpu.enqueue_indirect_dma source(%dma_start3A_663 : memref<20000x128xf32, #tpu.memory_space<hbm>>) target(%dma_start3A_657 : memref<88x128xf32, #tpu.memory_space<vmem>>) offsets(%dma_start3A_660 : memref<88xi32, #tpu.memory_space<vmem>>) semaphore(%arg10 : memref<!tpu.dma_semaphore, #tpu.memory_space<semaphore_mem>>)
      } else {
      }
      %dma_wait3A_317 = arith.constant 3 : i32
      %dma_wait3A_318 = arith.constant 0 : i32
      %dma_wait3A_319 = arith.constant 3 : i32
      %dma_wait3A_320 = arith.constant 0 : i32
      %dma_wait3A_321 = arith.constant 0 : i32
      %dma_wait3A_322 = tpu.memref_slice %arg8[%dma_wait3A_319, %dma_wait3A_320, %dma_wait3A_321] : memref<4x88x128xf32, #tpu.memory_space<vmem>> -> memref<1x88x128xf32, #tpu.memory_space<vmem>>
      %dma_wait3A_323 = tpu.memref_squeeze %dma_wait3A_322 : memref<1x88x128xf32, #tpu.memory_space<vmem>> -> memref<88x128xf32, #tpu.memory_space<vmem>>
      %dma_wait3A_324 = arith.constant 0 : i32
      %dma_wait3A_325 = tpu.memref_slice %arg7[%dma_wait3A_317, %dma_wait3A_318, %dma_wait3A_324] : memref<6x2x88xi32, #tpu.memory_space<vmem>> -> memref<1x1x88xi32, #tpu.memory_space<vmem>>
      %dma_wait3A_326 = tpu.memref_squeeze %dma_wait3A_325 : memref<1x1x88xi32, #tpu.memory_space<vmem>> -> memref<88xi32, #tpu.memory_space<vmem>>
      %dma_wait3A_327 = arith.constant 0 : i32
      %dma_wait3A_328 = arith.constant 0 : i32
      %dma_wait3A_329 = tpu.memref_slice %arg2[%dma_wait3A_327, %dma_wait3A_328] : memref<20000x128xf32, #tpu.memory_space<hbm>> -> memref<20000x128xf32, #tpu.memory_space<hbm>>
      tpu.wait_indirect_dma semaphore(%arg10 : memref<!tpu.dma_semaphore, #tpu.memory_space<semaphore_mem>>) src(%dma_wait3A_329 : memref<20000x128xf32, #tpu.memory_space<hbm>>) dst(%dma_wait3A_323 : memref<88x128xf32, #tpu.memory_space<vmem>>)
      %dma_start3A_330 = arith.constant 3 : i32
      %dma_start3A_331 = arith.constant 3 : i32
      %dma_start3A_332 = arith.constant 1 : i32
      %dma_start3A_333 = arith.constant 0 : i32
      %dma_start3A_334 = arith.constant 0 : i32
      %dma_start3A_335 = tpu.memref_slice %arg8[%dma_start3A_330, %dma_start3A_333, %dma_start3A_334] : memref<4x88x128xf32, #tpu.memory_space<vmem>> -> memref<1x88x128xf32, #tpu.memory_space<vmem>>
      %dma_start3A_336 = tpu.memref_squeeze %dma_start3A_335 : memref<1x88x128xf32, #tpu.memory_space<vmem>> -> memref<88x128xf32, #tpu.memory_space<vmem>>
      %dma_start3A_337 = arith.constant 0 : i32
      %dma_start3A_338 = tpu.memref_slice %arg7[%dma_start3A_331, %dma_start3A_332, %dma_start3A_337] : memref<6x2x88xi32, #tpu.memory_space<vmem>> -> memref<1x1x88xi32, #tpu.memory_space<vmem>>
      %dma_start3A_339 = tpu.memref_squeeze %dma_start3A_338 : memref<1x1x88xi32, #tpu.memory_space<vmem>> -> memref<88xi32, #tpu.memory_space<vmem>>
      %dma_start3A_340 = arith.constant 0 : i32
      %dma_start3A_341 = arith.constant 0 : i32
      %dma_start3A_342 = tpu.memref_slice %arg6[%dma_start3A_340, %dma_start3A_341] : memref<10112x128xf32, #tpu.memory_space<vmem_shared>> -> memref<10112x128xf32, #tpu.memory_space<vmem_shared>>
      tpu.enqueue_indirect_dma source(%dma_start3A_336 : memref<88x128xf32, #tpu.memory_space<vmem>>) target(%dma_start3A_342 : memref<10112x128xf32, #tpu.memory_space<vmem_shared>>) offsets(%dma_start3A_339 : memref<88xi32, #tpu.memory_space<vmem>>) semaphore(%arg14 : memref<!tpu.dma_semaphore, #tpu.memory_space<semaphore_mem>>) {add = true}
      %add3A_343 = arith.constant 4 : i32
      %add3A_344 = arith.addi %add3A_205, %add3A_343 : i32
      %add3A_345 = arith.constant 3 : i32
      %add3A_346 = arith.addi %add3A_344, %add3A_345 : i32
      %lt3A_347 = arith.constant 228 : i32
      %lt3A_348 = arith.cmpi slt, %add3A_346, %lt3A_347 : i32
      %convert_element_type3A_349 = arith.extui %lt3A_348 : i1 to i32
      %cond3A_350 = arith.constant 0 : i32
      %cond3A_351 = arith.cmpi ne, %convert_element_type3A_349, %cond3A_350 : i32
      scf.if %cond3A_351 {
        %dma_wait3A_623 = arith.constant 1 : i32
        %dma_wait3A_624 = arith.constant 0 : i32
        %dma_wait3A_625 = arith.constant 0 : i32
        %dma_wait3A_626 = tpu.memref_slice %arg7[%dma_wait3A_623, %dma_wait3A_624, %dma_wait3A_625] : memref<6x2x88xi32, #tpu.memory_space<vmem>> -> memref<1x2x88xi32, #tpu.memory_space<vmem>>
        %dma_wait3A_627 = tpu.memref_squeeze %dma_wait3A_626 : memref<1x2x88xi32, #tpu.memory_space<vmem>> -> memref<2x88xi32, #tpu.memory_space<vmem>>
        %dma_wait3A_628 = arith.constant 0 : i32
        %dma_wait3A_629 = arith.constant 0 : i32
        %dma_wait3A_630 = tpu.memref_slice %arg3[%mul3A_4, %dma_wait3A_628, %dma_wait3A_629] : memref<7296x2x88xi32, #tpu.memory_space<hbm>> -> memref<1x2x88xi32, #tpu.memory_space<hbm>>
        %dma_wait3A_631 = tpu.memref_squeeze %dma_wait3A_630 : memref<1x2x88xi32, #tpu.memory_space<hbm>> -> memref<2x88xi32, #tpu.memory_space<hbm>>
        %dma_wait3A_632 = arith.constant 0 : i32
        %dma_wait3A_633 = arith.constant 0 : i32
        %dma_wait3A_634 = tpu.memref_slice %arg7[%dma_wait3A_623, %dma_wait3A_632, %dma_wait3A_633] : memref<6x2x88xi32, #tpu.memory_space<vmem>> -> memref<1x2x88xi32, #tpu.memory_space<vmem>>
        %dma_wait3A_635 = tpu.memref_squeeze %dma_wait3A_634 : memref<1x2x88xi32, #tpu.memory_space<vmem>> -> memref<2x88xi32, #tpu.memory_space<vmem>>
        %dma_wait3A_636 = arith.constant 0 : i32
        %dma_wait3A_637 = arith.constant 0 : i32
        %dma_wait3A_638 = tpu.memref_slice %arg3[%mul3A_4, %dma_wait3A_636, %dma_wait3A_637] : memref<7296x2x88xi32, #tpu.memory_space<hbm>> -> memref<1x2x88xi32, #tpu.memory_space<hbm>>
        %dma_wait3A_639 = tpu.memref_squeeze %dma_wait3A_638 : memref<1x2x88xi32, #tpu.memory_space<hbm>> -> memref<2x88xi32, #tpu.memory_space<hbm>>
        tpu.wait_dma2 semaphore(%arg9 : memref<!tpu.dma_semaphore, #tpu.memory_space<semaphore_mem>>) src(%dma_wait3A_639 : memref<2x88xi32, #tpu.memory_space<hbm>>) dst(%dma_wait3A_635 : memref<2x88xi32, #tpu.memory_space<vmem>>)
        %ge3A = arith.constant 1 : i32
        %ge3A_640 = arith.cmpi sge, %add3A_344, %ge3A : i32
        %convert_element_type3A_641 = arith.extui %ge3A_640 : i1 to i32
        %cond3A_642 = arith.constant 0 : i32
        %cond3A_643 = arith.cmpi ne, %convert_element_type3A_641, %cond3A_642 : i32
        scf.if %cond3A_643 {
          %dma_wait3A_664 = arith.constant 3 : i32
          %dma_wait3A_665 = arith.constant 0 : i32
          %dma_wait3A_666 = arith.constant 0 : i32
          %dma_wait3A_667 = tpu.memref_slice %arg8[%dma_wait3A_664, %dma_wait3A_665, %dma_wait3A_666] : memref<4x88x128xf32, #tpu.memory_space<vmem>> -> memref<1x88x128xf32, #tpu.memory_space<vmem>>
          %dma_wait3A_668 = tpu.memref_squeeze %dma_wait3A_667 : memref<1x88x128xf32, #tpu.memory_space<vmem>> -> memref<88x128xf32, #tpu.memory_space<vmem>>
          %dma_wait3A_669 = arith.constant 0 : i32
          %dma_wait3A_670 = arith.constant 0 : i32
          %dma_wait3A_671 = tpu.memref_slice %arg2[%dma_wait3A_669, %dma_wait3A_670] : memref<20000x128xf32, #tpu.memory_space<hbm>> -> memref<88x128xf32, #tpu.memory_space<hbm>>
          %dma_wait3A_672 = arith.constant 0 : i32
          %dma_wait3A_673 = arith.constant 0 : i32
          %dma_wait3A_674 = tpu.memref_slice %arg8[%dma_wait3A_664, %dma_wait3A_672, %dma_wait3A_673] : memref<4x88x128xf32, #tpu.memory_space<vmem>> -> memref<1x88x128xf32, #tpu.memory_space<vmem>>
          %dma_wait3A_675 = tpu.memref_squeeze %dma_wait3A_674 : memref<1x88x128xf32, #tpu.memory_space<vmem>> -> memref<88x128xf32, #tpu.memory_space<vmem>>
          %dma_wait3A_676 = arith.constant 0 : i32
          %dma_wait3A_677 = arith.constant 0 : i32
          %dma_wait3A_678 = tpu.memref_slice %arg2[%dma_wait3A_676, %dma_wait3A_677] : memref<20000x128xf32, #tpu.memory_space<hbm>> -> memref<88x128xf32, #tpu.memory_space<hbm>>
          tpu.wait_dma2 semaphore(%arg14 : memref<!tpu.dma_semaphore, #tpu.memory_space<semaphore_mem>>) src(%dma_wait3A_678 : memref<88x128xf32, #tpu.memory_space<hbm>>) dst(%dma_wait3A_675 : memref<88x128xf32, #tpu.memory_space<vmem>>)
        } else {
        }
        %add3A_644 = arith.constant 4 : i32
        %add3A_645 = arith.addi %add3A_344, %add3A_644 : i32
        %lt3A_646 = arith.constant 228 : i32
        %lt3A_647 = arith.cmpi slt, %add3A_645, %lt3A_646 : i32
        %convert_element_type3A_648 = arith.extui %lt3A_647 : i1 to i32
        %cond3A_649 = arith.constant 0 : i32
        %cond3A_650 = arith.cmpi ne, %convert_element_type3A_648, %cond3A_649 : i32
        scf.if %cond3A_650 {
          %add3A_664 = arith.addi %mul3A_4, %add3A_344 : i32
          %add3A_665 = arith.constant 4 : i32
          %add3A_666 = arith.addi %add3A_664, %add3A_665 : i32
          %dma_start3A_667 = arith.constant 2 : i32
          %dma_start3A_668 = arith.constant 0 : i32
          %dma_start3A_669 = arith.constant 0 : i32
          %dma_start3A_670 = tpu.memref_slice %arg7[%dma_start3A_667, %dma_start3A_668, %dma_start3A_669] : memref<6x2x88xi32, #tpu.memory_space<vmem>> -> memref<1x2x88xi32, #tpu.memory_space<vmem>>
          %dma_start3A_671 = tpu.memref_squeeze %dma_start3A_670 : memref<1x2x88xi32, #tpu.memory_space<vmem>> -> memref<2x88xi32, #tpu.memory_space<vmem>>
          %dma_start3A_672 = arith.constant 0 : i32
          %dma_start3A_673 = arith.constant 0 : i32
          %dma_start3A_674 = tpu.memref_slice %arg3[%add3A_666, %dma_start3A_672, %dma_start3A_673] : memref<7296x2x88xi32, #tpu.memory_space<hbm>> -> memref<1x2x88xi32, #tpu.memory_space<hbm>>
          %dma_start3A_675 = tpu.memref_squeeze %dma_start3A_674 : memref<1x2x88xi32, #tpu.memory_space<hbm>> -> memref<2x88xi32, #tpu.memory_space<hbm>>
          %dma_start3A_676 = arith.constant 0 : i32
          %dma_start3A_677 = arith.constant 0 : i32
          %dma_start3A_678 = tpu.memref_slice %arg7[%dma_start3A_667, %dma_start3A_676, %dma_start3A_677] : memref<6x2x88xi32, #tpu.memory_space<vmem>> -> memref<1x2x88xi32, #tpu.memory_space<vmem>>
          %dma_start3A_679 = tpu.memref_squeeze %dma_start3A_678 : memref<1x2x88xi32, #tpu.memory_space<vmem>> -> memref<2x88xi32, #tpu.memory_space<vmem>>
          %dma_start3A_680 = arith.constant 0 : i32
          %dma_start3A_681 = arith.constant 0 : i32
          %dma_start3A_682 = tpu.memref_slice %arg3[%add3A_666, %dma_start3A_680, %dma_start3A_681] : memref<7296x2x88xi32, #tpu.memory_space<hbm>> -> memref<1x2x88xi32, #tpu.memory_space<hbm>>
          %dma_start3A_683 = tpu.memref_squeeze %dma_start3A_682 : memref<1x2x88xi32, #tpu.memory_space<hbm>> -> memref<2x88xi32, #tpu.memory_space<hbm>>
          tpu.enqueue_dma source(%dma_start3A_683 : memref<2x88xi32, #tpu.memory_space<hbm>>) target(%dma_start3A_679 : memref<2x88xi32, #tpu.memory_space<vmem>>) target_semaphore(%arg9 : memref<!tpu.dma_semaphore, #tpu.memory_space<semaphore_mem>>)
        } else {
        }
        %dma_start3A_651 = arith.constant 1 : i32
        %dma_start3A_652 = arith.constant 0 : i32
        %dma_start3A_653 = arith.constant 3 : i32
        %dma_start3A_654 = arith.constant 0 : i32
        %dma_start3A_655 = arith.constant 0 : i32
        %dma_start3A_656 = tpu.memref_slice %arg8[%dma_start3A_653, %dma_start3A_654, %dma_start3A_655] : memref<4x88x128xf32, #tpu.memory_space<vmem>> -> memref<1x88x128xf32, #tpu.memory_space<vmem>>
        %dma_start3A_657 = tpu.memref_squeeze %dma_start3A_656 : memref<1x88x128xf32, #tpu.memory_space<vmem>> -> memref<88x128xf32, #tpu.memory_space<vmem>>
        %dma_start3A_658 = arith.constant 0 : i32
        %dma_start3A_659 = tpu.memref_slice %arg7[%dma_start3A_651, %dma_start3A_652, %dma_start3A_658] : memref<6x2x88xi32, #tpu.memory_space<vmem>> -> memref<1x1x88xi32, #tpu.memory_space<vmem>>
        %dma_start3A_660 = tpu.memref_squeeze %dma_start3A_659 : memref<1x1x88xi32, #tpu.memory_space<vmem>> -> memref<88xi32, #tpu.memory_space<vmem>>
        %dma_start3A_661 = arith.constant 0 : i32
        %dma_start3A_662 = arith.constant 0 : i32
        %dma_start3A_663 = tpu.memref_slice %arg2[%dma_start3A_661, %dma_start3A_662] : memref<20000x128xf32, #tpu.memory_space<hbm>> -> memref<20000x128xf32, #tpu.memory_space<hbm>>
        tpu.enqueue_indirect_dma source(%dma_start3A_663 : memref<20000x128xf32, #tpu.memory_space<hbm>>) target(%dma_start3A_657 : memref<88x128xf32, #tpu.memory_space<vmem>>) offsets(%dma_start3A_660 : memref<88xi32, #tpu.memory_space<vmem>>) semaphore(%arg10 : memref<!tpu.dma_semaphore, #tpu.memory_space<semaphore_mem>>)
      } else {
      }
      %dma_wait3A_352 = arith.constant 4 : i32
      %dma_wait3A_353 = arith.constant 0 : i32
      %dma_wait3A_354 = arith.constant 0 : i32
      %dma_wait3A_355 = arith.constant 0 : i32
      %dma_wait3A_356 = arith.constant 0 : i32
      %dma_wait3A_357 = tpu.memref_slice %arg8[%dma_wait3A_354, %dma_wait3A_355, %dma_wait3A_356] : memref<4x88x128xf32, #tpu.memory_space<vmem>> -> memref<1x88x128xf32, #tpu.memory_space<vmem>>
      %dma_wait3A_358 = tpu.memref_squeeze %dma_wait3A_357 : memref<1x88x128xf32, #tpu.memory_space<vmem>> -> memref<88x128xf32, #tpu.memory_space<vmem>>
      %dma_wait3A_359 = arith.constant 0 : i32
      %dma_wait3A_360 = tpu.memref_slice %arg7[%dma_wait3A_352, %dma_wait3A_353, %dma_wait3A_359] : memref<6x2x88xi32, #tpu.memory_space<vmem>> -> memref<1x1x88xi32, #tpu.memory_space<vmem>>
      %dma_wait3A_361 = tpu.memref_squeeze %dma_wait3A_360 : memref<1x1x88xi32, #tpu.memory_space<vmem>> -> memref<88xi32, #tpu.memory_space<vmem>>
      %dma_wait3A_362 = arith.constant 0 : i32
      %dma_wait3A_363 = arith.constant 0 : i32
      %dma_wait3A_364 = tpu.memref_slice %arg2[%dma_wait3A_362, %dma_wait3A_363] : memref<20000x128xf32, #tpu.memory_space<hbm>> -> memref<20000x128xf32, #tpu.memory_space<hbm>>
      tpu.wait_indirect_dma semaphore(%arg10 : memref<!tpu.dma_semaphore, #tpu.memory_space<semaphore_mem>>) src(%dma_wait3A_364 : memref<20000x128xf32, #tpu.memory_space<hbm>>) dst(%dma_wait3A_358 : memref<88x128xf32, #tpu.memory_space<vmem>>)
      %dma_start3A_365 = arith.constant 0 : i32
      %dma_start3A_366 = arith.constant 4 : i32
      %dma_start3A_367 = arith.constant 1 : i32
      %dma_start3A_368 = arith.constant 0 : i32
      %dma_start3A_369 = arith.constant 0 : i32
      %dma_start3A_370 = tpu.memref_slice %arg8[%dma_start3A_365, %dma_start3A_368, %dma_start3A_369] : memref<4x88x128xf32, #tpu.memory_space<vmem>> -> memref<1x88x128xf32, #tpu.memory_space<vmem>>
      %dma_start3A_371 = tpu.memref_squeeze %dma_start3A_370 : memref<1x88x128xf32, #tpu.memory_space<vmem>> -> memref<88x128xf32, #tpu.memory_space<vmem>>
      %dma_start3A_372 = arith.constant 0 : i32
      %dma_start3A_373 = tpu.memref_slice %arg7[%dma_start3A_366, %dma_start3A_367, %dma_start3A_372] : memref<6x2x88xi32, #tpu.memory_space<vmem>> -> memref<1x1x88xi32, #tpu.memory_space<vmem>>
      %dma_start3A_374 = tpu.memref_squeeze %dma_start3A_373 : memref<1x1x88xi32, #tpu.memory_space<vmem>> -> memref<88xi32, #tpu.memory_space<vmem>>
      %dma_start3A_375 = arith.constant 0 : i32
      %dma_start3A_376 = arith.constant 0 : i32
      %dma_start3A_377 = tpu.memref_slice %arg6[%dma_start3A_375, %dma_start3A_376] : memref<10112x128xf32, #tpu.memory_space<vmem_shared>> -> memref<10112x128xf32, #tpu.memory_space<vmem_shared>>
      tpu.enqueue_indirect_dma source(%dma_start3A_371 : memref<88x128xf32, #tpu.memory_space<vmem>>) target(%dma_start3A_377 : memref<10112x128xf32, #tpu.memory_space<vmem_shared>>) offsets(%dma_start3A_374 : memref<88xi32, #tpu.memory_space<vmem>>) semaphore(%arg11 : memref<!tpu.dma_semaphore, #tpu.memory_space<semaphore_mem>>) {add = true}
      %add3A_378 = arith.constant 5 : i32
      %add3A_379 = arith.addi %add3A_205, %add3A_378 : i32
      %add3A_380 = arith.constant 3 : i32
      %add3A_381 = arith.addi %add3A_379, %add3A_380 : i32
      %lt3A_382 = arith.constant 228 : i32
      %lt3A_383 = arith.cmpi slt, %add3A_381, %lt3A_382 : i32
      %convert_element_type3A_384 = arith.extui %lt3A_383 : i1 to i32
      %cond3A_385 = arith.constant 0 : i32
      %cond3A_386 = arith.cmpi ne, %convert_element_type3A_384, %cond3A_385 : i32
      scf.if %cond3A_386 {
        %dma_wait3A_623 = arith.constant 2 : i32
        %dma_wait3A_624 = arith.constant 0 : i32
        %dma_wait3A_625 = arith.constant 0 : i32
        %dma_wait3A_626 = tpu.memref_slice %arg7[%dma_wait3A_623, %dma_wait3A_624, %dma_wait3A_625] : memref<6x2x88xi32, #tpu.memory_space<vmem>> -> memref<1x2x88xi32, #tpu.memory_space<vmem>>
        %dma_wait3A_627 = tpu.memref_squeeze %dma_wait3A_626 : memref<1x2x88xi32, #tpu.memory_space<vmem>> -> memref<2x88xi32, #tpu.memory_space<vmem>>
        %dma_wait3A_628 = arith.constant 0 : i32
        %dma_wait3A_629 = arith.constant 0 : i32
        %dma_wait3A_630 = tpu.memref_slice %arg3[%mul3A_4, %dma_wait3A_628, %dma_wait3A_629] : memref<7296x2x88xi32, #tpu.memory_space<hbm>> -> memref<1x2x88xi32, #tpu.memory_space<hbm>>
        %dma_wait3A_631 = tpu.memref_squeeze %dma_wait3A_630 : memref<1x2x88xi32, #tpu.memory_space<hbm>> -> memref<2x88xi32, #tpu.memory_space<hbm>>
        %dma_wait3A_632 = arith.constant 0 : i32
        %dma_wait3A_633 = arith.constant 0 : i32
        %dma_wait3A_634 = tpu.memref_slice %arg7[%dma_wait3A_623, %dma_wait3A_632, %dma_wait3A_633] : memref<6x2x88xi32, #tpu.memory_space<vmem>> -> memref<1x2x88xi32, #tpu.memory_space<vmem>>
        %dma_wait3A_635 = tpu.memref_squeeze %dma_wait3A_634 : memref<1x2x88xi32, #tpu.memory_space<vmem>> -> memref<2x88xi32, #tpu.memory_space<vmem>>
        %dma_wait3A_636 = arith.constant 0 : i32
        %dma_wait3A_637 = arith.constant 0 : i32
        %dma_wait3A_638 = tpu.memref_slice %arg3[%mul3A_4, %dma_wait3A_636, %dma_wait3A_637] : memref<7296x2x88xi32, #tpu.memory_space<hbm>> -> memref<1x2x88xi32, #tpu.memory_space<hbm>>
        %dma_wait3A_639 = tpu.memref_squeeze %dma_wait3A_638 : memref<1x2x88xi32, #tpu.memory_space<hbm>> -> memref<2x88xi32, #tpu.memory_space<hbm>>
        tpu.wait_dma2 semaphore(%arg9 : memref<!tpu.dma_semaphore, #tpu.memory_space<semaphore_mem>>) src(%dma_wait3A_639 : memref<2x88xi32, #tpu.memory_space<hbm>>) dst(%dma_wait3A_635 : memref<2x88xi32, #tpu.memory_space<vmem>>)
        %ge3A = arith.constant 1 : i32
        %ge3A_640 = arith.cmpi sge, %add3A_379, %ge3A : i32
        %convert_element_type3A_641 = arith.extui %ge3A_640 : i1 to i32
        %cond3A_642 = arith.constant 0 : i32
        %cond3A_643 = arith.cmpi ne, %convert_element_type3A_641, %cond3A_642 : i32
        scf.if %cond3A_643 {
          %dma_wait3A_664 = arith.constant 0 : i32
          %dma_wait3A_665 = arith.constant 0 : i32
          %dma_wait3A_666 = arith.constant 0 : i32
          %dma_wait3A_667 = tpu.memref_slice %arg8[%dma_wait3A_664, %dma_wait3A_665, %dma_wait3A_666] : memref<4x88x128xf32, #tpu.memory_space<vmem>> -> memref<1x88x128xf32, #tpu.memory_space<vmem>>
          %dma_wait3A_668 = tpu.memref_squeeze %dma_wait3A_667 : memref<1x88x128xf32, #tpu.memory_space<vmem>> -> memref<88x128xf32, #tpu.memory_space<vmem>>
          %dma_wait3A_669 = arith.constant 0 : i32
          %dma_wait3A_670 = arith.constant 0 : i32
          %dma_wait3A_671 = tpu.memref_slice %arg2[%dma_wait3A_669, %dma_wait3A_670] : memref<20000x128xf32, #tpu.memory_space<hbm>> -> memref<88x128xf32, #tpu.memory_space<hbm>>
          %dma_wait3A_672 = arith.constant 0 : i32
          %dma_wait3A_673 = arith.constant 0 : i32
          %dma_wait3A_674 = tpu.memref_slice %arg8[%dma_wait3A_664, %dma_wait3A_672, %dma_wait3A_673] : memref<4x88x128xf32, #tpu.memory_space<vmem>> -> memref<1x88x128xf32, #tpu.memory_space<vmem>>
          %dma_wait3A_675 = tpu.memref_squeeze %dma_wait3A_674 : memref<1x88x128xf32, #tpu.memory_space<vmem>> -> memref<88x128xf32, #tpu.memory_space<vmem>>
          %dma_wait3A_676 = arith.constant 0 : i32
          %dma_wait3A_677 = arith.constant 0 : i32
          %dma_wait3A_678 = tpu.memref_slice %arg2[%dma_wait3A_676, %dma_wait3A_677] : memref<20000x128xf32, #tpu.memory_space<hbm>> -> memref<88x128xf32, #tpu.memory_space<hbm>>
          tpu.wait_dma2 semaphore(%arg11 : memref<!tpu.dma_semaphore, #tpu.memory_space<semaphore_mem>>) src(%dma_wait3A_678 : memref<88x128xf32, #tpu.memory_space<hbm>>) dst(%dma_wait3A_675 : memref<88x128xf32, #tpu.memory_space<vmem>>)
        } else {
        }
        %add3A_644 = arith.constant 4 : i32
        %add3A_645 = arith.addi %add3A_379, %add3A_644 : i32
        %lt3A_646 = arith.constant 228 : i32
        %lt3A_647 = arith.cmpi slt, %add3A_645, %lt3A_646 : i32
        %convert_element_type3A_648 = arith.extui %lt3A_647 : i1 to i32
        %cond3A_649 = arith.constant 0 : i32
        %cond3A_650 = arith.cmpi ne, %convert_element_type3A_648, %cond3A_649 : i32
        scf.if %cond3A_650 {
          %add3A_664 = arith.addi %mul3A_4, %add3A_379 : i32
          %add3A_665 = arith.constant 4 : i32
          %add3A_666 = arith.addi %add3A_664, %add3A_665 : i32
          %dma_start3A_667 = arith.constant 3 : i32
          %dma_start3A_668 = arith.constant 0 : i32
          %dma_start3A_669 = arith.constant 0 : i32
          %dma_start3A_670 = tpu.memref_slice %arg7[%dma_start3A_667, %dma_start3A_668, %dma_start3A_669] : memref<6x2x88xi32, #tpu.memory_space<vmem>> -> memref<1x2x88xi32, #tpu.memory_space<vmem>>
          %dma_start3A_671 = tpu.memref_squeeze %dma_start3A_670 : memref<1x2x88xi32, #tpu.memory_space<vmem>> -> memref<2x88xi32, #tpu.memory_space<vmem>>
          %dma_start3A_672 = arith.constant 0 : i32
          %dma_start3A_673 = arith.constant 0 : i32
          %dma_start3A_674 = tpu.memref_slice %arg3[%add3A_666, %dma_start3A_672, %dma_start3A_673] : memref<7296x2x88xi32, #tpu.memory_space<hbm>> -> memref<1x2x88xi32, #tpu.memory_space<hbm>>
          %dma_start3A_675 = tpu.memref_squeeze %dma_start3A_674 : memref<1x2x88xi32, #tpu.memory_space<hbm>> -> memref<2x88xi32, #tpu.memory_space<hbm>>
          %dma_start3A_676 = arith.constant 0 : i32
          %dma_start3A_677 = arith.constant 0 : i32
          %dma_start3A_678 = tpu.memref_slice %arg7[%dma_start3A_667, %dma_start3A_676, %dma_start3A_677] : memref<6x2x88xi32, #tpu.memory_space<vmem>> -> memref<1x2x88xi32, #tpu.memory_space<vmem>>
          %dma_start3A_679 = tpu.memref_squeeze %dma_start3A_678 : memref<1x2x88xi32, #tpu.memory_space<vmem>> -> memref<2x88xi32, #tpu.memory_space<vmem>>
          %dma_start3A_680 = arith.constant 0 : i32
          %dma_start3A_681 = arith.constant 0 : i32
          %dma_start3A_682 = tpu.memref_slice %arg3[%add3A_666, %dma_start3A_680, %dma_start3A_681] : memref<7296x2x88xi32, #tpu.memory_space<hbm>> -> memref<1x2x88xi32, #tpu.memory_space<hbm>>
          %dma_start3A_683 = tpu.memref_squeeze %dma_start3A_682 : memref<1x2x88xi32, #tpu.memory_space<hbm>> -> memref<2x88xi32, #tpu.memory_space<hbm>>
          tpu.enqueue_dma source(%dma_start3A_683 : memref<2x88xi32, #tpu.memory_space<hbm>>) target(%dma_start3A_679 : memref<2x88xi32, #tpu.memory_space<vmem>>) target_semaphore(%arg9 : memref<!tpu.dma_semaphore, #tpu.memory_space<semaphore_mem>>)
        } else {
        }
        %dma_start3A_651 = arith.constant 2 : i32
        %dma_start3A_652 = arith.constant 0 : i32
        %dma_start3A_653 = arith.constant 0 : i32
        %dma_start3A_654 = arith.constant 0 : i32
        %dma_start3A_655 = arith.constant 0 : i32
        %dma_start3A_656 = tpu.memref_slice %arg8[%dma_start3A_653, %dma_start3A_654, %dma_start3A_655] : memref<4x88x128xf32, #tpu.memory_space<vmem>> -> memref<1x88x128xf32, #tpu.memory_space<vmem>>
        %dma_start3A_657 = tpu.memref_squeeze %dma_start3A_656 : memref<1x88x128xf32, #tpu.memory_space<vmem>> -> memref<88x128xf32, #tpu.memory_space<vmem>>
        %dma_start3A_658 = arith.constant 0 : i32
        %dma_start3A_659 = tpu.memref_slice %arg7[%dma_start3A_651, %dma_start3A_652, %dma_start3A_658] : memref<6x2x88xi32, #tpu.memory_space<vmem>> -> memref<1x1x88xi32, #tpu.memory_space<vmem>>
        %dma_start3A_660 = tpu.memref_squeeze %dma_start3A_659 : memref<1x1x88xi32, #tpu.memory_space<vmem>> -> memref<88xi32, #tpu.memory_space<vmem>>
        %dma_start3A_661 = arith.constant 0 : i32
        %dma_start3A_662 = arith.constant 0 : i32
        %dma_start3A_663 = tpu.memref_slice %arg2[%dma_start3A_661, %dma_start3A_662] : memref<20000x128xf32, #tpu.memory_space<hbm>> -> memref<20000x128xf32, #tpu.memory_space<hbm>>
        tpu.enqueue_indirect_dma source(%dma_start3A_663 : memref<20000x128xf32, #tpu.memory_space<hbm>>) target(%dma_start3A_657 : memref<88x128xf32, #tpu.memory_space<vmem>>) offsets(%dma_start3A_660 : memref<88xi32, #tpu.memory_space<vmem>>) semaphore(%arg10 : memref<!tpu.dma_semaphore, #tpu.memory_space<semaphore_mem>>)
      } else {
      }
      %dma_wait3A_387 = arith.constant 5 : i32
      %dma_wait3A_388 = arith.constant 0 : i32
      %dma_wait3A_389 = arith.constant 1 : i32
      %dma_wait3A_390 = arith.constant 0 : i32
      %dma_wait3A_391 = arith.constant 0 : i32
      %dma_wait3A_392 = tpu.memref_slice %arg8[%dma_wait3A_389, %dma_wait3A_390, %dma_wait3A_391] : memref<4x88x128xf32, #tpu.memory_space<vmem>> -> memref<1x88x128xf32, #tpu.memory_space<vmem>>
      %dma_wait3A_393 = tpu.memref_squeeze %dma_wait3A_392 : memref<1x88x128xf32, #tpu.memory_space<vmem>> -> memref<88x128xf32, #tpu.memory_space<vmem>>
      %dma_wait3A_394 = arith.constant 0 : i32
      %dma_wait3A_395 = tpu.memref_slice %arg7[%dma_wait3A_387, %dma_wait3A_388, %dma_wait3A_394] : memref<6x2x88xi32, #tpu.memory_space<vmem>> -> memref<1x1x88xi32, #tpu.memory_space<vmem>>
      %dma_wait3A_396 = tpu.memref_squeeze %dma_wait3A_395 : memref<1x1x88xi32, #tpu.memory_space<vmem>> -> memref<88xi32, #tpu.memory_space<vmem>>
      %dma_wait3A_397 = arith.constant 0 : i32
      %dma_wait3A_398 = arith.constant 0 : i32
      %dma_wait3A_399 = tpu.memref_slice %arg2[%dma_wait3A_397, %dma_wait3A_398] : memref<20000x128xf32, #tpu.memory_space<hbm>> -> memref<20000x128xf32, #tpu.memory_space<hbm>>
      tpu.wait_indirect_dma semaphore(%arg10 : memref<!tpu.dma_semaphore, #tpu.memory_space<semaphore_mem>>) src(%dma_wait3A_399 : memref<20000x128xf32, #tpu.memory_space<hbm>>) dst(%dma_wait3A_393 : memref<88x128xf32, #tpu.memory_space<vmem>>)
      %dma_start3A_400 = arith.constant 1 : i32
      %dma_start3A_401 = arith.constant 5 : i32
      %dma_start3A_402 = arith.constant 1 : i32
      %dma_start3A_403 = arith.constant 0 : i32
      %dma_start3A_404 = arith.constant 0 : i32
      %dma_start3A_405 = tpu.memref_slice %arg8[%dma_start3A_400, %dma_start3A_403, %dma_start3A_404] : memref<4x88x128xf32, #tpu.memory_space<vmem>> -> memref<1x88x128xf32, #tpu.memory_space<vmem>>
      %dma_start3A_406 = tpu.memref_squeeze %dma_start3A_405 : memref<1x88x128xf32, #tpu.memory_space<vmem>> -> memref<88x128xf32, #tpu.memory_space<vmem>>
      %dma_start3A_407 = arith.constant 0 : i32
      %dma_start3A_408 = tpu.memref_slice %arg7[%dma_start3A_401, %dma_start3A_402, %dma_start3A_407] : memref<6x2x88xi32, #tpu.memory_space<vmem>> -> memref<1x1x88xi32, #tpu.memory_space<vmem>>
      %dma_start3A_409 = tpu.memref_squeeze %dma_start3A_408 : memref<1x1x88xi32, #tpu.memory_space<vmem>> -> memref<88xi32, #tpu.memory_space<vmem>>
      %dma_start3A_410 = arith.constant 0 : i32
      %dma_start3A_411 = arith.constant 0 : i32
      %dma_start3A_412 = tpu.memref_slice %arg6[%dma_start3A_410, %dma_start3A_411] : memref<10112x128xf32, #tpu.memory_space<vmem_shared>> -> memref<10112x128xf32, #tpu.memory_space<vmem_shared>>
      tpu.enqueue_indirect_dma source(%dma_start3A_406 : memref<88x128xf32, #tpu.memory_space<vmem>>) target(%dma_start3A_412 : memref<10112x128xf32, #tpu.memory_space<vmem_shared>>) offsets(%dma_start3A_409 : memref<88xi32, #tpu.memory_space<vmem>>) semaphore(%arg12 : memref<!tpu.dma_semaphore, #tpu.memory_space<semaphore_mem>>) {add = true}
      %add3A_413 = arith.constant 6 : i32
      %add3A_414 = arith.addi %add3A_205, %add3A_413 : i32
      %add3A_415 = arith.constant 3 : i32
      %add3A_416 = arith.addi %add3A_414, %add3A_415 : i32
      %lt3A_417 = arith.constant 228 : i32
      %lt3A_418 = arith.cmpi slt, %add3A_416, %lt3A_417 : i32
      %convert_element_type3A_419 = arith.extui %lt3A_418 : i1 to i32
      %cond3A_420 = arith.constant 0 : i32
      %cond3A_421 = arith.cmpi ne, %convert_element_type3A_419, %cond3A_420 : i32
      scf.if %cond3A_421 {
        %dma_wait3A_623 = arith.constant 3 : i32
        %dma_wait3A_624 = arith.constant 0 : i32
        %dma_wait3A_625 = arith.constant 0 : i32
        %dma_wait3A_626 = tpu.memref_slice %arg7[%dma_wait3A_623, %dma_wait3A_624, %dma_wait3A_625] : memref<6x2x88xi32, #tpu.memory_space<vmem>> -> memref<1x2x88xi32, #tpu.memory_space<vmem>>
        %dma_wait3A_627 = tpu.memref_squeeze %dma_wait3A_626 : memref<1x2x88xi32, #tpu.memory_space<vmem>> -> memref<2x88xi32, #tpu.memory_space<vmem>>
        %dma_wait3A_628 = arith.constant 0 : i32
        %dma_wait3A_629 = arith.constant 0 : i32
        %dma_wait3A_630 = tpu.memref_slice %arg3[%mul3A_4, %dma_wait3A_628, %dma_wait3A_629] : memref<7296x2x88xi32, #tpu.memory_space<hbm>> -> memref<1x2x88xi32, #tpu.memory_space<hbm>>
        %dma_wait3A_631 = tpu.memref_squeeze %dma_wait3A_630 : memref<1x2x88xi32, #tpu.memory_space<hbm>> -> memref<2x88xi32, #tpu.memory_space<hbm>>
        %dma_wait3A_632 = arith.constant 0 : i32
        %dma_wait3A_633 = arith.constant 0 : i32
        %dma_wait3A_634 = tpu.memref_slice %arg7[%dma_wait3A_623, %dma_wait3A_632, %dma_wait3A_633] : memref<6x2x88xi32, #tpu.memory_space<vmem>> -> memref<1x2x88xi32, #tpu.memory_space<vmem>>
        %dma_wait3A_635 = tpu.memref_squeeze %dma_wait3A_634 : memref<1x2x88xi32, #tpu.memory_space<vmem>> -> memref<2x88xi32, #tpu.memory_space<vmem>>
        %dma_wait3A_636 = arith.constant 0 : i32
        %dma_wait3A_637 = arith.constant 0 : i32
        %dma_wait3A_638 = tpu.memref_slice %arg3[%mul3A_4, %dma_wait3A_636, %dma_wait3A_637] : memref<7296x2x88xi32, #tpu.memory_space<hbm>> -> memref<1x2x88xi32, #tpu.memory_space<hbm>>
        %dma_wait3A_639 = tpu.memref_squeeze %dma_wait3A_638 : memref<1x2x88xi32, #tpu.memory_space<hbm>> -> memref<2x88xi32, #tpu.memory_space<hbm>>
        tpu.wait_dma2 semaphore(%arg9 : memref<!tpu.dma_semaphore, #tpu.memory_space<semaphore_mem>>) src(%dma_wait3A_639 : memref<2x88xi32, #tpu.memory_space<hbm>>) dst(%dma_wait3A_635 : memref<2x88xi32, #tpu.memory_space<vmem>>)
        %ge3A = arith.constant 1 : i32
        %ge3A_640 = arith.cmpi sge, %add3A_414, %ge3A : i32
        %convert_element_type3A_641 = arith.extui %ge3A_640 : i1 to i32
        %cond3A_642 = arith.constant 0 : i32
        %cond3A_643 = arith.cmpi ne, %convert_element_type3A_641, %cond3A_642 : i32
        scf.if %cond3A_643 {
          %dma_wait3A_664 = arith.constant 1 : i32
          %dma_wait3A_665 = arith.constant 0 : i32
          %dma_wait3A_666 = arith.constant 0 : i32
          %dma_wait3A_667 = tpu.memref_slice %arg8[%dma_wait3A_664, %dma_wait3A_665, %dma_wait3A_666] : memref<4x88x128xf32, #tpu.memory_space<vmem>> -> memref<1x88x128xf32, #tpu.memory_space<vmem>>
          %dma_wait3A_668 = tpu.memref_squeeze %dma_wait3A_667 : memref<1x88x128xf32, #tpu.memory_space<vmem>> -> memref<88x128xf32, #tpu.memory_space<vmem>>
          %dma_wait3A_669 = arith.constant 0 : i32
          %dma_wait3A_670 = arith.constant 0 : i32
          %dma_wait3A_671 = tpu.memref_slice %arg2[%dma_wait3A_669, %dma_wait3A_670] : memref<20000x128xf32, #tpu.memory_space<hbm>> -> memref<88x128xf32, #tpu.memory_space<hbm>>
          %dma_wait3A_672 = arith.constant 0 : i32
          %dma_wait3A_673 = arith.constant 0 : i32
          %dma_wait3A_674 = tpu.memref_slice %arg8[%dma_wait3A_664, %dma_wait3A_672, %dma_wait3A_673] : memref<4x88x128xf32, #tpu.memory_space<vmem>> -> memref<1x88x128xf32, #tpu.memory_space<vmem>>
          %dma_wait3A_675 = tpu.memref_squeeze %dma_wait3A_674 : memref<1x88x128xf32, #tpu.memory_space<vmem>> -> memref<88x128xf32, #tpu.memory_space<vmem>>
          %dma_wait3A_676 = arith.constant 0 : i32
          %dma_wait3A_677 = arith.constant 0 : i32
          %dma_wait3A_678 = tpu.memref_slice %arg2[%dma_wait3A_676, %dma_wait3A_677] : memref<20000x128xf32, #tpu.memory_space<hbm>> -> memref<88x128xf32, #tpu.memory_space<hbm>>
          tpu.wait_dma2 semaphore(%arg12 : memref<!tpu.dma_semaphore, #tpu.memory_space<semaphore_mem>>) src(%dma_wait3A_678 : memref<88x128xf32, #tpu.memory_space<hbm>>) dst(%dma_wait3A_675 : memref<88x128xf32, #tpu.memory_space<vmem>>)
        } else {
        }
        %add3A_644 = arith.constant 4 : i32
        %add3A_645 = arith.addi %add3A_414, %add3A_644 : i32
        %lt3A_646 = arith.constant 228 : i32
        %lt3A_647 = arith.cmpi slt, %add3A_645, %lt3A_646 : i32
        %convert_element_type3A_648 = arith.extui %lt3A_647 : i1 to i32
        %cond3A_649 = arith.constant 0 : i32
        %cond3A_650 = arith.cmpi ne, %convert_element_type3A_648, %cond3A_649 : i32
        scf.if %cond3A_650 {
          %add3A_664 = arith.addi %mul3A_4, %add3A_414 : i32
          %add3A_665 = arith.constant 4 : i32
          %add3A_666 = arith.addi %add3A_664, %add3A_665 : i32
          %dma_start3A_667 = arith.constant 4 : i32
          %dma_start3A_668 = arith.constant 0 : i32
          %dma_start3A_669 = arith.constant 0 : i32
          %dma_start3A_670 = tpu.memref_slice %arg7[%dma_start3A_667, %dma_start3A_668, %dma_start3A_669] : memref<6x2x88xi32, #tpu.memory_space<vmem>> -> memref<1x2x88xi32, #tpu.memory_space<vmem>>
          %dma_start3A_671 = tpu.memref_squeeze %dma_start3A_670 : memref<1x2x88xi32, #tpu.memory_space<vmem>> -> memref<2x88xi32, #tpu.memory_space<vmem>>
          %dma_start3A_672 = arith.constant 0 : i32
          %dma_start3A_673 = arith.constant 0 : i32
          %dma_start3A_674 = tpu.memref_slice %arg3[%add3A_666, %dma_start3A_672, %dma_start3A_673] : memref<7296x2x88xi32, #tpu.memory_space<hbm>> -> memref<1x2x88xi32, #tpu.memory_space<hbm>>
          %dma_start3A_675 = tpu.memref_squeeze %dma_start3A_674 : memref<1x2x88xi32, #tpu.memory_space<hbm>> -> memref<2x88xi32, #tpu.memory_space<hbm>>
          %dma_start3A_676 = arith.constant 0 : i32
          %dma_start3A_677 = arith.constant 0 : i32
          %dma_start3A_678 = tpu.memref_slice %arg7[%dma_start3A_667, %dma_start3A_676, %dma_start3A_677] : memref<6x2x88xi32, #tpu.memory_space<vmem>> -> memref<1x2x88xi32, #tpu.memory_space<vmem>>
          %dma_start3A_679 = tpu.memref_squeeze %dma_start3A_678 : memref<1x2x88xi32, #tpu.memory_space<vmem>> -> memref<2x88xi32, #tpu.memory_space<vmem>>
          %dma_start3A_680 = arith.constant 0 : i32
          %dma_start3A_681 = arith.constant 0 : i32
          %dma_start3A_682 = tpu.memref_slice %arg3[%add3A_666, %dma_start3A_680, %dma_start3A_681] : memref<7296x2x88xi32, #tpu.memory_space<hbm>> -> memref<1x2x88xi32, #tpu.memory_space<hbm>>
          %dma_start3A_683 = tpu.memref_squeeze %dma_start3A_682 : memref<1x2x88xi32, #tpu.memory_space<hbm>> -> memref<2x88xi32, #tpu.memory_space<hbm>>
          tpu.enqueue_dma source(%dma_start3A_683 : memref<2x88xi32, #tpu.memory_space<hbm>>) target(%dma_start3A_679 : memref<2x88xi32, #tpu.memory_space<vmem>>) target_semaphore(%arg9 : memref<!tpu.dma_semaphore, #tpu.memory_space<semaphore_mem>>)
        } else {
        }
        %dma_start3A_651 = arith.constant 3 : i32
        %dma_start3A_652 = arith.constant 0 : i32
        %dma_start3A_653 = arith.constant 1 : i32
        %dma_start3A_654 = arith.constant 0 : i32
        %dma_start3A_655 = arith.constant 0 : i32
        %dma_start3A_656 = tpu.memref_slice %arg8[%dma_start3A_653, %dma_start3A_654, %dma_start3A_655] : memref<4x88x128xf32, #tpu.memory_space<vmem>> -> memref<1x88x128xf32, #tpu.memory_space<vmem>>
        %dma_start3A_657 = tpu.memref_squeeze %dma_start3A_656 : memref<1x88x128xf32, #tpu.memory_space<vmem>> -> memref<88x128xf32, #tpu.memory_space<vmem>>
        %dma_start3A_658 = arith.constant 0 : i32
        %dma_start3A_659 = tpu.memref_slice %arg7[%dma_start3A_651, %dma_start3A_652, %dma_start3A_658] : memref<6x2x88xi32, #tpu.memory_space<vmem>> -> memref<1x1x88xi32, #tpu.memory_space<vmem>>
        %dma_start3A_660 = tpu.memref_squeeze %dma_start3A_659 : memref<1x1x88xi32, #tpu.memory_space<vmem>> -> memref<88xi32, #tpu.memory_space<vmem>>
        %dma_start3A_661 = arith.constant 0 : i32
        %dma_start3A_662 = arith.constant 0 : i32
        %dma_start3A_663 = tpu.memref_slice %arg2[%dma_start3A_661, %dma_start3A_662] : memref<20000x128xf32, #tpu.memory_space<hbm>> -> memref<20000x128xf32, #tpu.memory_space<hbm>>
        tpu.enqueue_indirect_dma source(%dma_start3A_663 : memref<20000x128xf32, #tpu.memory_space<hbm>>) target(%dma_start3A_657 : memref<88x128xf32, #tpu.memory_space<vmem>>) offsets(%dma_start3A_660 : memref<88xi32, #tpu.memory_space<vmem>>) semaphore(%arg10 : memref<!tpu.dma_semaphore, #tpu.memory_space<semaphore_mem>>)
      } else {
      }
      %dma_wait3A_422 = arith.constant 0 : i32
      %dma_wait3A_423 = arith.constant 0 : i32
      %dma_wait3A_424 = arith.constant 2 : i32
      %dma_wait3A_425 = arith.constant 0 : i32
      %dma_wait3A_426 = arith.constant 0 : i32
      %dma_wait3A_427 = tpu.memref_slice %arg8[%dma_wait3A_424, %dma_wait3A_425, %dma_wait3A_426] : memref<4x88x128xf32, #tpu.memory_space<vmem>> -> memref<1x88x128xf32, #tpu.memory_space<vmem>>
      %dma_wait3A_428 = tpu.memref_squeeze %dma_wait3A_427 : memref<1x88x128xf32, #tpu.memory_space<vmem>> -> memref<88x128xf32, #tpu.memory_space<vmem>>
      %dma_wait3A_429 = arith.constant 0 : i32
      %dma_wait3A_430 = tpu.memref_slice %arg7[%dma_wait3A_422, %dma_wait3A_423, %dma_wait3A_429] : memref<6x2x88xi32, #tpu.memory_space<vmem>> -> memref<1x1x88xi32, #tpu.memory_space<vmem>>
      %dma_wait3A_431 = tpu.memref_squeeze %dma_wait3A_430 : memref<1x1x88xi32, #tpu.memory_space<vmem>> -> memref<88xi32, #tpu.memory_space<vmem>>
      %dma_wait3A_432 = arith.constant 0 : i32
      %dma_wait3A_433 = arith.constant 0 : i32
      %dma_wait3A_434 = tpu.memref_slice %arg2[%dma_wait3A_432, %dma_wait3A_433] : memref<20000x128xf32, #tpu.memory_space<hbm>> -> memref<20000x128xf32, #tpu.memory_space<hbm>>
      tpu.wait_indirect_dma semaphore(%arg10 : memref<!tpu.dma_semaphore, #tpu.memory_space<semaphore_mem>>) src(%dma_wait3A_434 : memref<20000x128xf32, #tpu.memory_space<hbm>>) dst(%dma_wait3A_428 : memref<88x128xf32, #tpu.memory_space<vmem>>)
      %dma_start3A_435 = arith.constant 2 : i32
      %dma_start3A_436 = arith.constant 0 : i32
      %dma_start3A_437 = arith.constant 1 : i32
      %dma_start3A_438 = arith.constant 0 : i32
      %dma_start3A_439 = arith.constant 0 : i32
      %dma_start3A_440 = tpu.memref_slice %arg8[%dma_start3A_435, %dma_start3A_438, %dma_start3A_439] : memref<4x88x128xf32, #tpu.memory_space<vmem>> -> memref<1x88x128xf32, #tpu.memory_space<vmem>>
      %dma_start3A_441 = tpu.memref_squeeze %dma_start3A_440 : memref<1x88x128xf32, #tpu.memory_space<vmem>> -> memref<88x128xf32, #tpu.memory_space<vmem>>
      %dma_start3A_442 = arith.constant 0 : i32
      %dma_start3A_443 = tpu.memref_slice %arg7[%dma_start3A_436, %dma_start3A_437, %dma_start3A_442] : memref<6x2x88xi32, #tpu.memory_space<vmem>> -> memref<1x1x88xi32, #tpu.memory_space<vmem>>
      %dma_start3A_444 = tpu.memref_squeeze %dma_start3A_443 : memref<1x1x88xi32, #tpu.memory_space<vmem>> -> memref<88xi32, #tpu.memory_space<vmem>>
      %dma_start3A_445 = arith.constant 0 : i32
      %dma_start3A_446 = arith.constant 0 : i32
      %dma_start3A_447 = tpu.memref_slice %arg6[%dma_start3A_445, %dma_start3A_446] : memref<10112x128xf32, #tpu.memory_space<vmem_shared>> -> memref<10112x128xf32, #tpu.memory_space<vmem_shared>>
      tpu.enqueue_indirect_dma source(%dma_start3A_441 : memref<88x128xf32, #tpu.memory_space<vmem>>) target(%dma_start3A_447 : memref<10112x128xf32, #tpu.memory_space<vmem_shared>>) offsets(%dma_start3A_444 : memref<88xi32, #tpu.memory_space<vmem>>) semaphore(%arg13 : memref<!tpu.dma_semaphore, #tpu.memory_space<semaphore_mem>>) {add = true}
      %add3A_448 = arith.constant 7 : i32
      %add3A_449 = arith.addi %add3A_205, %add3A_448 : i32
      %add3A_450 = arith.constant 3 : i32
      %add3A_451 = arith.addi %add3A_449, %add3A_450 : i32
      %lt3A_452 = arith.constant 228 : i32
      %lt3A_453 = arith.cmpi slt, %add3A_451, %lt3A_452 : i32
      %convert_element_type3A_454 = arith.extui %lt3A_453 : i1 to i32
      %cond3A_455 = arith.constant 0 : i32
      %cond3A_456 = arith.cmpi ne, %convert_element_type3A_454, %cond3A_455 : i32
      scf.if %cond3A_456 {
        %dma_wait3A_623 = arith.constant 4 : i32
        %dma_wait3A_624 = arith.constant 0 : i32
        %dma_wait3A_625 = arith.constant 0 : i32
        %dma_wait3A_626 = tpu.memref_slice %arg7[%dma_wait3A_623, %dma_wait3A_624, %dma_wait3A_625] : memref<6x2x88xi32, #tpu.memory_space<vmem>> -> memref<1x2x88xi32, #tpu.memory_space<vmem>>
        %dma_wait3A_627 = tpu.memref_squeeze %dma_wait3A_626 : memref<1x2x88xi32, #tpu.memory_space<vmem>> -> memref<2x88xi32, #tpu.memory_space<vmem>>
        %dma_wait3A_628 = arith.constant 0 : i32
        %dma_wait3A_629 = arith.constant 0 : i32
        %dma_wait3A_630 = tpu.memref_slice %arg3[%mul3A_4, %dma_wait3A_628, %dma_wait3A_629] : memref<7296x2x88xi32, #tpu.memory_space<hbm>> -> memref<1x2x88xi32, #tpu.memory_space<hbm>>
        %dma_wait3A_631 = tpu.memref_squeeze %dma_wait3A_630 : memref<1x2x88xi32, #tpu.memory_space<hbm>> -> memref<2x88xi32, #tpu.memory_space<hbm>>
        %dma_wait3A_632 = arith.constant 0 : i32
        %dma_wait3A_633 = arith.constant 0 : i32
        %dma_wait3A_634 = tpu.memref_slice %arg7[%dma_wait3A_623, %dma_wait3A_632, %dma_wait3A_633] : memref<6x2x88xi32, #tpu.memory_space<vmem>> -> memref<1x2x88xi32, #tpu.memory_space<vmem>>
        %dma_wait3A_635 = tpu.memref_squeeze %dma_wait3A_634 : memref<1x2x88xi32, #tpu.memory_space<vmem>> -> memref<2x88xi32, #tpu.memory_space<vmem>>
        %dma_wait3A_636 = arith.constant 0 : i32
        %dma_wait3A_637 = arith.constant 0 : i32
        %dma_wait3A_638 = tpu.memref_slice %arg3[%mul3A_4, %dma_wait3A_636, %dma_wait3A_637] : memref<7296x2x88xi32, #tpu.memory_space<hbm>> -> memref<1x2x88xi32, #tpu.memory_space<hbm>>
        %dma_wait3A_639 = tpu.memref_squeeze %dma_wait3A_638 : memref<1x2x88xi32, #tpu.memory_space<hbm>> -> memref<2x88xi32, #tpu.memory_space<hbm>>
        tpu.wait_dma2 semaphore(%arg9 : memref<!tpu.dma_semaphore, #tpu.memory_space<semaphore_mem>>) src(%dma_wait3A_639 : memref<2x88xi32, #tpu.memory_space<hbm>>) dst(%dma_wait3A_635 : memref<2x88xi32, #tpu.memory_space<vmem>>)
        %ge3A = arith.constant 1 : i32
        %ge3A_640 = arith.cmpi sge, %add3A_449, %ge3A : i32
        %convert_element_type3A_641 = arith.extui %ge3A_640 : i1 to i32
        %cond3A_642 = arith.constant 0 : i32
        %cond3A_643 = arith.cmpi ne, %convert_element_type3A_641, %cond3A_642 : i32
        scf.if %cond3A_643 {
          %dma_wait3A_664 = arith.constant 2 : i32
          %dma_wait3A_665 = arith.constant 0 : i32
          %dma_wait3A_666 = arith.constant 0 : i32
          %dma_wait3A_667 = tpu.memref_slice %arg8[%dma_wait3A_664, %dma_wait3A_665, %dma_wait3A_666] : memref<4x88x128xf32, #tpu.memory_space<vmem>> -> memref<1x88x128xf32, #tpu.memory_space<vmem>>
          %dma_wait3A_668 = tpu.memref_squeeze %dma_wait3A_667 : memref<1x88x128xf32, #tpu.memory_space<vmem>> -> memref<88x128xf32, #tpu.memory_space<vmem>>
          %dma_wait3A_669 = arith.constant 0 : i32
          %dma_wait3A_670 = arith.constant 0 : i32
          %dma_wait3A_671 = tpu.memref_slice %arg2[%dma_wait3A_669, %dma_wait3A_670] : memref<20000x128xf32, #tpu.memory_space<hbm>> -> memref<88x128xf32, #tpu.memory_space<hbm>>
          %dma_wait3A_672 = arith.constant 0 : i32
          %dma_wait3A_673 = arith.constant 0 : i32
          %dma_wait3A_674 = tpu.memref_slice %arg8[%dma_wait3A_664, %dma_wait3A_672, %dma_wait3A_673] : memref<4x88x128xf32, #tpu.memory_space<vmem>> -> memref<1x88x128xf32, #tpu.memory_space<vmem>>
          %dma_wait3A_675 = tpu.memref_squeeze %dma_wait3A_674 : memref<1x88x128xf32, #tpu.memory_space<vmem>> -> memref<88x128xf32, #tpu.memory_space<vmem>>
          %dma_wait3A_676 = arith.constant 0 : i32
          %dma_wait3A_677 = arith.constant 0 : i32
          %dma_wait3A_678 = tpu.memref_slice %arg2[%dma_wait3A_676, %dma_wait3A_677] : memref<20000x128xf32, #tpu.memory_space<hbm>> -> memref<88x128xf32, #tpu.memory_space<hbm>>
          tpu.wait_dma2 semaphore(%arg13 : memref<!tpu.dma_semaphore, #tpu.memory_space<semaphore_mem>>) src(%dma_wait3A_678 : memref<88x128xf32, #tpu.memory_space<hbm>>) dst(%dma_wait3A_675 : memref<88x128xf32, #tpu.memory_space<vmem>>)
        } else {
        }
        %add3A_644 = arith.constant 4 : i32
        %add3A_645 = arith.addi %add3A_449, %add3A_644 : i32
        %lt3A_646 = arith.constant 228 : i32
        %lt3A_647 = arith.cmpi slt, %add3A_645, %lt3A_646 : i32
        %convert_element_type3A_648 = arith.extui %lt3A_647 : i1 to i32
        %cond3A_649 = arith.constant 0 : i32
        %cond3A_650 = arith.cmpi ne, %convert_element_type3A_648, %cond3A_649 : i32
        scf.if %cond3A_650 {
          %add3A_664 = arith.addi %mul3A_4, %add3A_449 : i32
          %add3A_665 = arith.constant 4 : i32
          %add3A_666 = arith.addi %add3A_664, %add3A_665 : i32
          %dma_start3A_667 = arith.constant 5 : i32
          %dma_start3A_668 = arith.constant 0 : i32
          %dma_start3A_669 = arith.constant 0 : i32
          %dma_start3A_670 = tpu.memref_slice %arg7[%dma_start3A_667, %dma_start3A_668, %dma_start3A_669] : memref<6x2x88xi32, #tpu.memory_space<vmem>> -> memref<1x2x88xi32, #tpu.memory_space<vmem>>
          %dma_start3A_671 = tpu.memref_squeeze %dma_start3A_670 : memref<1x2x88xi32, #tpu.memory_space<vmem>> -> memref<2x88xi32, #tpu.memory_space<vmem>>
          %dma_start3A_672 = arith.constant 0 : i32
          %dma_start3A_673 = arith.constant 0 : i32
          %dma_start3A_674 = tpu.memref_slice %arg3[%add3A_666, %dma_start3A_672, %dma_start3A_673] : memref<7296x2x88xi32, #tpu.memory_space<hbm>> -> memref<1x2x88xi32, #tpu.memory_space<hbm>>
          %dma_start3A_675 = tpu.memref_squeeze %dma_start3A_674 : memref<1x2x88xi32, #tpu.memory_space<hbm>> -> memref<2x88xi32, #tpu.memory_space<hbm>>
          %dma_start3A_676 = arith.constant 0 : i32
          %dma_start3A_677 = arith.constant 0 : i32
          %dma_start3A_678 = tpu.memref_slice %arg7[%dma_start3A_667, %dma_start3A_676, %dma_start3A_677] : memref<6x2x88xi32, #tpu.memory_space<vmem>> -> memref<1x2x88xi32, #tpu.memory_space<vmem>>
          %dma_start3A_679 = tpu.memref_squeeze %dma_start3A_678 : memref<1x2x88xi32, #tpu.memory_space<vmem>> -> memref<2x88xi32, #tpu.memory_space<vmem>>
          %dma_start3A_680 = arith.constant 0 : i32
          %dma_start3A_681 = arith.constant 0 : i32
          %dma_start3A_682 = tpu.memref_slice %arg3[%add3A_666, %dma_start3A_680, %dma_start3A_681] : memref<7296x2x88xi32, #tpu.memory_space<hbm>> -> memref<1x2x88xi32, #tpu.memory_space<hbm>>
          %dma_start3A_683 = tpu.memref_squeeze %dma_start3A_682 : memref<1x2x88xi32, #tpu.memory_space<hbm>> -> memref<2x88xi32, #tpu.memory_space<hbm>>
          tpu.enqueue_dma source(%dma_start3A_683 : memref<2x88xi32, #tpu.memory_space<hbm>>) target(%dma_start3A_679 : memref<2x88xi32, #tpu.memory_space<vmem>>) target_semaphore(%arg9 : memref<!tpu.dma_semaphore, #tpu.memory_space<semaphore_mem>>)
        } else {
        }
        %dma_start3A_651 = arith.constant 4 : i32
        %dma_start3A_652 = arith.constant 0 : i32
        %dma_start3A_653 = arith.constant 2 : i32
        %dma_start3A_654 = arith.constant 0 : i32
        %dma_start3A_655 = arith.constant 0 : i32
        %dma_start3A_656 = tpu.memref_slice %arg8[%dma_start3A_653, %dma_start3A_654, %dma_start3A_655] : memref<4x88x128xf32, #tpu.memory_space<vmem>> -> memref<1x88x128xf32, #tpu.memory_space<vmem>>
        %dma_start3A_657 = tpu.memref_squeeze %dma_start3A_656 : memref<1x88x128xf32, #tpu.memory_space<vmem>> -> memref<88x128xf32, #tpu.memory_space<vmem>>
        %dma_start3A_658 = arith.constant 0 : i32
        %dma_start3A_659 = tpu.memref_slice %arg7[%dma_start3A_651, %dma_start3A_652, %dma_start3A_658] : memref<6x2x88xi32, #tpu.memory_space<vmem>> -> memref<1x1x88xi32, #tpu.memory_space<vmem>>
        %dma_start3A_660 = tpu.memref_squeeze %dma_start3A_659 : memref<1x1x88xi32, #tpu.memory_space<vmem>> -> memref<88xi32, #tpu.memory_space<vmem>>
        %dma_start3A_661 = arith.constant 0 : i32
        %dma_start3A_662 = arith.constant 0 : i32
        %dma_start3A_663 = tpu.memref_slice %arg2[%dma_start3A_661, %dma_start3A_662] : memref<20000x128xf32, #tpu.memory_space<hbm>> -> memref<20000x128xf32, #tpu.memory_space<hbm>>
        tpu.enqueue_indirect_dma source(%dma_start3A_663 : memref<20000x128xf32, #tpu.memory_space<hbm>>) target(%dma_start3A_657 : memref<88x128xf32, #tpu.memory_space<vmem>>) offsets(%dma_start3A_660 : memref<88xi32, #tpu.memory_space<vmem>>) semaphore(%arg10 : memref<!tpu.dma_semaphore, #tpu.memory_space<semaphore_mem>>)
      } else {
      }
      %dma_wait3A_457 = arith.constant 1 : i32
      %dma_wait3A_458 = arith.constant 0 : i32
      %dma_wait3A_459 = arith.constant 3 : i32
      %dma_wait3A_460 = arith.constant 0 : i32
      %dma_wait3A_461 = arith.constant 0 : i32
      %dma_wait3A_462 = tpu.memref_slice %arg8[%dma_wait3A_459, %dma_wait3A_460, %dma_wait3A_461] : memref<4x88x128xf32, #tpu.memory_space<vmem>> -> memref<1x88x128xf32, #tpu.memory_space<vmem>>
      %dma_wait3A_463 = tpu.memref_squeeze %dma_wait3A_462 : memref<1x88x128xf32, #tpu.memory_space<vmem>> -> memref<88x128xf32, #tpu.memory_space<vmem>>
      %dma_wait3A_464 = arith.constant 0 : i32
      %dma_wait3A_465 = tpu.memref_slice %arg7[%dma_wait3A_457, %dma_wait3A_458, %dma_wait3A_464] : memref<6x2x88xi32, #tpu.memory_space<vmem>> -> memref<1x1x88xi32, #tpu.memory_space<vmem>>
      %dma_wait3A_466 = tpu.memref_squeeze %dma_wait3A_465 : memref<1x1x88xi32, #tpu.memory_space<vmem>> -> memref<88xi32, #tpu.memory_space<vmem>>
      %dma_wait3A_467 = arith.constant 0 : i32
      %dma_wait3A_468 = arith.constant 0 : i32
      %dma_wait3A_469 = tpu.memref_slice %arg2[%dma_wait3A_467, %dma_wait3A_468] : memref<20000x128xf32, #tpu.memory_space<hbm>> -> memref<20000x128xf32, #tpu.memory_space<hbm>>
      tpu.wait_indirect_dma semaphore(%arg10 : memref<!tpu.dma_semaphore, #tpu.memory_space<semaphore_mem>>) src(%dma_wait3A_469 : memref<20000x128xf32, #tpu.memory_space<hbm>>) dst(%dma_wait3A_463 : memref<88x128xf32, #tpu.memory_space<vmem>>)
      %dma_start3A_470 = arith.constant 3 : i32
      %dma_start3A_471 = arith.constant 1 : i32
      %dma_start3A_472 = arith.constant 1 : i32
      %dma_start3A_473 = arith.constant 0 : i32
      %dma_start3A_474 = arith.constant 0 : i32
      %dma_start3A_475 = tpu.memref_slice %arg8[%dma_start3A_470, %dma_start3A_473, %dma_start3A_474] : memref<4x88x128xf32, #tpu.memory_space<vmem>> -> memref<1x88x128xf32, #tpu.memory_space<vmem>>
      %dma_start3A_476 = tpu.memref_squeeze %dma_start3A_475 : memref<1x88x128xf32, #tpu.memory_space<vmem>> -> memref<88x128xf32, #tpu.memory_space<vmem>>
      %dma_start3A_477 = arith.constant 0 : i32
      %dma_start3A_478 = tpu.memref_slice %arg7[%dma_start3A_471, %dma_start3A_472, %dma_start3A_477] : memref<6x2x88xi32, #tpu.memory_space<vmem>> -> memref<1x1x88xi32, #tpu.memory_space<vmem>>
      %dma_start3A_479 = tpu.memref_squeeze %dma_start3A_478 : memref<1x1x88xi32, #tpu.memory_space<vmem>> -> memref<88xi32, #tpu.memory_space<vmem>>
      %dma_start3A_480 = arith.constant 0 : i32
      %dma_start3A_481 = arith.constant 0 : i32
      %dma_start3A_482 = tpu.memref_slice %arg6[%dma_start3A_480, %dma_start3A_481] : memref<10112x128xf32, #tpu.memory_space<vmem_shared>> -> memref<10112x128xf32, #tpu.memory_space<vmem_shared>>
      tpu.enqueue_indirect_dma source(%dma_start3A_476 : memref<88x128xf32, #tpu.memory_space<vmem>>) target(%dma_start3A_482 : memref<10112x128xf32, #tpu.memory_space<vmem_shared>>) offsets(%dma_start3A_479 : memref<88xi32, #tpu.memory_space<vmem>>) semaphore(%arg14 : memref<!tpu.dma_semaphore, #tpu.memory_space<semaphore_mem>>) {add = true}
      %add3A_483 = arith.constant 8 : i32
      %add3A_484 = arith.addi %add3A_205, %add3A_483 : i32
      %add3A_485 = arith.constant 3 : i32
      %add3A_486 = arith.addi %add3A_484, %add3A_485 : i32
      %lt3A_487 = arith.constant 228 : i32
      %lt3A_488 = arith.cmpi slt, %add3A_486, %lt3A_487 : i32
      %convert_element_type3A_489 = arith.extui %lt3A_488 : i1 to i32
      %cond3A_490 = arith.constant 0 : i32
      %cond3A_491 = arith.cmpi ne, %convert_element_type3A_489, %cond3A_490 : i32
      scf.if %cond3A_491 {
        %dma_wait3A_623 = arith.constant 5 : i32
        %dma_wait3A_624 = arith.constant 0 : i32
        %dma_wait3A_625 = arith.constant 0 : i32
        %dma_wait3A_626 = tpu.memref_slice %arg7[%dma_wait3A_623, %dma_wait3A_624, %dma_wait3A_625] : memref<6x2x88xi32, #tpu.memory_space<vmem>> -> memref<1x2x88xi32, #tpu.memory_space<vmem>>
        %dma_wait3A_627 = tpu.memref_squeeze %dma_wait3A_626 : memref<1x2x88xi32, #tpu.memory_space<vmem>> -> memref<2x88xi32, #tpu.memory_space<vmem>>
        %dma_wait3A_628 = arith.constant 0 : i32
        %dma_wait3A_629 = arith.constant 0 : i32
        %dma_wait3A_630 = tpu.memref_slice %arg3[%mul3A_4, %dma_wait3A_628, %dma_wait3A_629] : memref<7296x2x88xi32, #tpu.memory_space<hbm>> -> memref<1x2x88xi32, #tpu.memory_space<hbm>>
        %dma_wait3A_631 = tpu.memref_squeeze %dma_wait3A_630 : memref<1x2x88xi32, #tpu.memory_space<hbm>> -> memref<2x88xi32, #tpu.memory_space<hbm>>
        %dma_wait3A_632 = arith.constant 0 : i32
        %dma_wait3A_633 = arith.constant 0 : i32
        %dma_wait3A_634 = tpu.memref_slice %arg7[%dma_wait3A_623, %dma_wait3A_632, %dma_wait3A_633] : memref<6x2x88xi32, #tpu.memory_space<vmem>> -> memref<1x2x88xi32, #tpu.memory_space<vmem>>
        %dma_wait3A_635 = tpu.memref_squeeze %dma_wait3A_634 : memref<1x2x88xi32, #tpu.memory_space<vmem>> -> memref<2x88xi32, #tpu.memory_space<vmem>>
        %dma_wait3A_636 = arith.constant 0 : i32
        %dma_wait3A_637 = arith.constant 0 : i32
        %dma_wait3A_638 = tpu.memref_slice %arg3[%mul3A_4, %dma_wait3A_636, %dma_wait3A_637] : memref<7296x2x88xi32, #tpu.memory_space<hbm>> -> memref<1x2x88xi32, #tpu.memory_space<hbm>>
        %dma_wait3A_639 = tpu.memref_squeeze %dma_wait3A_638 : memref<1x2x88xi32, #tpu.memory_space<hbm>> -> memref<2x88xi32, #tpu.memory_space<hbm>>
        tpu.wait_dma2 semaphore(%arg9 : memref<!tpu.dma_semaphore, #tpu.memory_space<semaphore_mem>>) src(%dma_wait3A_639 : memref<2x88xi32, #tpu.memory_space<hbm>>) dst(%dma_wait3A_635 : memref<2x88xi32, #tpu.memory_space<vmem>>)
        %ge3A = arith.constant 1 : i32
        %ge3A_640 = arith.cmpi sge, %add3A_484, %ge3A : i32
        %convert_element_type3A_641 = arith.extui %ge3A_640 : i1 to i32
        %cond3A_642 = arith.constant 0 : i32
        %cond3A_643 = arith.cmpi ne, %convert_element_type3A_641, %cond3A_642 : i32
        scf.if %cond3A_643 {
          %dma_wait3A_664 = arith.constant 3 : i32
          %dma_wait3A_665 = arith.constant 0 : i32
          %dma_wait3A_666 = arith.constant 0 : i32
          %dma_wait3A_667 = tpu.memref_slice %arg8[%dma_wait3A_664, %dma_wait3A_665, %dma_wait3A_666] : memref<4x88x128xf32, #tpu.memory_space<vmem>> -> memref<1x88x128xf32, #tpu.memory_space<vmem>>
          %dma_wait3A_668 = tpu.memref_squeeze %dma_wait3A_667 : memref<1x88x128xf32, #tpu.memory_space<vmem>> -> memref<88x128xf32, #tpu.memory_space<vmem>>
          %dma_wait3A_669 = arith.constant 0 : i32
          %dma_wait3A_670 = arith.constant 0 : i32
          %dma_wait3A_671 = tpu.memref_slice %arg2[%dma_wait3A_669, %dma_wait3A_670] : memref<20000x128xf32, #tpu.memory_space<hbm>> -> memref<88x128xf32, #tpu.memory_space<hbm>>
          %dma_wait3A_672 = arith.constant 0 : i32
          %dma_wait3A_673 = arith.constant 0 : i32
          %dma_wait3A_674 = tpu.memref_slice %arg8[%dma_wait3A_664, %dma_wait3A_672, %dma_wait3A_673] : memref<4x88x128xf32, #tpu.memory_space<vmem>> -> memref<1x88x128xf32, #tpu.memory_space<vmem>>
          %dma_wait3A_675 = tpu.memref_squeeze %dma_wait3A_674 : memref<1x88x128xf32, #tpu.memory_space<vmem>> -> memref<88x128xf32, #tpu.memory_space<vmem>>
          %dma_wait3A_676 = arith.constant 0 : i32
          %dma_wait3A_677 = arith.constant 0 : i32
          %dma_wait3A_678 = tpu.memref_slice %arg2[%dma_wait3A_676, %dma_wait3A_677] : memref<20000x128xf32, #tpu.memory_space<hbm>> -> memref<88x128xf32, #tpu.memory_space<hbm>>
          tpu.wait_dma2 semaphore(%arg14 : memref<!tpu.dma_semaphore, #tpu.memory_space<semaphore_mem>>) src(%dma_wait3A_678 : memref<88x128xf32, #tpu.memory_space<hbm>>) dst(%dma_wait3A_675 : memref<88x128xf32, #tpu.memory_space<vmem>>)
        } else {
        }
        %add3A_644 = arith.constant 4 : i32
        %add3A_645 = arith.addi %add3A_484, %add3A_644 : i32
        %lt3A_646 = arith.constant 228 : i32
        %lt3A_647 = arith.cmpi slt, %add3A_645, %lt3A_646 : i32
        %convert_element_type3A_648 = arith.extui %lt3A_647 : i1 to i32
        %cond3A_649 = arith.constant 0 : i32
        %cond3A_650 = arith.cmpi ne, %convert_element_type3A_648, %cond3A_649 : i32
        scf.if %cond3A_650 {
          %add3A_664 = arith.addi %mul3A_4, %add3A_484 : i32
          %add3A_665 = arith.constant 4 : i32
          %add3A_666 = arith.addi %add3A_664, %add3A_665 : i32
          %dma_start3A_667 = arith.constant 0 : i32
          %dma_start3A_668 = arith.constant 0 : i32
          %dma_start3A_669 = arith.constant 0 : i32
          %dma_start3A_670 = tpu.memref_slice %arg7[%dma_start3A_667, %dma_start3A_668, %dma_start3A_669] : memref<6x2x88xi32, #tpu.memory_space<vmem>> -> memref<1x2x88xi32, #tpu.memory_space<vmem>>
          %dma_start3A_671 = tpu.memref_squeeze %dma_start3A_670 : memref<1x2x88xi32, #tpu.memory_space<vmem>> -> memref<2x88xi32, #tpu.memory_space<vmem>>
          %dma_start3A_672 = arith.constant 0 : i32
          %dma_start3A_673 = arith.constant 0 : i32
          %dma_start3A_674 = tpu.memref_slice %arg3[%add3A_666, %dma_start3A_672, %dma_start3A_673] : memref<7296x2x88xi32, #tpu.memory_space<hbm>> -> memref<1x2x88xi32, #tpu.memory_space<hbm>>
          %dma_start3A_675 = tpu.memref_squeeze %dma_start3A_674 : memref<1x2x88xi32, #tpu.memory_space<hbm>> -> memref<2x88xi32, #tpu.memory_space<hbm>>
          %dma_start3A_676 = arith.constant 0 : i32
          %dma_start3A_677 = arith.constant 0 : i32
          %dma_start3A_678 = tpu.memref_slice %arg7[%dma_start3A_667, %dma_start3A_676, %dma_start3A_677] : memref<6x2x88xi32, #tpu.memory_space<vmem>> -> memref<1x2x88xi32, #tpu.memory_space<vmem>>
          %dma_start3A_679 = tpu.memref_squeeze %dma_start3A_678 : memref<1x2x88xi32, #tpu.memory_space<vmem>> -> memref<2x88xi32, #tpu.memory_space<vmem>>
          %dma_start3A_680 = arith.constant 0 : i32
          %dma_start3A_681 = arith.constant 0 : i32
          %dma_start3A_682 = tpu.memref_slice %arg3[%add3A_666, %dma_start3A_680, %dma_start3A_681] : memref<7296x2x88xi32, #tpu.memory_space<hbm>> -> memref<1x2x88xi32, #tpu.memory_space<hbm>>
          %dma_start3A_683 = tpu.memref_squeeze %dma_start3A_682 : memref<1x2x88xi32, #tpu.memory_space<hbm>> -> memref<2x88xi32, #tpu.memory_space<hbm>>
          tpu.enqueue_dma source(%dma_start3A_683 : memref<2x88xi32, #tpu.memory_space<hbm>>) target(%dma_start3A_679 : memref<2x88xi32, #tpu.memory_space<vmem>>) target_semaphore(%arg9 : memref<!tpu.dma_semaphore, #tpu.memory_space<semaphore_mem>>)
        } else {
        }
        %dma_start3A_651 = arith.constant 5 : i32
        %dma_start3A_652 = arith.constant 0 : i32
        %dma_start3A_653 = arith.constant 3 : i32
        %dma_start3A_654 = arith.constant 0 : i32
        %dma_start3A_655 = arith.constant 0 : i32
        %dma_start3A_656 = tpu.memref_slice %arg8[%dma_start3A_653, %dma_start3A_654, %dma_start3A_655] : memref<4x88x128xf32, #tpu.memory_space<vmem>> -> memref<1x88x128xf32, #tpu.memory_space<vmem>>
        %dma_start3A_657 = tpu.memref_squeeze %dma_start3A_656 : memref<1x88x128xf32, #tpu.memory_space<vmem>> -> memref<88x128xf32, #tpu.memory_space<vmem>>
        %dma_start3A_658 = arith.constant 0 : i32
        %dma_start3A_659 = tpu.memref_slice %arg7[%dma_start3A_651, %dma_start3A_652, %dma_start3A_658] : memref<6x2x88xi32, #tpu.memory_space<vmem>> -> memref<1x1x88xi32, #tpu.memory_space<vmem>>
        %dma_start3A_660 = tpu.memref_squeeze %dma_start3A_659 : memref<1x1x88xi32, #tpu.memory_space<vmem>> -> memref<88xi32, #tpu.memory_space<vmem>>
        %dma_start3A_661 = arith.constant 0 : i32
        %dma_start3A_662 = arith.constant 0 : i32
        %dma_start3A_663 = tpu.memref_slice %arg2[%dma_start3A_661, %dma_start3A_662] : memref<20000x128xf32, #tpu.memory_space<hbm>> -> memref<20000x128xf32, #tpu.memory_space<hbm>>
        tpu.enqueue_indirect_dma source(%dma_start3A_663 : memref<20000x128xf32, #tpu.memory_space<hbm>>) target(%dma_start3A_657 : memref<88x128xf32, #tpu.memory_space<vmem>>) offsets(%dma_start3A_660 : memref<88xi32, #tpu.memory_space<vmem>>) semaphore(%arg10 : memref<!tpu.dma_semaphore, #tpu.memory_space<semaphore_mem>>)
      } else {
      }
      %dma_wait3A_492 = arith.constant 2 : i32
      %dma_wait3A_493 = arith.constant 0 : i32
      %dma_wait3A_494 = arith.constant 0 : i32
      %dma_wait3A_495 = arith.constant 0 : i32
      %dma_wait3A_496 = arith.constant 0 : i32
      %dma_wait3A_497 = tpu.memref_slice %arg8[%dma_wait3A_494, %dma_wait3A_495, %dma_wait3A_496] : memref<4x88x128xf32, #tpu.memory_space<vmem>> -> memref<1x88x128xf32, #tpu.memory_space<vmem>>
      %dma_wait3A_498 = tpu.memref_squeeze %dma_wait3A_497 : memref<1x88x128xf32, #tpu.memory_space<vmem>> -> memref<88x128xf32, #tpu.memory_space<vmem>>
      %dma_wait3A_499 = arith.constant 0 : i32
      %dma_wait3A_500 = tpu.memref_slice %arg7[%dma_wait3A_492, %dma_wait3A_493, %dma_wait3A_499] : memref<6x2x88xi32, #tpu.memory_space<vmem>> -> memref<1x1x88xi32, #tpu.memory_space<vmem>>
      %dma_wait3A_501 = tpu.memref_squeeze %dma_wait3A_500 : memref<1x1x88xi32, #tpu.memory_space<vmem>> -> memref<88xi32, #tpu.memory_space<vmem>>
      %dma_wait3A_502 = arith.constant 0 : i32
      %dma_wait3A_503 = arith.constant 0 : i32
      %dma_wait3A_504 = tpu.memref_slice %arg2[%dma_wait3A_502, %dma_wait3A_503] : memref<20000x128xf32, #tpu.memory_space<hbm>> -> memref<20000x128xf32, #tpu.memory_space<hbm>>
      tpu.wait_indirect_dma semaphore(%arg10 : memref<!tpu.dma_semaphore, #tpu.memory_space<semaphore_mem>>) src(%dma_wait3A_504 : memref<20000x128xf32, #tpu.memory_space<hbm>>) dst(%dma_wait3A_498 : memref<88x128xf32, #tpu.memory_space<vmem>>)
      %dma_start3A_505 = arith.constant 0 : i32
      %dma_start3A_506 = arith.constant 2 : i32
      %dma_start3A_507 = arith.constant 1 : i32
      %dma_start3A_508 = arith.constant 0 : i32
      %dma_start3A_509 = arith.constant 0 : i32
      %dma_start3A_510 = tpu.memref_slice %arg8[%dma_start3A_505, %dma_start3A_508, %dma_start3A_509] : memref<4x88x128xf32, #tpu.memory_space<vmem>> -> memref<1x88x128xf32, #tpu.memory_space<vmem>>
      %dma_start3A_511 = tpu.memref_squeeze %dma_start3A_510 : memref<1x88x128xf32, #tpu.memory_space<vmem>> -> memref<88x128xf32, #tpu.memory_space<vmem>>
      %dma_start3A_512 = arith.constant 0 : i32
      %dma_start3A_513 = tpu.memref_slice %arg7[%dma_start3A_506, %dma_start3A_507, %dma_start3A_512] : memref<6x2x88xi32, #tpu.memory_space<vmem>> -> memref<1x1x88xi32, #tpu.memory_space<vmem>>
      %dma_start3A_514 = tpu.memref_squeeze %dma_start3A_513 : memref<1x1x88xi32, #tpu.memory_space<vmem>> -> memref<88xi32, #tpu.memory_space<vmem>>
      %dma_start3A_515 = arith.constant 0 : i32
      %dma_start3A_516 = arith.constant 0 : i32
      %dma_start3A_517 = tpu.memref_slice %arg6[%dma_start3A_515, %dma_start3A_516] : memref<10112x128xf32, #tpu.memory_space<vmem_shared>> -> memref<10112x128xf32, #tpu.memory_space<vmem_shared>>
      tpu.enqueue_indirect_dma source(%dma_start3A_511 : memref<88x128xf32, #tpu.memory_space<vmem>>) target(%dma_start3A_517 : memref<10112x128xf32, #tpu.memory_space<vmem_shared>>) offsets(%dma_start3A_514 : memref<88xi32, #tpu.memory_space<vmem>>) semaphore(%arg11 : memref<!tpu.dma_semaphore, #tpu.memory_space<semaphore_mem>>) {add = true}
      %add3A_518 = arith.constant 9 : i32
      %add3A_519 = arith.addi %add3A_205, %add3A_518 : i32
      %add3A_520 = arith.constant 3 : i32
      %add3A_521 = arith.addi %add3A_519, %add3A_520 : i32
      %lt3A_522 = arith.constant 228 : i32
      %lt3A_523 = arith.cmpi slt, %add3A_521, %lt3A_522 : i32
      %convert_element_type3A_524 = arith.extui %lt3A_523 : i1 to i32
      %cond3A_525 = arith.constant 0 : i32
      %cond3A_526 = arith.cmpi ne, %convert_element_type3A_524, %cond3A_525 : i32
      scf.if %cond3A_526 {
        %dma_wait3A_623 = arith.constant 0 : i32
        %dma_wait3A_624 = arith.constant 0 : i32
        %dma_wait3A_625 = arith.constant 0 : i32
        %dma_wait3A_626 = tpu.memref_slice %arg7[%dma_wait3A_623, %dma_wait3A_624, %dma_wait3A_625] : memref<6x2x88xi32, #tpu.memory_space<vmem>> -> memref<1x2x88xi32, #tpu.memory_space<vmem>>
        %dma_wait3A_627 = tpu.memref_squeeze %dma_wait3A_626 : memref<1x2x88xi32, #tpu.memory_space<vmem>> -> memref<2x88xi32, #tpu.memory_space<vmem>>
        %dma_wait3A_628 = arith.constant 0 : i32
        %dma_wait3A_629 = arith.constant 0 : i32
        %dma_wait3A_630 = tpu.memref_slice %arg3[%mul3A_4, %dma_wait3A_628, %dma_wait3A_629] : memref<7296x2x88xi32, #tpu.memory_space<hbm>> -> memref<1x2x88xi32, #tpu.memory_space<hbm>>
        %dma_wait3A_631 = tpu.memref_squeeze %dma_wait3A_630 : memref<1x2x88xi32, #tpu.memory_space<hbm>> -> memref<2x88xi32, #tpu.memory_space<hbm>>
        %dma_wait3A_632 = arith.constant 0 : i32
        %dma_wait3A_633 = arith.constant 0 : i32
        %dma_wait3A_634 = tpu.memref_slice %arg7[%dma_wait3A_623, %dma_wait3A_632, %dma_wait3A_633] : memref<6x2x88xi32, #tpu.memory_space<vmem>> -> memref<1x2x88xi32, #tpu.memory_space<vmem>>
        %dma_wait3A_635 = tpu.memref_squeeze %dma_wait3A_634 : memref<1x2x88xi32, #tpu.memory_space<vmem>> -> memref<2x88xi32, #tpu.memory_space<vmem>>
        %dma_wait3A_636 = arith.constant 0 : i32
        %dma_wait3A_637 = arith.constant 0 : i32
        %dma_wait3A_638 = tpu.memref_slice %arg3[%mul3A_4, %dma_wait3A_636, %dma_wait3A_637] : memref<7296x2x88xi32, #tpu.memory_space<hbm>> -> memref<1x2x88xi32, #tpu.memory_space<hbm>>
        %dma_wait3A_639 = tpu.memref_squeeze %dma_wait3A_638 : memref<1x2x88xi32, #tpu.memory_space<hbm>> -> memref<2x88xi32, #tpu.memory_space<hbm>>
        tpu.wait_dma2 semaphore(%arg9 : memref<!tpu.dma_semaphore, #tpu.memory_space<semaphore_mem>>) src(%dma_wait3A_639 : memref<2x88xi32, #tpu.memory_space<hbm>>) dst(%dma_wait3A_635 : memref<2x88xi32, #tpu.memory_space<vmem>>)
        %ge3A = arith.constant 1 : i32
        %ge3A_640 = arith.cmpi sge, %add3A_519, %ge3A : i32
        %convert_element_type3A_641 = arith.extui %ge3A_640 : i1 to i32
        %cond3A_642 = arith.constant 0 : i32
        %cond3A_643 = arith.cmpi ne, %convert_element_type3A_641, %cond3A_642 : i32
        scf.if %cond3A_643 {
          %dma_wait3A_664 = arith.constant 0 : i32
          %dma_wait3A_665 = arith.constant 0 : i32
          %dma_wait3A_666 = arith.constant 0 : i32
          %dma_wait3A_667 = tpu.memref_slice %arg8[%dma_wait3A_664, %dma_wait3A_665, %dma_wait3A_666] : memref<4x88x128xf32, #tpu.memory_space<vmem>> -> memref<1x88x128xf32, #tpu.memory_space<vmem>>
          %dma_wait3A_668 = tpu.memref_squeeze %dma_wait3A_667 : memref<1x88x128xf32, #tpu.memory_space<vmem>> -> memref<88x128xf32, #tpu.memory_space<vmem>>
          %dma_wait3A_669 = arith.constant 0 : i32
          %dma_wait3A_670 = arith.constant 0 : i32
          %dma_wait3A_671 = tpu.memref_slice %arg2[%dma_wait3A_669, %dma_wait3A_670] : memref<20000x128xf32, #tpu.memory_space<hbm>> -> memref<88x128xf32, #tpu.memory_space<hbm>>
          %dma_wait3A_672 = arith.constant 0 : i32
          %dma_wait3A_673 = arith.constant 0 : i32
          %dma_wait3A_674 = tpu.memref_slice %arg8[%dma_wait3A_664, %dma_wait3A_672, %dma_wait3A_673] : memref<4x88x128xf32, #tpu.memory_space<vmem>> -> memref<1x88x128xf32, #tpu.memory_space<vmem>>
          %dma_wait3A_675 = tpu.memref_squeeze %dma_wait3A_674 : memref<1x88x128xf32, #tpu.memory_space<vmem>> -> memref<88x128xf32, #tpu.memory_space<vmem>>
          %dma_wait3A_676 = arith.constant 0 : i32
          %dma_wait3A_677 = arith.constant 0 : i32
          %dma_wait3A_678 = tpu.memref_slice %arg2[%dma_wait3A_676, %dma_wait3A_677] : memref<20000x128xf32, #tpu.memory_space<hbm>> -> memref<88x128xf32, #tpu.memory_space<hbm>>
          tpu.wait_dma2 semaphore(%arg11 : memref<!tpu.dma_semaphore, #tpu.memory_space<semaphore_mem>>) src(%dma_wait3A_678 : memref<88x128xf32, #tpu.memory_space<hbm>>) dst(%dma_wait3A_675 : memref<88x128xf32, #tpu.memory_space<vmem>>)
        } else {
        }
        %add3A_644 = arith.constant 4 : i32
        %add3A_645 = arith.addi %add3A_519, %add3A_644 : i32
        %lt3A_646 = arith.constant 228 : i32
        %lt3A_647 = arith.cmpi slt, %add3A_645, %lt3A_646 : i32
        %convert_element_type3A_648 = arith.extui %lt3A_647 : i1 to i32
        %cond3A_649 = arith.constant 0 : i32
        %cond3A_650 = arith.cmpi ne, %convert_element_type3A_648, %cond3A_649 : i32
        scf.if %cond3A_650 {
          %add3A_664 = arith.addi %mul3A_4, %add3A_519 : i32
          %add3A_665 = arith.constant 4 : i32
          %add3A_666 = arith.addi %add3A_664, %add3A_665 : i32
          %dma_start3A_667 = arith.constant 1 : i32
          %dma_start3A_668 = arith.constant 0 : i32
          %dma_start3A_669 = arith.constant 0 : i32
          %dma_start3A_670 = tpu.memref_slice %arg7[%dma_start3A_667, %dma_start3A_668, %dma_start3A_669] : memref<6x2x88xi32, #tpu.memory_space<vmem>> -> memref<1x2x88xi32, #tpu.memory_space<vmem>>
          %dma_start3A_671 = tpu.memref_squeeze %dma_start3A_670 : memref<1x2x88xi32, #tpu.memory_space<vmem>> -> memref<2x88xi32, #tpu.memory_space<vmem>>
          %dma_start3A_672 = arith.constant 0 : i32
          %dma_start3A_673 = arith.constant 0 : i32
          %dma_start3A_674 = tpu.memref_slice %arg3[%add3A_666, %dma_start3A_672, %dma_start3A_673] : memref<7296x2x88xi32, #tpu.memory_space<hbm>> -> memref<1x2x88xi32, #tpu.memory_space<hbm>>
          %dma_start3A_675 = tpu.memref_squeeze %dma_start3A_674 : memref<1x2x88xi32, #tpu.memory_space<hbm>> -> memref<2x88xi32, #tpu.memory_space<hbm>>
          %dma_start3A_676 = arith.constant 0 : i32
          %dma_start3A_677 = arith.constant 0 : i32
          %dma_start3A_678 = tpu.memref_slice %arg7[%dma_start3A_667, %dma_start3A_676, %dma_start3A_677] : memref<6x2x88xi32, #tpu.memory_space<vmem>> -> memref<1x2x88xi32, #tpu.memory_space<vmem>>
          %dma_start3A_679 = tpu.memref_squeeze %dma_start3A_678 : memref<1x2x88xi32, #tpu.memory_space<vmem>> -> memref<2x88xi32, #tpu.memory_space<vmem>>
          %dma_start3A_680 = arith.constant 0 : i32
          %dma_start3A_681 = arith.constant 0 : i32
          %dma_start3A_682 = tpu.memref_slice %arg3[%add3A_666, %dma_start3A_680, %dma_start3A_681] : memref<7296x2x88xi32, #tpu.memory_space<hbm>> -> memref<1x2x88xi32, #tpu.memory_space<hbm>>
          %dma_start3A_683 = tpu.memref_squeeze %dma_start3A_682 : memref<1x2x88xi32, #tpu.memory_space<hbm>> -> memref<2x88xi32, #tpu.memory_space<hbm>>
          tpu.enqueue_dma source(%dma_start3A_683 : memref<2x88xi32, #tpu.memory_space<hbm>>) target(%dma_start3A_679 : memref<2x88xi32, #tpu.memory_space<vmem>>) target_semaphore(%arg9 : memref<!tpu.dma_semaphore, #tpu.memory_space<semaphore_mem>>)
        } else {
        }
        %dma_start3A_651 = arith.constant 0 : i32
        %dma_start3A_652 = arith.constant 0 : i32
        %dma_start3A_653 = arith.constant 0 : i32
        %dma_start3A_654 = arith.constant 0 : i32
        %dma_start3A_655 = arith.constant 0 : i32
        %dma_start3A_656 = tpu.memref_slice %arg8[%dma_start3A_653, %dma_start3A_654, %dma_start3A_655] : memref<4x88x128xf32, #tpu.memory_space<vmem>> -> memref<1x88x128xf32, #tpu.memory_space<vmem>>
        %dma_start3A_657 = tpu.memref_squeeze %dma_start3A_656 : memref<1x88x128xf32, #tpu.memory_space<vmem>> -> memref<88x128xf32, #tpu.memory_space<vmem>>
        %dma_start3A_658 = arith.constant 0 : i32
        %dma_start3A_659 = tpu.memref_slice %arg7[%dma_start3A_651, %dma_start3A_652, %dma_start3A_658] : memref<6x2x88xi32, #tpu.memory_space<vmem>> -> memref<1x1x88xi32, #tpu.memory_space<vmem>>
        %dma_start3A_660 = tpu.memref_squeeze %dma_start3A_659 : memref<1x1x88xi32, #tpu.memory_space<vmem>> -> memref<88xi32, #tpu.memory_space<vmem>>
        %dma_start3A_661 = arith.constant 0 : i32
        %dma_start3A_662 = arith.constant 0 : i32
        %dma_start3A_663 = tpu.memref_slice %arg2[%dma_start3A_661, %dma_start3A_662] : memref<20000x128xf32, #tpu.memory_space<hbm>> -> memref<20000x128xf32, #tpu.memory_space<hbm>>
        tpu.enqueue_indirect_dma source(%dma_start3A_663 : memref<20000x128xf32, #tpu.memory_space<hbm>>) target(%dma_start3A_657 : memref<88x128xf32, #tpu.memory_space<vmem>>) offsets(%dma_start3A_660 : memref<88xi32, #tpu.memory_space<vmem>>) semaphore(%arg10 : memref<!tpu.dma_semaphore, #tpu.memory_space<semaphore_mem>>)
      } else {
      }
      %dma_wait3A_527 = arith.constant 3 : i32
      %dma_wait3A_528 = arith.constant 0 : i32
      %dma_wait3A_529 = arith.constant 1 : i32
      %dma_wait3A_530 = arith.constant 0 : i32
      %dma_wait3A_531 = arith.constant 0 : i32
      %dma_wait3A_532 = tpu.memref_slice %arg8[%dma_wait3A_529, %dma_wait3A_530, %dma_wait3A_531] : memref<4x88x128xf32, #tpu.memory_space<vmem>> -> memref<1x88x128xf32, #tpu.memory_space<vmem>>
      %dma_wait3A_533 = tpu.memref_squeeze %dma_wait3A_532 : memref<1x88x128xf32, #tpu.memory_space<vmem>> -> memref<88x128xf32, #tpu.memory_space<vmem>>
      %dma_wait3A_534 = arith.constant 0 : i32
      %dma_wait3A_535 = tpu.memref_slice %arg7[%dma_wait3A_527, %dma_wait3A_528, %dma_wait3A_534] : memref<6x2x88xi32, #tpu.memory_space<vmem>> -> memref<1x1x88xi32, #tpu.memory_space<vmem>>
      %dma_wait3A_536 = tpu.memref_squeeze %dma_wait3A_535 : memref<1x1x88xi32, #tpu.memory_space<vmem>> -> memref<88xi32, #tpu.memory_space<vmem>>
      %dma_wait3A_537 = arith.constant 0 : i32
      %dma_wait3A_538 = arith.constant 0 : i32
      %dma_wait3A_539 = tpu.memref_slice %arg2[%dma_wait3A_537, %dma_wait3A_538] : memref<20000x128xf32, #tpu.memory_space<hbm>> -> memref<20000x128xf32, #tpu.memory_space<hbm>>
      tpu.wait_indirect_dma semaphore(%arg10 : memref<!tpu.dma_semaphore, #tpu.memory_space<semaphore_mem>>) src(%dma_wait3A_539 : memref<20000x128xf32, #tpu.memory_space<hbm>>) dst(%dma_wait3A_533 : memref<88x128xf32, #tpu.memory_space<vmem>>)
      %dma_start3A_540 = arith.constant 1 : i32
      %dma_start3A_541 = arith.constant 3 : i32
      %dma_start3A_542 = arith.constant 1 : i32
      %dma_start3A_543 = arith.constant 0 : i32
      %dma_start3A_544 = arith.constant 0 : i32
      %dma_start3A_545 = tpu.memref_slice %arg8[%dma_start3A_540, %dma_start3A_543, %dma_start3A_544] : memref<4x88x128xf32, #tpu.memory_space<vmem>> -> memref<1x88x128xf32, #tpu.memory_space<vmem>>
      %dma_start3A_546 = tpu.memref_squeeze %dma_start3A_545 : memref<1x88x128xf32, #tpu.memory_space<vmem>> -> memref<88x128xf32, #tpu.memory_space<vmem>>
      %dma_start3A_547 = arith.constant 0 : i32
      %dma_start3A_548 = tpu.memref_slice %arg7[%dma_start3A_541, %dma_start3A_542, %dma_start3A_547] : memref<6x2x88xi32, #tpu.memory_space<vmem>> -> memref<1x1x88xi32, #tpu.memory_space<vmem>>
      %dma_start3A_549 = tpu.memref_squeeze %dma_start3A_548 : memref<1x1x88xi32, #tpu.memory_space<vmem>> -> memref<88xi32, #tpu.memory_space<vmem>>
      %dma_start3A_550 = arith.constant 0 : i32
      %dma_start3A_551 = arith.constant 0 : i32
      %dma_start3A_552 = tpu.memref_slice %arg6[%dma_start3A_550, %dma_start3A_551] : memref<10112x128xf32, #tpu.memory_space<vmem_shared>> -> memref<10112x128xf32, #tpu.memory_space<vmem_shared>>
      tpu.enqueue_indirect_dma source(%dma_start3A_546 : memref<88x128xf32, #tpu.memory_space<vmem>>) target(%dma_start3A_552 : memref<10112x128xf32, #tpu.memory_space<vmem_shared>>) offsets(%dma_start3A_549 : memref<88xi32, #tpu.memory_space<vmem>>) semaphore(%arg12 : memref<!tpu.dma_semaphore, #tpu.memory_space<semaphore_mem>>) {add = true}
      %add3A_553 = arith.constant 10 : i32
      %add3A_554 = arith.addi %add3A_205, %add3A_553 : i32
      %add3A_555 = arith.constant 3 : i32
      %add3A_556 = arith.addi %add3A_554, %add3A_555 : i32
      %lt3A_557 = arith.constant 228 : i32
      %lt3A_558 = arith.cmpi slt, %add3A_556, %lt3A_557 : i32
      %convert_element_type3A_559 = arith.extui %lt3A_558 : i1 to i32
      %cond3A_560 = arith.constant 0 : i32
      %cond3A_561 = arith.cmpi ne, %convert_element_type3A_559, %cond3A_560 : i32
      scf.if %cond3A_561 {
        %dma_wait3A_623 = arith.constant 1 : i32
        %dma_wait3A_624 = arith.constant 0 : i32
        %dma_wait3A_625 = arith.constant 0 : i32
        %dma_wait3A_626 = tpu.memref_slice %arg7[%dma_wait3A_623, %dma_wait3A_624, %dma_wait3A_625] : memref<6x2x88xi32, #tpu.memory_space<vmem>> -> memref<1x2x88xi32, #tpu.memory_space<vmem>>
        %dma_wait3A_627 = tpu.memref_squeeze %dma_wait3A_626 : memref<1x2x88xi32, #tpu.memory_space<vmem>> -> memref<2x88xi32, #tpu.memory_space<vmem>>
        %dma_wait3A_628 = arith.constant 0 : i32
        %dma_wait3A_629 = arith.constant 0 : i32
        %dma_wait3A_630 = tpu.memref_slice %arg3[%mul3A_4, %dma_wait3A_628, %dma_wait3A_629] : memref<7296x2x88xi32, #tpu.memory_space<hbm>> -> memref<1x2x88xi32, #tpu.memory_space<hbm>>
        %dma_wait3A_631 = tpu.memref_squeeze %dma_wait3A_630 : memref<1x2x88xi32, #tpu.memory_space<hbm>> -> memref<2x88xi32, #tpu.memory_space<hbm>>
        %dma_wait3A_632 = arith.constant 0 : i32
        %dma_wait3A_633 = arith.constant 0 : i32
        %dma_wait3A_634 = tpu.memref_slice %arg7[%dma_wait3A_623, %dma_wait3A_632, %dma_wait3A_633] : memref<6x2x88xi32, #tpu.memory_space<vmem>> -> memref<1x2x88xi32, #tpu.memory_space<vmem>>
        %dma_wait3A_635 = tpu.memref_squeeze %dma_wait3A_634 : memref<1x2x88xi32, #tpu.memory_space<vmem>> -> memref<2x88xi32, #tpu.memory_space<vmem>>
        %dma_wait3A_636 = arith.constant 0 : i32
        %dma_wait3A_637 = arith.constant 0 : i32
        %dma_wait3A_638 = tpu.memref_slice %arg3[%mul3A_4, %dma_wait3A_636, %dma_wait3A_637] : memref<7296x2x88xi32, #tpu.memory_space<hbm>> -> memref<1x2x88xi32, #tpu.memory_space<hbm>>
        %dma_wait3A_639 = tpu.memref_squeeze %dma_wait3A_638 : memref<1x2x88xi32, #tpu.memory_space<hbm>> -> memref<2x88xi32, #tpu.memory_space<hbm>>
        tpu.wait_dma2 semaphore(%arg9 : memref<!tpu.dma_semaphore, #tpu.memory_space<semaphore_mem>>) src(%dma_wait3A_639 : memref<2x88xi32, #tpu.memory_space<hbm>>) dst(%dma_wait3A_635 : memref<2x88xi32, #tpu.memory_space<vmem>>)
        %ge3A = arith.constant 1 : i32
        %ge3A_640 = arith.cmpi sge, %add3A_554, %ge3A : i32
        %convert_element_type3A_641 = arith.extui %ge3A_640 : i1 to i32
        %cond3A_642 = arith.constant 0 : i32
        %cond3A_643 = arith.cmpi ne, %convert_element_type3A_641, %cond3A_642 : i32
        scf.if %cond3A_643 {
          %dma_wait3A_664 = arith.constant 1 : i32
          %dma_wait3A_665 = arith.constant 0 : i32
          %dma_wait3A_666 = arith.constant 0 : i32
          %dma_wait3A_667 = tpu.memref_slice %arg8[%dma_wait3A_664, %dma_wait3A_665, %dma_wait3A_666] : memref<4x88x128xf32, #tpu.memory_space<vmem>> -> memref<1x88x128xf32, #tpu.memory_space<vmem>>
          %dma_wait3A_668 = tpu.memref_squeeze %dma_wait3A_667 : memref<1x88x128xf32, #tpu.memory_space<vmem>> -> memref<88x128xf32, #tpu.memory_space<vmem>>
          %dma_wait3A_669 = arith.constant 0 : i32
          %dma_wait3A_670 = arith.constant 0 : i32
          %dma_wait3A_671 = tpu.memref_slice %arg2[%dma_wait3A_669, %dma_wait3A_670] : memref<20000x128xf32, #tpu.memory_space<hbm>> -> memref<88x128xf32, #tpu.memory_space<hbm>>
          %dma_wait3A_672 = arith.constant 0 : i32
          %dma_wait3A_673 = arith.constant 0 : i32
          %dma_wait3A_674 = tpu.memref_slice %arg8[%dma_wait3A_664, %dma_wait3A_672, %dma_wait3A_673] : memref<4x88x128xf32, #tpu.memory_space<vmem>> -> memref<1x88x128xf32, #tpu.memory_space<vmem>>
          %dma_wait3A_675 = tpu.memref_squeeze %dma_wait3A_674 : memref<1x88x128xf32, #tpu.memory_space<vmem>> -> memref<88x128xf32, #tpu.memory_space<vmem>>
          %dma_wait3A_676 = arith.constant 0 : i32
          %dma_wait3A_677 = arith.constant 0 : i32
          %dma_wait3A_678 = tpu.memref_slice %arg2[%dma_wait3A_676, %dma_wait3A_677] : memref<20000x128xf32, #tpu.memory_space<hbm>> -> memref<88x128xf32, #tpu.memory_space<hbm>>
          tpu.wait_dma2 semaphore(%arg12 : memref<!tpu.dma_semaphore, #tpu.memory_space<semaphore_mem>>) src(%dma_wait3A_678 : memref<88x128xf32, #tpu.memory_space<hbm>>) dst(%dma_wait3A_675 : memref<88x128xf32, #tpu.memory_space<vmem>>)
        } else {
        }
        %add3A_644 = arith.constant 4 : i32
        %add3A_645 = arith.addi %add3A_554, %add3A_644 : i32
        %lt3A_646 = arith.constant 228 : i32
        %lt3A_647 = arith.cmpi slt, %add3A_645, %lt3A_646 : i32
        %convert_element_type3A_648 = arith.extui %lt3A_647 : i1 to i32
        %cond3A_649 = arith.constant 0 : i32
        %cond3A_650 = arith.cmpi ne, %convert_element_type3A_648, %cond3A_649 : i32
        scf.if %cond3A_650 {
          %add3A_664 = arith.addi %mul3A_4, %add3A_554 : i32
          %add3A_665 = arith.constant 4 : i32
          %add3A_666 = arith.addi %add3A_664, %add3A_665 : i32
          %dma_start3A_667 = arith.constant 2 : i32
          %dma_start3A_668 = arith.constant 0 : i32
          %dma_start3A_669 = arith.constant 0 : i32
          %dma_start3A_670 = tpu.memref_slice %arg7[%dma_start3A_667, %dma_start3A_668, %dma_start3A_669] : memref<6x2x88xi32, #tpu.memory_space<vmem>> -> memref<1x2x88xi32, #tpu.memory_space<vmem>>
          %dma_start3A_671 = tpu.memref_squeeze %dma_start3A_670 : memref<1x2x88xi32, #tpu.memory_space<vmem>> -> memref<2x88xi32, #tpu.memory_space<vmem>>
          %dma_start3A_672 = arith.constant 0 : i32
          %dma_start3A_673 = arith.constant 0 : i32
          %dma_start3A_674 = tpu.memref_slice %arg3[%add3A_666, %dma_start3A_672, %dma_start3A_673] : memref<7296x2x88xi32, #tpu.memory_space<hbm>> -> memref<1x2x88xi32, #tpu.memory_space<hbm>>
          %dma_start3A_675 = tpu.memref_squeeze %dma_start3A_674 : memref<1x2x88xi32, #tpu.memory_space<hbm>> -> memref<2x88xi32, #tpu.memory_space<hbm>>
          %dma_start3A_676 = arith.constant 0 : i32
          %dma_start3A_677 = arith.constant 0 : i32
          %dma_start3A_678 = tpu.memref_slice %arg7[%dma_start3A_667, %dma_start3A_676, %dma_start3A_677] : memref<6x2x88xi32, #tpu.memory_space<vmem>> -> memref<1x2x88xi32, #tpu.memory_space<vmem>>
          %dma_start3A_679 = tpu.memref_squeeze %dma_start3A_678 : memref<1x2x88xi32, #tpu.memory_space<vmem>> -> memref<2x88xi32, #tpu.memory_space<vmem>>
          %dma_start3A_680 = arith.constant 0 : i32
          %dma_start3A_681 = arith.constant 0 : i32
          %dma_start3A_682 = tpu.memref_slice %arg3[%add3A_666, %dma_start3A_680, %dma_start3A_681] : memref<7296x2x88xi32, #tpu.memory_space<hbm>> -> memref<1x2x88xi32, #tpu.memory_space<hbm>>
          %dma_start3A_683 = tpu.memref_squeeze %dma_start3A_682 : memref<1x2x88xi32, #tpu.memory_space<hbm>> -> memref<2x88xi32, #tpu.memory_space<hbm>>
          tpu.enqueue_dma source(%dma_start3A_683 : memref<2x88xi32, #tpu.memory_space<hbm>>) target(%dma_start3A_679 : memref<2x88xi32, #tpu.memory_space<vmem>>) target_semaphore(%arg9 : memref<!tpu.dma_semaphore, #tpu.memory_space<semaphore_mem>>)
        } else {
        }
        %dma_start3A_651 = arith.constant 1 : i32
        %dma_start3A_652 = arith.constant 0 : i32
        %dma_start3A_653 = arith.constant 1 : i32
        %dma_start3A_654 = arith.constant 0 : i32
        %dma_start3A_655 = arith.constant 0 : i32
        %dma_start3A_656 = tpu.memref_slice %arg8[%dma_start3A_653, %dma_start3A_654, %dma_start3A_655] : memref<4x88x128xf32, #tpu.memory_space<vmem>> -> memref<1x88x128xf32, #tpu.memory_space<vmem>>
        %dma_start3A_657 = tpu.memref_squeeze %dma_start3A_656 : memref<1x88x128xf32, #tpu.memory_space<vmem>> -> memref<88x128xf32, #tpu.memory_space<vmem>>
        %dma_start3A_658 = arith.constant 0 : i32
        %dma_start3A_659 = tpu.memref_slice %arg7[%dma_start3A_651, %dma_start3A_652, %dma_start3A_658] : memref<6x2x88xi32, #tpu.memory_space<vmem>> -> memref<1x1x88xi32, #tpu.memory_space<vmem>>
        %dma_start3A_660 = tpu.memref_squeeze %dma_start3A_659 : memref<1x1x88xi32, #tpu.memory_space<vmem>> -> memref<88xi32, #tpu.memory_space<vmem>>
        %dma_start3A_661 = arith.constant 0 : i32
        %dma_start3A_662 = arith.constant 0 : i32
        %dma_start3A_663 = tpu.memref_slice %arg2[%dma_start3A_661, %dma_start3A_662] : memref<20000x128xf32, #tpu.memory_space<hbm>> -> memref<20000x128xf32, #tpu.memory_space<hbm>>
        tpu.enqueue_indirect_dma source(%dma_start3A_663 : memref<20000x128xf32, #tpu.memory_space<hbm>>) target(%dma_start3A_657 : memref<88x128xf32, #tpu.memory_space<vmem>>) offsets(%dma_start3A_660 : memref<88xi32, #tpu.memory_space<vmem>>) semaphore(%arg10 : memref<!tpu.dma_semaphore, #tpu.memory_space<semaphore_mem>>)
      } else {
      }
      %dma_wait3A_562 = arith.constant 4 : i32
      %dma_wait3A_563 = arith.constant 0 : i32
      %dma_wait3A_564 = arith.constant 2 : i32
      %dma_wait3A_565 = arith.constant 0 : i32
      %dma_wait3A_566 = arith.constant 0 : i32
      %dma_wait3A_567 = tpu.memref_slice %arg8[%dma_wait3A_564, %dma_wait3A_565, %dma_wait3A_566] : memref<4x88x128xf32, #tpu.memory_space<vmem>> -> memref<1x88x128xf32, #tpu.memory_space<vmem>>
      %dma_wait3A_568 = tpu.memref_squeeze %dma_wait3A_567 : memref<1x88x128xf32, #tpu.memory_space<vmem>> -> memref<88x128xf32, #tpu.memory_space<vmem>>
      %dma_wait3A_569 = arith.constant 0 : i32
      %dma_wait3A_570 = tpu.memref_slice %arg7[%dma_wait3A_562, %dma_wait3A_563, %dma_wait3A_569] : memref<6x2x88xi32, #tpu.memory_space<vmem>> -> memref<1x1x88xi32, #tpu.memory_space<vmem>>
      %dma_wait3A_571 = tpu.memref_squeeze %dma_wait3A_570 : memref<1x1x88xi32, #tpu.memory_space<vmem>> -> memref<88xi32, #tpu.memory_space<vmem>>
      %dma_wait3A_572 = arith.constant 0 : i32
      %dma_wait3A_573 = arith.constant 0 : i32
      %dma_wait3A_574 = tpu.memref_slice %arg2[%dma_wait3A_572, %dma_wait3A_573] : memref<20000x128xf32, #tpu.memory_space<hbm>> -> memref<20000x128xf32, #tpu.memory_space<hbm>>
      tpu.wait_indirect_dma semaphore(%arg10 : memref<!tpu.dma_semaphore, #tpu.memory_space<semaphore_mem>>) src(%dma_wait3A_574 : memref<20000x128xf32, #tpu.memory_space<hbm>>) dst(%dma_wait3A_568 : memref<88x128xf32, #tpu.memory_space<vmem>>)
      %dma_start3A_575 = arith.constant 2 : i32
      %dma_start3A_576 = arith.constant 4 : i32
      %dma_start3A_577 = arith.constant 1 : i32
      %dma_start3A_578 = arith.constant 0 : i32
      %dma_start3A_579 = arith.constant 0 : i32
      %dma_start3A_580 = tpu.memref_slice %arg8[%dma_start3A_575, %dma_start3A_578, %dma_start3A_579] : memref<4x88x128xf32, #tpu.memory_space<vmem>> -> memref<1x88x128xf32, #tpu.memory_space<vmem>>
      %dma_start3A_581 = tpu.memref_squeeze %dma_start3A_580 : memref<1x88x128xf32, #tpu.memory_space<vmem>> -> memref<88x128xf32, #tpu.memory_space<vmem>>
      %dma_start3A_582 = arith.constant 0 : i32
      %dma_start3A_583 = tpu.memref_slice %arg7[%dma_start3A_576, %dma_start3A_577, %dma_start3A_582] : memref<6x2x88xi32, #tpu.memory_space<vmem>> -> memref<1x1x88xi32, #tpu.memory_space<vmem>>
      %dma_start3A_584 = tpu.memref_squeeze %dma_start3A_583 : memref<1x1x88xi32, #tpu.memory_space<vmem>> -> memref<88xi32, #tpu.memory_space<vmem>>
      %dma_start3A_585 = arith.constant 0 : i32
      %dma_start3A_586 = arith.constant 0 : i32
      %dma_start3A_587 = tpu.memref_slice %arg6[%dma_start3A_585, %dma_start3A_586] : memref<10112x128xf32, #tpu.memory_space<vmem_shared>> -> memref<10112x128xf32, #tpu.memory_space<vmem_shared>>
      tpu.enqueue_indirect_dma source(%dma_start3A_581 : memref<88x128xf32, #tpu.memory_space<vmem>>) target(%dma_start3A_587 : memref<10112x128xf32, #tpu.memory_space<vmem_shared>>) offsets(%dma_start3A_584 : memref<88xi32, #tpu.memory_space<vmem>>) semaphore(%arg13 : memref<!tpu.dma_semaphore, #tpu.memory_space<semaphore_mem>>) {add = true}
      %add3A_588 = arith.constant 11 : i32
      %add3A_589 = arith.addi %add3A_205, %add3A_588 : i32
      %add3A_590 = arith.constant 3 : i32
      %add3A_591 = arith.addi %add3A_589, %add3A_590 : i32
      %lt3A_592 = arith.constant 228 : i32
      %lt3A_593 = arith.cmpi slt, %add3A_591, %lt3A_592 : i32
      %convert_element_type3A_594 = arith.extui %lt3A_593 : i1 to i32
      %cond3A_595 = arith.constant 0 : i32
      %cond3A_596 = arith.cmpi ne, %convert_element_type3A_594, %cond3A_595 : i32
      scf.if %cond3A_596 {
        %dma_wait3A_623 = arith.constant 2 : i32
        %dma_wait3A_624 = arith.constant 0 : i32
        %dma_wait3A_625 = arith.constant 0 : i32
        %dma_wait3A_626 = tpu.memref_slice %arg7[%dma_wait3A_623, %dma_wait3A_624, %dma_wait3A_625] : memref<6x2x88xi32, #tpu.memory_space<vmem>> -> memref<1x2x88xi32, #tpu.memory_space<vmem>>
        %dma_wait3A_627 = tpu.memref_squeeze %dma_wait3A_626 : memref<1x2x88xi32, #tpu.memory_space<vmem>> -> memref<2x88xi32, #tpu.memory_space<vmem>>
        %dma_wait3A_628 = arith.constant 0 : i32
        %dma_wait3A_629 = arith.constant 0 : i32
        %dma_wait3A_630 = tpu.memref_slice %arg3[%mul3A_4, %dma_wait3A_628, %dma_wait3A_629] : memref<7296x2x88xi32, #tpu.memory_space<hbm>> -> memref<1x2x88xi32, #tpu.memory_space<hbm>>
        %dma_wait3A_631 = tpu.memref_squeeze %dma_wait3A_630 : memref<1x2x88xi32, #tpu.memory_space<hbm>> -> memref<2x88xi32, #tpu.memory_space<hbm>>
        %dma_wait3A_632 = arith.constant 0 : i32
        %dma_wait3A_633 = arith.constant 0 : i32
        %dma_wait3A_634 = tpu.memref_slice %arg7[%dma_wait3A_623, %dma_wait3A_632, %dma_wait3A_633] : memref<6x2x88xi32, #tpu.memory_space<vmem>> -> memref<1x2x88xi32, #tpu.memory_space<vmem>>
        %dma_wait3A_635 = tpu.memref_squeeze %dma_wait3A_634 : memref<1x2x88xi32, #tpu.memory_space<vmem>> -> memref<2x88xi32, #tpu.memory_space<vmem>>
        %dma_wait3A_636 = arith.constant 0 : i32
        %dma_wait3A_637 = arith.constant 0 : i32
        %dma_wait3A_638 = tpu.memref_slice %arg3[%mul3A_4, %dma_wait3A_636, %dma_wait3A_637] : memref<7296x2x88xi32, #tpu.memory_space<hbm>> -> memref<1x2x88xi32, #tpu.memory_space<hbm>>
        %dma_wait3A_639 = tpu.memref_squeeze %dma_wait3A_638 : memref<1x2x88xi32, #tpu.memory_space<hbm>> -> memref<2x88xi32, #tpu.memory_space<hbm>>
        tpu.wait_dma2 semaphore(%arg9 : memref<!tpu.dma_semaphore, #tpu.memory_space<semaphore_mem>>) src(%dma_wait3A_639 : memref<2x88xi32, #tpu.memory_space<hbm>>) dst(%dma_wait3A_635 : memref<2x88xi32, #tpu.memory_space<vmem>>)
        %ge3A = arith.constant 1 : i32
        %ge3A_640 = arith.cmpi sge, %add3A_589, %ge3A : i32
        %convert_element_type3A_641 = arith.extui %ge3A_640 : i1 to i32
        %cond3A_642 = arith.constant 0 : i32
        %cond3A_643 = arith.cmpi ne, %convert_element_type3A_641, %cond3A_642 : i32
        scf.if %cond3A_643 {
          %dma_wait3A_664 = arith.constant 2 : i32
          %dma_wait3A_665 = arith.constant 0 : i32
          %dma_wait3A_666 = arith.constant 0 : i32
          %dma_wait3A_667 = tpu.memref_slice %arg8[%dma_wait3A_664, %dma_wait3A_665, %dma_wait3A_666] : memref<4x88x128xf32, #tpu.memory_space<vmem>> -> memref<1x88x128xf32, #tpu.memory_space<vmem>>
          %dma_wait3A_668 = tpu.memref_squeeze %dma_wait3A_667 : memref<1x88x128xf32, #tpu.memory_space<vmem>> -> memref<88x128xf32, #tpu.memory_space<vmem>>
          %dma_wait3A_669 = arith.constant 0 : i32
          %dma_wait3A_670 = arith.constant 0 : i32
          %dma_wait3A_671 = tpu.memref_slice %arg2[%dma_wait3A_669, %dma_wait3A_670] : memref<20000x128xf32, #tpu.memory_space<hbm>> -> memref<88x128xf32, #tpu.memory_space<hbm>>
          %dma_wait3A_672 = arith.constant 0 : i32
          %dma_wait3A_673 = arith.constant 0 : i32
          %dma_wait3A_674 = tpu.memref_slice %arg8[%dma_wait3A_664, %dma_wait3A_672, %dma_wait3A_673] : memref<4x88x128xf32, #tpu.memory_space<vmem>> -> memref<1x88x128xf32, #tpu.memory_space<vmem>>
          %dma_wait3A_675 = tpu.memref_squeeze %dma_wait3A_674 : memref<1x88x128xf32, #tpu.memory_space<vmem>> -> memref<88x128xf32, #tpu.memory_space<vmem>>
          %dma_wait3A_676 = arith.constant 0 : i32
          %dma_wait3A_677 = arith.constant 0 : i32
          %dma_wait3A_678 = tpu.memref_slice %arg2[%dma_wait3A_676, %dma_wait3A_677] : memref<20000x128xf32, #tpu.memory_space<hbm>> -> memref<88x128xf32, #tpu.memory_space<hbm>>
          tpu.wait_dma2 semaphore(%arg13 : memref<!tpu.dma_semaphore, #tpu.memory_space<semaphore_mem>>) src(%dma_wait3A_678 : memref<88x128xf32, #tpu.memory_space<hbm>>) dst(%dma_wait3A_675 : memref<88x128xf32, #tpu.memory_space<vmem>>)
        } else {
        }
        %add3A_644 = arith.constant 4 : i32
        %add3A_645 = arith.addi %add3A_589, %add3A_644 : i32
        %lt3A_646 = arith.constant 228 : i32
        %lt3A_647 = arith.cmpi slt, %add3A_645, %lt3A_646 : i32
        %convert_element_type3A_648 = arith.extui %lt3A_647 : i1 to i32
        %cond3A_649 = arith.constant 0 : i32
        %cond3A_650 = arith.cmpi ne, %convert_element_type3A_648, %cond3A_649 : i32
        scf.if %cond3A_650 {
          %add3A_664 = arith.addi %mul3A_4, %add3A_589 : i32
          %add3A_665 = arith.constant 4 : i32
          %add3A_666 = arith.addi %add3A_664, %add3A_665 : i32
          %dma_start3A_667 = arith.constant 3 : i32
          %dma_start3A_668 = arith.constant 0 : i32
          %dma_start3A_669 = arith.constant 0 : i32
          %dma_start3A_670 = tpu.memref_slice %arg7[%dma_start3A_667, %dma_start3A_668, %dma_start3A_669] : memref<6x2x88xi32, #tpu.memory_space<vmem>> -> memref<1x2x88xi32, #tpu.memory_space<vmem>>
          %dma_start3A_671 = tpu.memref_squeeze %dma_start3A_670 : memref<1x2x88xi32, #tpu.memory_space<vmem>> -> memref<2x88xi32, #tpu.memory_space<vmem>>
          %dma_start3A_672 = arith.constant 0 : i32
          %dma_start3A_673 = arith.constant 0 : i32
          %dma_start3A_674 = tpu.memref_slice %arg3[%add3A_666, %dma_start3A_672, %dma_start3A_673] : memref<7296x2x88xi32, #tpu.memory_space<hbm>> -> memref<1x2x88xi32, #tpu.memory_space<hbm>>
          %dma_start3A_675 = tpu.memref_squeeze %dma_start3A_674 : memref<1x2x88xi32, #tpu.memory_space<hbm>> -> memref<2x88xi32, #tpu.memory_space<hbm>>
          %dma_start3A_676 = arith.constant 0 : i32
          %dma_start3A_677 = arith.constant 0 : i32
          %dma_start3A_678 = tpu.memref_slice %arg7[%dma_start3A_667, %dma_start3A_676, %dma_start3A_677] : memref<6x2x88xi32, #tpu.memory_space<vmem>> -> memref<1x2x88xi32, #tpu.memory_space<vmem>>
          %dma_start3A_679 = tpu.memref_squeeze %dma_start3A_678 : memref<1x2x88xi32, #tpu.memory_space<vmem>> -> memref<2x88xi32, #tpu.memory_space<vmem>>
          %dma_start3A_680 = arith.constant 0 : i32
          %dma_start3A_681 = arith.constant 0 : i32
          %dma_start3A_682 = tpu.memref_slice %arg3[%add3A_666, %dma_start3A_680, %dma_start3A_681] : memref<7296x2x88xi32, #tpu.memory_space<hbm>> -> memref<1x2x88xi32, #tpu.memory_space<hbm>>
          %dma_start3A_683 = tpu.memref_squeeze %dma_start3A_682 : memref<1x2x88xi32, #tpu.memory_space<hbm>> -> memref<2x88xi32, #tpu.memory_space<hbm>>
          tpu.enqueue_dma source(%dma_start3A_683 : memref<2x88xi32, #tpu.memory_space<hbm>>) target(%dma_start3A_679 : memref<2x88xi32, #tpu.memory_space<vmem>>) target_semaphore(%arg9 : memref<!tpu.dma_semaphore, #tpu.memory_space<semaphore_mem>>)
        } else {
        }
        %dma_start3A_651 = arith.constant 2 : i32
        %dma_start3A_652 = arith.constant 0 : i32
        %dma_start3A_653 = arith.constant 2 : i32
        %dma_start3A_654 = arith.constant 0 : i32
        %dma_start3A_655 = arith.constant 0 : i32
        %dma_start3A_656 = tpu.memref_slice %arg8[%dma_start3A_653, %dma_start3A_654, %dma_start3A_655] : memref<4x88x128xf32, #tpu.memory_space<vmem>> -> memref<1x88x128xf32, #tpu.memory_space<vmem>>
        %dma_start3A_657 = tpu.memref_squeeze %dma_start3A_656 : memref<1x88x128xf32, #tpu.memory_space<vmem>> -> memref<88x128xf32, #tpu.memory_space<vmem>>
        %dma_start3A_658 = arith.constant 0 : i32
        %dma_start3A_659 = tpu.memref_slice %arg7[%dma_start3A_651, %dma_start3A_652, %dma_start3A_658] : memref<6x2x88xi32, #tpu.memory_space<vmem>> -> memref<1x1x88xi32, #tpu.memory_space<vmem>>
        %dma_start3A_660 = tpu.memref_squeeze %dma_start3A_659 : memref<1x1x88xi32, #tpu.memory_space<vmem>> -> memref<88xi32, #tpu.memory_space<vmem>>
        %dma_start3A_661 = arith.constant 0 : i32
        %dma_start3A_662 = arith.constant 0 : i32
        %dma_start3A_663 = tpu.memref_slice %arg2[%dma_start3A_661, %dma_start3A_662] : memref<20000x128xf32, #tpu.memory_space<hbm>> -> memref<20000x128xf32, #tpu.memory_space<hbm>>
        tpu.enqueue_indirect_dma source(%dma_start3A_663 : memref<20000x128xf32, #tpu.memory_space<hbm>>) target(%dma_start3A_657 : memref<88x128xf32, #tpu.memory_space<vmem>>) offsets(%dma_start3A_660 : memref<88xi32, #tpu.memory_space<vmem>>) semaphore(%arg10 : memref<!tpu.dma_semaphore, #tpu.memory_space<semaphore_mem>>)
      } else {
      }
      %dma_wait3A_597 = arith.constant 5 : i32
      %dma_wait3A_598 = arith.constant 0 : i32
      %dma_wait3A_599 = arith.constant 3 : i32
      %dma_wait3A_600 = arith.constant 0 : i32
      %dma_wait3A_601 = arith.constant 0 : i32
      %dma_wait3A_602 = tpu.memref_slice %arg8[%dma_wait3A_599, %dma_wait3A_600, %dma_wait3A_601] : memref<4x88x128xf32, #tpu.memory_space<vmem>> -> memref<1x88x128xf32, #tpu.memory_space<vmem>>
      %dma_wait3A_603 = tpu.memref_squeeze %dma_wait3A_602 : memref<1x88x128xf32, #tpu.memory_space<vmem>> -> memref<88x128xf32, #tpu.memory_space<vmem>>
      %dma_wait3A_604 = arith.constant 0 : i32
      %dma_wait3A_605 = tpu.memref_slice %arg7[%dma_wait3A_597, %dma_wait3A_598, %dma_wait3A_604] : memref<6x2x88xi32, #tpu.memory_space<vmem>> -> memref<1x1x88xi32, #tpu.memory_space<vmem>>
      %dma_wait3A_606 = tpu.memref_squeeze %dma_wait3A_605 : memref<1x1x88xi32, #tpu.memory_space<vmem>> -> memref<88xi32, #tpu.memory_space<vmem>>
      %dma_wait3A_607 = arith.constant 0 : i32
      %dma_wait3A_608 = arith.constant 0 : i32
      %dma_wait3A_609 = tpu.memref_slice %arg2[%dma_wait3A_607, %dma_wait3A_608] : memref<20000x128xf32, #tpu.memory_space<hbm>> -> memref<20000x128xf32, #tpu.memory_space<hbm>>
      tpu.wait_indirect_dma semaphore(%arg10 : memref<!tpu.dma_semaphore, #tpu.memory_space<semaphore_mem>>) src(%dma_wait3A_609 : memref<20000x128xf32, #tpu.memory_space<hbm>>) dst(%dma_wait3A_603 : memref<88x128xf32, #tpu.memory_space<vmem>>)
      %dma_start3A_610 = arith.constant 3 : i32
      %dma_start3A_611 = arith.constant 5 : i32
      %dma_start3A_612 = arith.constant 1 : i32
      %dma_start3A_613 = arith.constant 0 : i32
      %dma_start3A_614 = arith.constant 0 : i32
      %dma_start3A_615 = tpu.memref_slice %arg8[%dma_start3A_610, %dma_start3A_613, %dma_start3A_614] : memref<4x88x128xf32, #tpu.memory_space<vmem>> -> memref<1x88x128xf32, #tpu.memory_space<vmem>>
      %dma_start3A_616 = tpu.memref_squeeze %dma_start3A_615 : memref<1x88x128xf32, #tpu.memory_space<vmem>> -> memref<88x128xf32, #tpu.memory_space<vmem>>
      %dma_start3A_617 = arith.constant 0 : i32
      %dma_start3A_618 = tpu.memref_slice %arg7[%dma_start3A_611, %dma_start3A_612, %dma_start3A_617] : memref<6x2x88xi32, #tpu.memory_space<vmem>> -> memref<1x1x88xi32, #tpu.memory_space<vmem>>
      %dma_start3A_619 = tpu.memref_squeeze %dma_start3A_618 : memref<1x1x88xi32, #tpu.memory_space<vmem>> -> memref<88xi32, #tpu.memory_space<vmem>>
      %dma_start3A_620 = arith.constant 0 : i32
      %dma_start3A_621 = arith.constant 0 : i32
      %dma_start3A_622 = tpu.memref_slice %arg6[%dma_start3A_620, %dma_start3A_621] : memref<10112x128xf32, #tpu.memory_space<vmem_shared>> -> memref<10112x128xf32, #tpu.memory_space<vmem_shared>>
      tpu.enqueue_indirect_dma source(%dma_start3A_616 : memref<88x128xf32, #tpu.memory_space<vmem>>) target(%dma_start3A_622 : memref<10112x128xf32, #tpu.memory_space<vmem_shared>>) offsets(%dma_start3A_619 : memref<88xi32, #tpu.memory_space<vmem>>) semaphore(%arg14 : memref<!tpu.dma_semaphore, #tpu.memory_space<semaphore_mem>>) {add = true}
    }
    %scan3A_136 = arith.constant 19 : i32
    %dma_wait3A_137 = arith.constant 0 : i32
    %dma_wait3A_138 = arith.constant 0 : i32
    %dma_wait3A_139 = arith.constant 0 : i32
    %dma_wait3A_140 = tpu.memref_slice %arg8[%dma_wait3A_137, %dma_wait3A_138, %dma_wait3A_139] : memref<4x88x128xf32, #tpu.memory_space<vmem>> -> memref<1x88x128xf32, #tpu.memory_space<vmem>>
    %dma_wait3A_141 = tpu.memref_squeeze %dma_wait3A_140 : memref<1x88x128xf32, #tpu.memory_space<vmem>> -> memref<88x128xf32, #tpu.memory_space<vmem>>
    %dma_wait3A_142 = arith.constant 0 : i32
    %dma_wait3A_143 = arith.constant 0 : i32
    %dma_wait3A_144 = tpu.memref_slice %arg2[%dma_wait3A_142, %dma_wait3A_143] : memref<20000x128xf32, #tpu.memory_space<hbm>> -> memref<88x128xf32, #tpu.memory_space<hbm>>
    %dma_wait3A_145 = arith.constant 0 : i32
    %dma_wait3A_146 = arith.constant 0 : i32
    %dma_wait3A_147 = tpu.memref_slice %arg8[%dma_wait3A_137, %dma_wait3A_145, %dma_wait3A_146] : memref<4x88x128xf32, #tpu.memory_space<vmem>> -> memref<1x88x128xf32, #tpu.memory_space<vmem>>
    %dma_wait3A_148 = tpu.memref_squeeze %dma_wait3A_147 : memref<1x88x128xf32, #tpu.memory_space<vmem>> -> memref<88x128xf32, #tpu.memory_space<vmem>>
    %dma_wait3A_149 = arith.constant 0 : i32
    %dma_wait3A_150 = arith.constant 0 : i32
    %dma_wait3A_151 = tpu.memref_slice %arg2[%dma_wait3A_149, %dma_wait3A_150] : memref<20000x128xf32, #tpu.memory_space<hbm>> -> memref<88x128xf32, #tpu.memory_space<hbm>>
    tpu.wait_dma2 semaphore(%arg11 : memref<!tpu.dma_semaphore, #tpu.memory_space<semaphore_mem>>) src(%dma_wait3A_151 : memref<88x128xf32, #tpu.memory_space<hbm>>) dst(%dma_wait3A_148 : memref<88x128xf32, #tpu.memory_space<vmem>>)
    %dma_wait3A_152 = arith.constant 1 : i32
    %dma_wait3A_153 = arith.constant 0 : i32
    %dma_wait3A_154 = arith.constant 0 : i32
    %dma_wait3A_155 = tpu.memref_slice %arg8[%dma_wait3A_152, %dma_wait3A_153, %dma_wait3A_154] : memref<4x88x128xf32, #tpu.memory_space<vmem>> -> memref<1x88x128xf32, #tpu.memory_space<vmem>>
    %dma_wait3A_156 = tpu.memref_squeeze %dma_wait3A_155 : memref<1x88x128xf32, #tpu.memory_space<vmem>> -> memref<88x128xf32, #tpu.memory_space<vmem>>
    %dma_wait3A_157 = arith.constant 0 : i32
    %dma_wait3A_158 = arith.constant 0 : i32
    %dma_wait3A_159 = tpu.memref_slice %arg2[%dma_wait3A_157, %dma_wait3A_158] : memref<20000x128xf32, #tpu.memory_space<hbm>> -> memref<88x128xf32, #tpu.memory_space<hbm>>
    %dma_wait3A_160 = arith.constant 0 : i32
    %dma_wait3A_161 = arith.constant 0 : i32
    %dma_wait3A_162 = tpu.memref_slice %arg8[%dma_wait3A_152, %dma_wait3A_160, %dma_wait3A_161] : memref<4x88x128xf32, #tpu.memory_space<vmem>> -> memref<1x88x128xf32, #tpu.memory_space<vmem>>
    %dma_wait3A_163 = tpu.memref_squeeze %dma_wait3A_162 : memref<1x88x128xf32, #tpu.memory_space<vmem>> -> memref<88x128xf32, #tpu.memory_space<vmem>>
    %dma_wait3A_164 = arith.constant 0 : i32
    %dma_wait3A_165 = arith.constant 0 : i32
    %dma_wait3A_166 = tpu.memref_slice %arg2[%dma_wait3A_164, %dma_wait3A_165] : memref<20000x128xf32, #tpu.memory_space<hbm>> -> memref<88x128xf32, #tpu.memory_space<hbm>>
    tpu.wait_dma2 semaphore(%arg12 : memref<!tpu.dma_semaphore, #tpu.memory_space<semaphore_mem>>) src(%dma_wait3A_166 : memref<88x128xf32, #tpu.memory_space<hbm>>) dst(%dma_wait3A_163 : memref<88x128xf32, #tpu.memory_space<vmem>>)
    %dma_wait3A_167 = arith.constant 2 : i32
    %dma_wait3A_168 = arith.constant 0 : i32
    %dma_wait3A_169 = arith.constant 0 : i32
    %dma_wait3A_170 = tpu.memref_slice %arg8[%dma_wait3A_167, %dma_wait3A_168, %dma_wait3A_169] : memref<4x88x128xf32, #tpu.memory_space<vmem>> -> memref<1x88x128xf32, #tpu.memory_space<vmem>>
    %dma_wait3A_171 = tpu.memref_squeeze %dma_wait3A_170 : memref<1x88x128xf32, #tpu.memory_space<vmem>> -> memref<88x128xf32, #tpu.memory_space<vmem>>
    %dma_wait3A_172 = arith.constant 0 : i32
    %dma_wait3A_173 = arith.constant 0 : i32
    %dma_wait3A_174 = tpu.memref_slice %arg2[%dma_wait3A_172, %dma_wait3A_173] : memref<20000x128xf32, #tpu.memory_space<hbm>> -> memref<88x128xf32, #tpu.memory_space<hbm>>
    %dma_wait3A_175 = arith.constant 0 : i32
    %dma_wait3A_176 = arith.constant 0 : i32
    %dma_wait3A_177 = tpu.memref_slice %arg8[%dma_wait3A_167, %dma_wait3A_175, %dma_wait3A_176] : memref<4x88x128xf32, #tpu.memory_space<vmem>> -> memref<1x88x128xf32, #tpu.memory_space<vmem>>
    %dma_wait3A_178 = tpu.memref_squeeze %dma_wait3A_177 : memref<1x88x128xf32, #tpu.memory_space<vmem>> -> memref<88x128xf32, #tpu.memory_space<vmem>>
    %dma_wait3A_179 = arith.constant 0 : i32
    %dma_wait3A_180 = arith.constant 0 : i32
    %dma_wait3A_181 = tpu.memref_slice %arg2[%dma_wait3A_179, %dma_wait3A_180] : memref<20000x128xf32, #tpu.memory_space<hbm>> -> memref<88x128xf32, #tpu.memory_space<hbm>>
    tpu.wait_dma2 semaphore(%arg13 : memref<!tpu.dma_semaphore, #tpu.memory_space<semaphore_mem>>) src(%dma_wait3A_181 : memref<88x128xf32, #tpu.memory_space<hbm>>) dst(%dma_wait3A_178 : memref<88x128xf32, #tpu.memory_space<vmem>>)
    %dma_wait3A_182 = arith.constant 3 : i32
    %dma_wait3A_183 = arith.constant 0 : i32
    %dma_wait3A_184 = arith.constant 0 : i32
    %dma_wait3A_185 = tpu.memref_slice %arg8[%dma_wait3A_182, %dma_wait3A_183, %dma_wait3A_184] : memref<4x88x128xf32, #tpu.memory_space<vmem>> -> memref<1x88x128xf32, #tpu.memory_space<vmem>>
    %dma_wait3A_186 = tpu.memref_squeeze %dma_wait3A_185 : memref<1x88x128xf32, #tpu.memory_space<vmem>> -> memref<88x128xf32, #tpu.memory_space<vmem>>
    %dma_wait3A_187 = arith.constant 0 : i32
    %dma_wait3A_188 = arith.constant 0 : i32
    %dma_wait3A_189 = tpu.memref_slice %arg2[%dma_wait3A_187, %dma_wait3A_188] : memref<20000x128xf32, #tpu.memory_space<hbm>> -> memref<88x128xf32, #tpu.memory_space<hbm>>
    %dma_wait3A_190 = arith.constant 0 : i32
    %dma_wait3A_191 = arith.constant 0 : i32
    %dma_wait3A_192 = tpu.memref_slice %arg8[%dma_wait3A_182, %dma_wait3A_190, %dma_wait3A_191] : memref<4x88x128xf32, #tpu.memory_space<vmem>> -> memref<1x88x128xf32, #tpu.memory_space<vmem>>
    %dma_wait3A_193 = tpu.memref_squeeze %dma_wait3A_192 : memref<1x88x128xf32, #tpu.memory_space<vmem>> -> memref<88x128xf32, #tpu.memory_space<vmem>>
    %dma_wait3A_194 = arith.constant 0 : i32
    %dma_wait3A_195 = arith.constant 0 : i32
    %dma_wait3A_196 = tpu.memref_slice %arg2[%dma_wait3A_194, %dma_wait3A_195] : memref<20000x128xf32, #tpu.memory_space<hbm>> -> memref<88x128xf32, #tpu.memory_space<hbm>>
    tpu.wait_dma2 semaphore(%arg14 : memref<!tpu.dma_semaphore, #tpu.memory_space<semaphore_mem>>) src(%dma_wait3A_196 : memref<88x128xf32, #tpu.memory_space<hbm>>) dst(%dma_wait3A_193 : memref<88x128xf32, #tpu.memory_space<vmem>>)
    %barrier3A_197 = arith.constant 0 : index
    tpu.barrier barrier_id(%barrier3A_197)
    %mul3A_198 = arith.constant 10112 : i32
    %mul3A_199 = arith.muli %arg0, %mul3A_198 : i32
    %add3A_200 = arith.addi %mul3A_199, %mul3A_2 : i32
    "tpu.region"() ({
      %run_scoped3A_201 = tpu.sem_alloc : memref<!tpu.dma_semaphore, #tpu.memory_space<semaphore_mem>>
      %dma_start3A_202 = arith.constant 0 : i32
      %dma_start3A_203 = tpu.memref_slice %arg5[%add3A_200, %dma_start3A_202] : memref<20224x128xf32, #tpu.memory_space<hbm>> -> memref<632x128xf32, #tpu.memory_space<hbm>>
      %dma_start3A_204 = arith.constant 0 : i32
      %dma_start3A_205 = tpu.memref_slice %arg6[%mul3A_2, %dma_start3A_204] : memref<10112x128xf32, #tpu.memory_space<vmem_shared>> -> memref<632x128xf32, #tpu.memory_space<vmem_shared>>
      tpu.enqueue_dma source(%dma_start3A_205 : memref<632x128xf32, #tpu.memory_space<vmem_shared>>) target(%dma_start3A_203 : memref<632x128xf32, #tpu.memory_space<hbm>>) target_semaphore(%run_scoped3A_201 : memref<!tpu.dma_semaphore, #tpu.memory_space<semaphore_mem>>)
      %dma_wait3A_206 = arith.constant 0 : i32
      %dma_wait3A_207 = tpu.memref_slice %arg5[%add3A_200, %dma_wait3A_206] : memref<20224x128xf32, #tpu.memory_space<hbm>> -> memref<632x128xf32, #tpu.memory_space<hbm>>
      %dma_wait3A_208 = arith.constant 0 : i32
      %dma_wait3A_209 = tpu.memref_slice %arg6[%mul3A_2, %dma_wait3A_208] : memref<10112x128xf32, #tpu.memory_space<vmem_shared>> -> memref<632x128xf32, #tpu.memory_space<vmem_shared>>
      tpu.wait_dma2 semaphore(%run_scoped3A_201 : memref<!tpu.dma_semaphore, #tpu.memory_space<semaphore_mem>>) src(%dma_wait3A_209 : memref<632x128xf32, #tpu.memory_space<vmem_shared>>) dst(%dma_wait3A_207 : memref<632x128xf32, #tpu.memory_space<hbm>>)
      tpu.yield
    }) : () -> ()
    return
  }
}

module attributes {stable_mosaic.version = 14 : i64} {
  func.func @_tc_dinv_body(%arg0: memref<2x16x10112xf32, #tpu.memory_space<vmem>>, %arg1: memref<10112x2xf32, #tpu.memory_space<vmem>>) attributes {dimension_semantics = [], scalar_prefetch = 0 : i64, scratch_operands = 0 : i64, tpu.core_type = #tpu.core_type<tc>} {
    %get3A = arith.constant 0 : index
    %get3A_0 = arith.constant 0 : index
    %get3A_1 = arith.constant 0 : index
    %get3A_2 = vector.load %arg0[%get3A, %get3A_0, %get3A_1] : memref<2x16x10112xf32, #tpu.memory_space<vmem>>, vector<1x16x10112xf32>
    %get3A_3 = vector.shape_cast %get3A_2 : vector<1x16x10112xf32> to vector<16x10112xf32>
    %reduce_sum3A = arith.constant dense<0.000000e+00> : vector<10112xf32>
    %reduce_sum3A_4 = vector.multi_reduction <add>, %get3A_3, %reduce_sum3A [0] : vector<16x10112xf32> to vector<10112xf32>
    %add3A = arith.constant 1.000000e+00 : f32
    %add3A_5 = vector.broadcast %add3A : f32 to vector<10112xf32>
    %add3A_6 = arith.addf %reduce_sum3A_4, %add3A_5 : vector<10112xf32>
    %rsqrt3A = math.rsqrt %add3A_6 : vector<10112xf32>
    %reshape3A = vector.shape_cast %rsqrt3A : vector<10112xf32> to vector<10112x1xf32>
    %swap3A = arith.constant 0 : index
    %swap3A_7 = arith.constant 0 : index
    %swap3A_8 = vector.load %arg1[%swap3A, %swap3A_7] : memref<10112x2xf32, #tpu.memory_space<vmem>>, vector<10112x1xf32>
    tpu.vector_store %arg1[%swap3A, %swap3A_7], %reshape3A {strides = array<i32>} : memref<10112x2xf32, #tpu.memory_space<vmem>>, vector<10112x1xf32>,
    %get3A_9 = arith.constant 1 : index
    %get3A_10 = arith.constant 0 : index
    %get3A_11 = arith.constant 0 : index
    %get3A_12 = vector.load %arg0[%get3A_9, %get3A_10, %get3A_11] : memref<2x16x10112xf32, #tpu.memory_space<vmem>>, vector<1x16x10112xf32>
    %get3A_13 = vector.shape_cast %get3A_12 : vector<1x16x10112xf32> to vector<16x10112xf32>
    %reduce_sum3A_14 = arith.constant dense<0.000000e+00> : vector<10112xf32>
    %reduce_sum3A_15 = vector.multi_reduction <add>, %get3A_13, %reduce_sum3A_14 [0] : vector<16x10112xf32> to vector<10112xf32>
    %add3A_16 = arith.constant 1.000000e+00 : f32
    %add3A_17 = vector.broadcast %add3A_16 : f32 to vector<10112xf32>
    %add3A_18 = arith.addf %reduce_sum3A_15, %add3A_17 : vector<10112xf32>
    %rsqrt3A_19 = math.rsqrt %add3A_18 : vector<10112xf32>
    %reshape3A_20 = vector.shape_cast %rsqrt3A_19 : vector<10112xf32> to vector<10112x1xf32>
    %swap3A_21 = arith.constant 0 : index
    %swap3A_22 = arith.constant 1 : index
    %swap3A_23 = vector.load %arg1[%swap3A_21, %swap3A_22] : memref<10112x2xf32, #tpu.memory_space<vmem>>, vector<10112x1xf32>
    tpu.vector_store %arg1[%swap3A_21, %swap3A_22], %reshape3A_20 {strides = array<i32>} : memref<10112x2xf32, #tpu.memory_space<vmem>>, vector<10112x1xf32>,
    return
  }
}

module attributes {stable_mosaic.version = 14 : i64} {
  func.func @_tc_prescale_body(%arg0: i32, %arg1: memref<2000x128xf32, #tpu.memory_space<vmem>>, %arg2: memref<2000x128xf32, #tpu.memory_space<vmem>>, %arg3: memref<128x128xf32, #tpu.memory_space<vmem>>, %arg4: memref<128x128xf32, #tpu.memory_space<vmem>>, %arg5: memref<2000x2xf32, #tpu.memory_space<vmem>>, %arg6: memref<2x2000x128xf32, #tpu.memory_space<vmem>>) attributes {dimension_semantics = [#tpu.dimension_semantics<arbitrary>], iteration_bounds = array<i64: 5>, scalar_prefetch = 0 : i64, scratch_operands = 0 : i64, tpu.core_type = #tpu.core_type<tc>, window_params = [{transform_indices = @transform_0, window_bounds = array<i64: 2000, 128>}, {transform_indices = @transform_1, window_bounds = array<i64: 2000, 128>}, {pipeline_mode = #tpu.pipeline_mode<synchronous>, transform_indices = @transform_2, window_bounds = array<i64: 128, 128>}, {pipeline_mode = #tpu.pipeline_mode<synchronous>, transform_indices = @transform_3, window_bounds = array<i64: 128, 128>}, {transform_indices = @transform_4, window_bounds = array<i64: 2000, 2>}, {transform_indices = @transform_5, window_bounds = array<i64: 2, 2000, 128>}]} {
    %get3A = arith.constant 0 : index
    %get3A_0 = arith.constant 0 : index
    %get3A_1 = vector.load %arg1[%get3A, %get3A_0] : memref<2000x128xf32, #tpu.memory_space<vmem>>, vector<2000x128xf32>
    %get3A_2 = arith.constant 0 : index
    %get3A_3 = arith.constant 0 : index
    %get3A_4 = vector.load %arg3[%get3A_2, %get3A_3] : memref<128x128xf32, #tpu.memory_space<vmem>>, vector<128x128xf32>
    %dot_general3A = arith.constant dense<0.000000e+00> : vector<2000x128xf32>
    %dot_general3A_5 = tpu.matmul %get3A_1, %get3A_4, %dot_general3A {dimension_numbers = #tpu.dot_dimension_numbers<[1], [0], [0], [1], [0, 0, 1, 1], [], []>, transpose_lhs_hint = false} : vector<2000x128xf32>, vector<128x128xf32>, vector<2000x128xf32> -> vector<2000x128xf32>
    %get3A_6 = arith.constant 0 : index
    %get3A_7 = arith.constant 0 : index
    %get3A_8 = vector.load %arg2[%get3A_6, %get3A_7] : memref<2000x128xf32, #tpu.memory_space<vmem>>, vector<2000x128xf32>
    %get3A_9 = arith.constant 0 : index
    %get3A_10 = arith.constant 0 : index
    %get3A_11 = vector.load %arg4[%get3A_9, %get3A_10] : memref<128x128xf32, #tpu.memory_space<vmem>>, vector<128x128xf32>
    %dot_general3A_12 = arith.constant dense<0.000000e+00> : vector<2000x128xf32>
    %dot_general3A_13 = tpu.matmul %get3A_8, %get3A_11, %dot_general3A_12 {dimension_numbers = #tpu.dot_dimension_numbers<[1], [0], [0], [1], [0, 0, 1, 1], [], []>, transpose_lhs_hint = false} : vector<2000x128xf32>, vector<128x128xf32>, vector<2000x128xf32> -> vector<2000x128xf32>
    %get3A_14 = arith.constant 0 : index
    %get3A_15 = arith.constant 0 : index
    %get3A_16 = vector.load %arg5[%get3A_14, %get3A_15] : memref<2000x2xf32, #tpu.memory_space<vmem>>, vector<2000x1xf32>
    %mul3A = vector.broadcast %get3A_16 : vector<2000x1xf32> to vector<2000x128xf32>
    %mul3A_17 = arith.mulf %dot_general3A_5, %mul3A : vector<2000x128xf32>
    %swap3A = arith.constant 0 : index
    %swap3A_18 = arith.constant 0 : index
    %swap3A_19 = arith.constant 0 : index
    %swap3A_20 = vector.load %arg6[%swap3A, %swap3A_18, %swap3A_19] : memref<2x2000x128xf32, #tpu.memory_space<vmem>>, vector<1x2000x128xf32>
    %swap3A_21 = vector.shape_cast %swap3A_20 : vector<1x2000x128xf32> to vector<2000x128xf32>
    %swap3A_22 = vector.shape_cast %mul3A_17 : vector<2000x128xf32> to vector<1x2000x128xf32>
    tpu.vector_store %arg6[%swap3A, %swap3A_18, %swap3A_19], %swap3A_22 {strides = array<i32>} : memref<2x2000x128xf32, #tpu.memory_space<vmem>>, vector<1x2000x128xf32>,
    %get3A_23 = arith.constant 0 : index
    %get3A_24 = arith.constant 1 : index
    %get3A_25 = vector.load %arg5[%get3A_23, %get3A_24] : memref<2000x2xf32, #tpu.memory_space<vmem>>, vector<2000x1xf32>
    %mul3A_26 = vector.broadcast %get3A_25 : vector<2000x1xf32> to vector<2000x128xf32>
    %mul3A_27 = arith.mulf %dot_general3A_13, %mul3A_26 : vector<2000x128xf32>
    %swap3A_28 = arith.constant 1 : index
    %swap3A_29 = arith.constant 0 : index
    %swap3A_30 = arith.constant 0 : index
    %swap3A_31 = vector.load %arg6[%swap3A_28, %swap3A_29, %swap3A_30] : memref<2x2000x128xf32, #tpu.memory_space<vmem>>, vector<1x2000x128xf32>
    %swap3A_32 = vector.shape_cast %swap3A_31 : vector<1x2000x128xf32> to vector<2000x128xf32>
    %swap3A_33 = vector.shape_cast %mul3A_27 : vector<2000x128xf32> to vector<1x2000x128xf32>
    tpu.vector_store %arg6[%swap3A_28, %swap3A_29, %swap3A_30], %swap3A_33 {strides = array<i32>} : memref<2x2000x128xf32, #tpu.memory_space<vmem>>, vector<1x2000x128xf32>,
    return
  }
  func.func @transform_0(%arg0: i32) -> (i32, i32) {
    %c0_i32 = arith.constant 0 : i32
    %c0_i32_0 = arith.constant 0 : i32
    return %arg0, %c0_i32 : i32, i32
  }
  func.func @transform_1(%arg0: i32) -> (i32, i32) {
    %c0_i32 = arith.constant 0 : i32
    %c0_i32_0 = arith.constant 0 : i32
    return %arg0, %c0_i32 : i32, i32
  }
  func.func @transform_2(%arg0: i32) -> (i32, i32) {
    %c0_i32 = arith.constant 0 : i32
    %c0_i32_0 = arith.constant 0 : i32
    %c0_i32_1 = arith.constant 0 : i32
    return %c0_i32, %c0_i32_0 : i32, i32
  }
  func.func @transform_3(%arg0: i32) -> (i32, i32) {
    %c0_i32 = arith.constant 0 : i32
    %c0_i32_0 = arith.constant 0 : i32
    %c0_i32_1 = arith.constant 0 : i32
    return %c0_i32, %c0_i32_0 : i32, i32
  }
  func.func @transform_4(%arg0: i32) -> (i32, i32) {
    %c0_i32 = arith.constant 0 : i32
    %c0_i32_0 = arith.constant 0 : i32
    return %arg0, %c0_i32 : i32, i32
  }
  func.func @transform_5(%arg0: i32) -> (i32, i32, i32) {
    %c0_i32 = arith.constant 0 : i32
    %c0_i32_0 = arith.constant 0 : i32
    %c0_i32_1 = arith.constant 0 : i32
    return %c0_i32, %arg0, %c0_i32_0 : i32, i32, i32
  }
}

module attributes {stable_mosaic.version = 14 : i64} {
  func.func @_tc_finish_body(%arg0: i32, %arg1: memref<2x2000x128xf32, #tpu.memory_space<vmem>>, %arg2: memref<2x2000x128xf32, #tpu.memory_space<vmem>>, %arg3: memref<2000x2xf32, #tpu.memory_space<vmem>>, %arg4: memref<1x128xf32, #tpu.memory_space<vmem>>, %arg5: memref<1x128xf32, #tpu.memory_space<vmem>>, %arg6: memref<256x128xf32, #tpu.memory_space<vmem>>, %arg7: memref<1x128xf32, #tpu.memory_space<vmem>>, %arg8: memref<128x1xf32, #tpu.memory_space<vmem>>, %arg9: memref<1x1xf32, #tpu.memory_space<vmem>>, %arg10: memref<1x1xf32, #tpu.memory_space<vmem>>, %arg11: memref<2x128xf32, #tpu.memory_space<vmem>>) attributes {dimension_semantics = [#tpu.dimension_semantics<arbitrary>], iteration_bounds = array<i64: 5>, scalar_prefetch = 0 : i64, scratch_operands = 1 : i64, tpu.core_type = #tpu.core_type<tc>, window_params = [{transform_indices = @transform_0, window_bounds = array<i64: 2, 2000, 128>}, {transform_indices = @transform_1, window_bounds = array<i64: 2, 2000, 128>}, {transform_indices = @transform_2, window_bounds = array<i64: 2000, 2>}, {pipeline_mode = #tpu.pipeline_mode<synchronous>, transform_indices = @transform_3, window_bounds = array<i64: 1, 128>}, {pipeline_mode = #tpu.pipeline_mode<synchronous>, transform_indices = @transform_4, window_bounds = array<i64: 1, 128>}, {pipeline_mode = #tpu.pipeline_mode<synchronous>, transform_indices = @transform_5, window_bounds = array<i64: 256, 128>}, {pipeline_mode = #tpu.pipeline_mode<synchronous>, transform_indices = @transform_6, window_bounds = array<i64: 1, 128>}, {pipeline_mode = #tpu.pipeline_mode<synchronous>, transform_indices = @transform_7, window_bounds = array<i64: 128, 1>}, {pipeline_mode = #tpu.pipeline_mode<synchronous>, transform_indices = @transform_8, window_bounds = array<i64: 1, 1>}, {pipeline_mode = #tpu.pipeline_mode<synchronous>, transform_indices = @transform_9, window_bounds = array<i64: 1, 1>}]} {
    %eq3A = arith.constant 0 : i32
    %eq3A_0 = arith.cmpi eq, %arg0, %eq3A : i32
    %convert_element_type3A = arith.extui %eq3A_0 : i1 to i32
    %cond3A = arith.constant 0 : i32
    %cond3A_1 = arith.cmpi ne, %convert_element_type3A, %cond3A : i32
    scf.if %cond3A_1 {
      %broadcast_in_dim3A = arith.constant 0.000000e+00 : f32
      %broadcast_in_dim3A_68 = vector.broadcast %broadcast_in_dim3A : f32 to vector<2x128xf32>
      %swap3A_69 = arith.constant 0 : index
      %swap3A_70 = arith.constant 0 : index
      %swap3A_71 = vector.load %arg11[%swap3A_69, %swap3A_70] : memref<2x128xf32, #tpu.memory_space<vmem>>, vector<2x128xf32>
      tpu.vector_store %arg11[%swap3A_69, %swap3A_70], %broadcast_in_dim3A_68 {strides = array<i32>} : memref<2x128xf32, #tpu.memory_space<vmem>>, vector<2x128xf32>,
    } else {
    }
    %get3A = arith.constant 0 : index
    %get3A_2 = arith.constant 0 : index
    %get3A_3 = arith.constant 0 : index
    %get3A_4 = vector.load %arg1[%get3A, %get3A_2, %get3A_3] : memref<2x2000x128xf32, #tpu.memory_space<vmem>>, vector<1x2000x128xf32>
    %get3A_5 = vector.shape_cast %get3A_4 : vector<1x2000x128xf32> to vector<2000x128xf32>
    %get3A_6 = arith.constant 0 : index
    %get3A_7 = arith.constant 0 : index
    %get3A_8 = arith.constant 0 : index
    %get3A_9 = vector.load %arg2[%get3A_6, %get3A_7, %get3A_8] : memref<2x2000x128xf32, #tpu.memory_space<vmem>>, vector<1x2000x128xf32>
    %get3A_10 = vector.shape_cast %get3A_9 : vector<1x2000x128xf32> to vector<2000x128xf32>
    %add3A = arith.addf %get3A_5, %get3A_10 : vector<2000x128xf32>
    %get3A_11 = arith.constant 1 : index
    %get3A_12 = arith.constant 0 : index
    %get3A_13 = arith.constant 0 : index
    %get3A_14 = vector.load %arg1[%get3A_11, %get3A_12, %get3A_13] : memref<2x2000x128xf32, #tpu.memory_space<vmem>>, vector<1x2000x128xf32>
    %get3A_15 = vector.shape_cast %get3A_14 : vector<1x2000x128xf32> to vector<2000x128xf32>
    %get3A_16 = arith.constant 1 : index
    %get3A_17 = arith.constant 0 : index
    %get3A_18 = arith.constant 0 : index
    %get3A_19 = vector.load %arg2[%get3A_16, %get3A_17, %get3A_18] : memref<2x2000x128xf32, #tpu.memory_space<vmem>>, vector<1x2000x128xf32>
    %get3A_20 = vector.shape_cast %get3A_19 : vector<1x2000x128xf32> to vector<2000x128xf32>
    %add3A_21 = arith.addf %get3A_15, %get3A_20 : vector<2000x128xf32>
    %get3A_22 = arith.constant 0 : index
    %get3A_23 = arith.constant 0 : index
    %get3A_24 = vector.load %arg3[%get3A_22, %get3A_23] : memref<2000x2xf32, #tpu.memory_space<vmem>>, vector<2000x1xf32>
    %mul3A = vector.broadcast %get3A_24 : vector<2000x1xf32> to vector<2000x128xf32>
    %mul3A_25 = arith.mulf %add3A, %mul3A : vector<2000x128xf32>
    %get3A_26 = arith.constant 0 : index
    %get3A_27 = arith.constant 0 : index
    %get3A_28 = vector.load %arg4[%get3A_26, %get3A_27] : memref<1x128xf32, #tpu.memory_space<vmem>>, vector<1x128xf32>
    %add3A_29 = vector.broadcast %get3A_28 : vector<1x128xf32> to vector<2000x128xf32>
    %add3A_30 = arith.addf %mul3A_25, %add3A_29 : vector<2000x128xf32>
    %get3A_31 = arith.constant 0 : index
    %get3A_32 = arith.constant 1 : index
    %get3A_33 = vector.load %arg3[%get3A_31, %get3A_32] : memref<2000x2xf32, #tpu.memory_space<vmem>>, vector<2000x1xf32>
    %mul3A_34 = vector.broadcast %get3A_33 : vector<2000x1xf32> to vector<2000x128xf32>
    %mul3A_35 = arith.mulf %add3A_21, %mul3A_34 : vector<2000x128xf32>
    %get3A_36 = arith.constant 0 : index
    %get3A_37 = arith.constant 0 : index
    %get3A_38 = vector.load %arg5[%get3A_36, %get3A_37] : memref<1x128xf32, #tpu.memory_space<vmem>>, vector<1x128xf32>
    %add3A_39 = vector.broadcast %get3A_38 : vector<1x128xf32> to vector<2000x128xf32>
    %add3A_40 = arith.addf %mul3A_35, %add3A_39 : vector<2000x128xf32>
    %max3A = arith.constant 0.000000e+00 : f32
    %max3A_41 = vector.broadcast %max3A : f32 to vector<2000x128xf32>
    %max3A_42 = arith.maximumf %add3A_30, %max3A_41 : vector<2000x128xf32>
    %max3A_43 = arith.constant 0.000000e+00 : f32
    %max3A_44 = vector.broadcast %max3A_43 : f32 to vector<2000x128xf32>
    %max3A_45 = arith.maximumf %add3A_40, %max3A_44 : vector<2000x128xf32>
    %get3A_46 = arith.constant 0 : index
    %get3A_47 = arith.constant 0 : index
    %get3A_48 = vector.load %arg11[%get3A_46, %get3A_47] : memref<2x128xf32, #tpu.memory_space<vmem>>, vector<1x128xf32>
    %reduce_sum3A = arith.constant dense<0.000000e+00> : vector<128xf32>
    %reduce_sum3A_49 = vector.multi_reduction <add>, %max3A_42, %reduce_sum3A [0] : vector<2000x128xf32> to vector<128xf32>
    %reshape3A = vector.shape_cast %reduce_sum3A_49 : vector<128xf32> to vector<1x128xf32>
    %add3A_50 = arith.addf %get3A_48, %reshape3A : vector<1x128xf32>
    %swap3A = arith.constant 0 : index
    %swap3A_51 = arith.constant 0 : index
    %swap3A_52 = vector.load %arg11[%swap3A, %swap3A_51] : memref<2x128xf32, #tpu.memory_space<vmem>>, vector<1x128xf32>
    tpu.vector_store %arg11[%swap3A, %swap3A_51], %add3A_50 {strides = array<i32>} : memref<2x128xf32, #tpu.memory_space<vmem>>, vector<1x128xf32>,
    %get3A_53 = arith.constant 1 : index
    %get3A_54 = arith.constant 0 : index
    %get3A_55 = vector.load %arg11[%get3A_53, %get3A_54] : memref<2x128xf32, #tpu.memory_space<vmem>>, vector<1x128xf32>
    %reduce_sum3A_56 = arith.constant dense<0.000000e+00> : vector<128xf32>
    %reduce_sum3A_57 = vector.multi_reduction <add>, %max3A_45, %reduce_sum3A_56 [0] : vector<2000x128xf32> to vector<128xf32>
    %reshape3A_58 = vector.shape_cast %reduce_sum3A_57 : vector<128xf32> to vector<1x128xf32>
    %add3A_59 = arith.addf %get3A_55, %reshape3A_58 : vector<1x128xf32>
    %swap3A_60 = arith.constant 1 : index
    %swap3A_61 = arith.constant 0 : index
    %swap3A_62 = vector.load %arg11[%swap3A_60, %swap3A_61] : memref<2x128xf32, #tpu.memory_space<vmem>>, vector<1x128xf32>
    tpu.vector_store %arg11[%swap3A_60, %swap3A_61], %add3A_59 {strides = array<i32>} : memref<2x128xf32, #tpu.memory_space<vmem>>, vector<1x128xf32>,
    %eq3A_63 = arith.constant 4 : i32
    %eq3A_64 = arith.cmpi eq, %arg0, %eq3A_63 : i32
    %convert_element_type3A_65 = arith.extui %eq3A_64 : i1 to i32
    %cond3A_66 = arith.constant 0 : i32
    %cond3A_67 = arith.cmpi ne, %convert_element_type3A_65, %cond3A_66 : i32
    scf.if %cond3A_67 {
      %get3A_68 = arith.constant 0 : index
      %get3A_69 = arith.constant 0 : index
      %get3A_70 = vector.load %arg11[%get3A_68, %get3A_69] : memref<2x128xf32, #tpu.memory_space<vmem>>, vector<1x128xf32>
      %mul3A_71 = arith.constant 9.99999974E-5 : f32
      %mul3A_72 = vector.broadcast %mul3A_71 : f32 to vector<1x128xf32>
      %mul3A_73 = arith.mulf %get3A_70, %mul3A_72 : vector<1x128xf32>
      %get3A_74 = arith.constant 1 : index
      %get3A_75 = arith.constant 0 : index
      %get3A_76 = vector.load %arg11[%get3A_74, %get3A_75] : memref<2x128xf32, #tpu.memory_space<vmem>>, vector<1x128xf32>
      %mul3A_77 = arith.constant 9.99999974E-5 : f32
      %mul3A_78 = vector.broadcast %mul3A_77 : f32 to vector<1x128xf32>
      %mul3A_79 = arith.mulf %get3A_76, %mul3A_78 : vector<1x128xf32>
      %get3A_80 = arith.constant 0 : index
      %get3A_81 = arith.constant 0 : index
      %get3A_82 = vector.load %arg6[%get3A_80, %get3A_81] : memref<256x128xf32, #tpu.memory_space<vmem>>, vector<128x128xf32>
      %dot_general3A = arith.constant dense<0.000000e+00> : vector<1x128xf32>
      %dot_general3A_83 = tpu.matmul %mul3A_73, %get3A_82, %dot_general3A {dimension_numbers = #tpu.dot_dimension_numbers<[1], [0], [0], [1], [0, 0, 1, 1], [], []>, transpose_lhs_hint = false} : vector<1x128xf32>, vector<128x128xf32>, vector<1x128xf32> -> vector<1x128xf32>
      %get3A_84 = arith.constant 128 : index
      %get3A_85 = arith.constant 0 : index
      %get3A_86 = vector.load %arg6[%get3A_84, %get3A_85] : memref<256x128xf32, #tpu.memory_space<vmem>>, vector<128x128xf32>
      %dot_general3A_87 = arith.constant dense<0.000000e+00> : vector<1x128xf32>
      %dot_general3A_88 = tpu.matmul %mul3A_79, %get3A_86, %dot_general3A_87 {dimension_numbers = #tpu.dot_dimension_numbers<[1], [0], [0], [1], [0, 0, 1, 1], [], []>, transpose_lhs_hint = false} : vector<1x128xf32>, vector<128x128xf32>, vector<1x128xf32> -> vector<1x128xf32>
      %add3A_89 = arith.addf %dot_general3A_83, %dot_general3A_88 : vector<1x128xf32>
      %get3A_90 = arith.constant 0 : index
      %get3A_91 = arith.constant 0 : index
      %get3A_92 = vector.load %arg7[%get3A_90, %get3A_91] : memref<1x128xf32, #tpu.memory_space<vmem>>, vector<1x128xf32>
      %add3A_93 = arith.addf %add3A_89, %get3A_92 : vector<1x128xf32>
      %max3A_94 = arith.constant 0.000000e+00 : f32
      %max3A_95 = vector.broadcast %max3A_94 : f32 to vector<1x128xf32>
      %max3A_96 = arith.maximumf %add3A_93, %max3A_95 : vector<1x128xf32>
      %get3A_97 = arith.constant 0 : index
      %get3A_98 = arith.constant 0 : index
      %get3A_99 = vector.load %arg8[%get3A_97, %get3A_98] : memref<128x1xf32, #tpu.memory_space<vmem>>, vector<128x1xf32>
      %dot_general3A_100 = arith.constant dense<0.000000e+00> : vector<1x1xf32>
      %dot_general3A_101 = tpu.matmul %max3A_96, %get3A_99, %dot_general3A_100 {dimension_numbers = #tpu.dot_dimension_numbers<[1], [0], [0], [1], [0, 0, 1, 1], [], []>, transpose_lhs_hint = false} : vector<1x128xf32>, vector<128x1xf32>, vector<1x1xf32> -> vector<1x1xf32>
      %get3A_102 = arith.constant 0 : index
      %get3A_103 = arith.constant 0 : index
      %get3A_104 = vector.load %arg9[%get3A_102, %get3A_103] : memref<1x1xf32, #tpu.memory_space<vmem>>, vector<1x1xf32>
      %add3A_105 = arith.addf %dot_general3A_101, %get3A_104 : vector<1x1xf32>
      %logistic3A = arith.negf %add3A_105 : vector<1x1xf32>
      %logistic3A_106 = math.exp %logistic3A : vector<1x1xf32>
      %logistic3A_107 = arith.constant 1.000000e+00 : f32
      %logistic3A_108 = vector.broadcast %logistic3A_107 : f32 to vector<1x1xf32>
      %logistic3A_109 = arith.addf %logistic3A_108, %logistic3A_106 : vector<1x1xf32>
      %logistic3A_110 = arith.divf %logistic3A_108, %logistic3A_109 : vector<1x1xf32>
      %swap3A_111 = arith.constant 0 : index
      %swap3A_112 = arith.constant 0 : index
      %swap3A_113 = vector.load %arg10[%swap3A_111, %swap3A_112] : memref<1x1xf32, #tpu.memory_space<vmem>>, vector<1x1xf32>
      tpu.vector_store %arg10[%swap3A_111, %swap3A_112], %logistic3A_110 {strides = array<i32>} : memref<1x1xf32, #tpu.memory_space<vmem>>, vector<1x1xf32>,
    } else {
    }
    return
  }
  func.func @transform_0(%arg0: i32) -> (i32, i32, i32) {
    %c0_i32 = arith.constant 0 : i32
    %c0_i32_0 = arith.constant 0 : i32
    %c0_i32_1 = arith.constant 0 : i32
    return %c0_i32, %arg0, %c0_i32_0 : i32, i32, i32
  }
  func.func @transform_1(%arg0: i32) -> (i32, i32, i32) {
    %c0_i32 = arith.constant 0 : i32
    %c0_i32_0 = arith.constant 0 : i32
    %c0_i32_1 = arith.constant 0 : i32
    return %c0_i32, %arg0, %c0_i32_0 : i32, i32, i32
  }
  func.func @transform_2(%arg0: i32) -> (i32, i32) {
    %c0_i32 = arith.constant 0 : i32
    %c0_i32_0 = arith.constant 0 : i32
    return %arg0, %c0_i32 : i32, i32
  }
  func.func @transform_3(%arg0: i32) -> (i32, i32) {
    %c0_i32 = arith.constant 0 : i32
    %c0_i32_0 = arith.constant 0 : i32
    %c0_i32_1 = arith.constant 0 : i32
    return %c0_i32, %c0_i32_0 : i32, i32
  }
  func.func @transform_4(%arg0: i32) -> (i32, i32) {
    %c0_i32 = arith.constant 0 : i32
    %c0_i32_0 = arith.constant 0 : i32
    %c0_i32_1 = arith.constant 0 : i32
    return %c0_i32, %c0_i32_0 : i32, i32
  }
  func.func @transform_5(%arg0: i32) -> (i32, i32) {
    %c0_i32 = arith.constant 0 : i32
    %c0_i32_0 = arith.constant 0 : i32
    %c0_i32_1 = arith.constant 0 : i32
    return %c0_i32, %c0_i32_0 : i32, i32
  }
  func.func @transform_6(%arg0: i32) -> (i32, i32) {
    %c0_i32 = arith.constant 0 : i32
    %c0_i32_0 = arith.constant 0 : i32
    %c0_i32_1 = arith.constant 0 : i32
    return %c0_i32, %c0_i32_0 : i32, i32
  }
  func.func @transform_7(%arg0: i32) -> (i32, i32) {
    %c0_i32 = arith.constant 0 : i32
    %c0_i32_0 = arith.constant 0 : i32
    %c0_i32_1 = arith.constant 0 : i32
    return %c0_i32, %c0_i32_0 : i32, i32
  }
  func.func @transform_8(%arg0: i32) -> (i32, i32) {
    %c0_i32 = arith.constant 0 : i32
    %c0_i32_0 = arith.constant 0 : i32
    %c0_i32_1 = arith.constant 0 : i32
    return %c0_i32, %c0_i32_0 : i32, i32
  }
  func.func @transform_9(%arg0: i32) -> (i32, i32) {
    %c0_i32 = arith.constant 0 : i32
    %c0_i32_0 = arith.constant 0 : i32
    %c0_i32_1 = arith.constant 0 : i32
    return %c0_i32, %c0_i32_0 : i32, i32
  }
}

</mosaic_0001>

<sc_bundles>
// kernel: kernel.10.cloned.1.call-start
scs
__scs_entry_jumppad:
0x0: {  	(pc) =	sbr.rel $0x88, $3  }
0x1: {  	(tag) =	ssettag $0x0;
	lr =	simm.s32 $0x1  }
0x2: {  	[smem:$0x3F95] =	sst lr;
	_ =	strace $0xD0000000  }
0x3: {  	_ = 	snop  }
0x4: {  	_ = 	snop  }
0x5: {  	_ = 	snop  }
0x6: {  	_ = 	snop  }
0x7: {  	_ = 	snop  }
__scs_overlays_trampoline_lowered:
0x8: {  	[smem:$0x3FA4] =	sst s0  }
0x9: {  	[smem:$0x3FA5] =	sst s1  }
0xa: {  	[smem:$0x3FA6] =	sst s2  }
0xb: {  	[smem:$0x3FA7] =	sst s3  }
0xc: {  	[smem:$0x3FA8] =	sst s4  }
0xd: {  	[smem:$0x3FA9] =	sst s5  }
0xe: {  	[smem:$0x3FAA] =	sst s6  }
0xf: {  	[smem:$0x3FAB] =	sst s7  }
0x10: {  	[smem:$0x3FAC] =	sst s8  }
0x11: {  	[smem:$0x3FAD] =	sst s9;
	s0 =	simm.s32 @!p0 $0x0  }
0x12: {  	s1 =	sld [smem:$0x3F93];
	s0 =	simm.s32 @p0 $0x1  }
0x13: {  	[smem:$0x3FAE] =	sst s0;
	s0 =	simm.s32 @!p1 $0x0  }
0x14: {  	s2 =	sld [smem:$0x3F92];
	s0 =	simm.s32 @p1 $0x1  }
0x15: {  	[smem:$0x3FAF] =	sst s0;
	s0 =	simm.s32 @!p2 $0x0  }
0x16: {  	s3 =	sld [smem:$0x3FDB];
	s0 =	simm.s32 @p2 $0x1  }
0x17: {  	s4 =	simm.s32 $0x1BF5;
	[smem:$0x3FB1] =	sst s0  }
0x18: {  	s0 =	sld [smem:$0x3F94];
	_ =	swait.ge [sflag:s4], $0x0  }
0x19: {  	s7 =	sld [smem:$0x3F95]  }
0x1a: {  	s8 =	sadd.s32 $0xFFFFE003, lr  }
0x1b: {  	s9 =	sadd.s32 $0xFFFFFEF7, lr;
	s5 =	simm.s32 $0xFFFFFFFF;
	p2 =	slt.u32 s8, $0xFFFFF086  }
0x1c: {  	p1 =	slt.u32 s9, $0xF7A;
	s5 =	simm.s32 @!p2 $0x0  }
0x1d: {  	s5 =	simm.s32 @p1 $0x1;
	p0 =	seq.s32 s7, s2  }
0x1e: {  	s7 =	smul.u32 @!p0 $0xF7A, s2;
	p2 =	seq.s32 @!p0 s5, $0x0  }
0x1f: {  	s9 =	smul.u32 $0xF7A, s1;
	s8 =	simm.s32 @!p0 $0x1BF5;
	p2 =	por !p2, p0  }
0x20: {  	[sflag:s8] =	ssyncset.s32 @!p0 $0xFFFFF086;
	s6 =	sadd.s32 @!p0 s3, s7;
	s7 =	simm.s32 @!p0 $0x108  }
0x21: {  	s3 =	sadd.s32 s3, s9;
	s6 =	sadd.s32 @!p0 $0x88, s6;
	s7 =	simm.s32 @p2 $0x1082  }
0x22: {  	[simem:s7], [sflag:s8] =	dma.local @!p0 [hbm:s6], $0xF7A  }
0x23: {  	s9 =	sor.u32 $0xD0000000, s2;
	s6 =	simm.s32 $0x108;
	_ =	swait.ge @!p0 [sflag:s8], $0x0  }
0x24: {  	s3 =	sadd.s32 $0x88, s3;
	s6 =	simm.s32 @!p1 $0x1082;
	[sflag:s4] =	ssyncset.s32 $0xFFFFF086  }
0x25: {  	[simem:s6], [sflag:s4] =	dma.local [hbm:s3], $0xF7A  }
0x26: {  	[smem:$0x3F95] =	sst s1;
	(tag) =	ssettag s2;
	_ =	strace s9  }
0x27: {  	s1 =	sld [smem:$0x3FA5]  }
0x28: {  	s2 =	sld [smem:$0x3FA6]  }
0x29: {  	s4 =	sld [smem:$0x3FA8]  }
0x2a: {  	p0 =	seq.s32 s5, $0x0;
	s5 =	sld [smem:$0x3FA9]  }
0x2b: {  	s6 =	sld [smem:$0x3FAA]  }
0x2c: {  	s7 =	sld [smem:$0x3FAB]  }
0x2d: {  	s3 =	simm.s32 $0x108;
	s8 =	sld [smem:$0x3FAC]  }
0x2e: {  	s3 =	simm.s32 @!p0 $0x1082;
	s9 =	sld [smem:$0x3FAD]  }
0x2f: {  	lr =	sadd.s32 s0, s3;
	s0 =	sld [smem:$0x3FA4]  }
0x30: {  	s3 =	sld [smem:$0x3FA7]  }
0x31: {  	[smem:$0x3FB0] =	sst s10  }
0x32: {  	s10 =	sld [smem:$0x3FAE];
	_ =	sdelay $0x3  }
0x33: {  	p0 =	seq.s32 s10, $0x1;
	s10 =	sld [smem:$0x3FB0];
	_ =	sdelay $0x3  }
0x34: {  	[smem:$0x3FB0] =	sst s10  }
0x35: {  	s10 =	sld [smem:$0x3FAF];
	_ =	sdelay $0x3  }
0x36: {  	p1 =	seq.s32 s10, $0x1;
	s10 =	sld [smem:$0x3FB0];
	_ =	sdelay $0x3  }
0x37: {  	[smem:$0x3FB0] =	sst s10  }
0x38: {  	s10 =	sld [smem:$0x3FB1]  }
0x39: {  	_ = 	snop;
	(pc) =	sbr.ind lr, $3  }
0x3a: {  	_ = 	snop  }
0x3b: {  	_ = 	snop  }
0x3c: {  	p2 =	seq.s32 s10, $0x1;
	s10 =	sld [smem:$0x3FB0]  }
0x3d: {  	_ =	shalt  }
0x3e: {  	_ =	shalt  }
0x3f: {  	_ =	shalt  }
0x40: {  	_ =	shalt  }
0x41: {  	_ =	shalt  }
0x42: {  	_ =	shalt  }
0x43: {  	_ =	shalt  }
0x44: {  	_ =	shalt  }
0x45: {  	_ =	shalt  }
0x46: {  	_ =	shalt  }
0x47: {  	_ =	shalt  }
0x48: {  	_ =	shalt  }
0x49: {  	_ =	shalt  }
0x4a: {  	_ =	shalt  }
0x4b: {  	_ =	shalt  }
0x4c: {  	_ =	shalt  }
0x4d: {  	_ =	shalt  }
0x4e: {  	_ =	shalt  }
0x4f: {  	_ =	shalt  }
0x50: {  	_ =	shalt  }
0x51: {  	_ =	shalt  }
0x52: {  	_ =	shalt  }
0x53: {  	_ =	shalt  }
0x54: {  	_ =	shalt  }
0x55: {  	_ =	shalt  }
0x56: {  	_ =	shalt  }
0x57: {  	_ =	shalt  }
0x58: {  	_ =	shalt  }
0x59: {  	_ =	shalt  }
0x5a: {  	_ =	shalt  }
0x5b: {  	_ =	shalt  }
0x5c: {  	_ =	shalt  }
0x5d: {  	_ =	shalt  }
0x5e: {  	_ =	shalt  }
0x5f: {  	_ =	shalt  }
0x60: {  	_ =	shalt  }
0x61: {  	_ =	shalt  }
0x62: {  	_ =	shalt  }
0x63: {  	_ =	shalt  }
0x64: {  	_ =	shalt  }
0x65: {  	_ =	shalt  }
0x66: {  	_ =	shalt  }
0x67: {  	_ =	shalt  }
0x68: {  	_ =	shalt  }
0x69: {  	_ =	shalt  }
0x6a: {  	_ =	shalt  }
0x6b: {  	_ =	shalt  }
0x6c: {  	_ =	shalt  }
0x6d: {  	_ =	shalt  }
0x6e: {  	_ =	shalt  }
0x6f: {  	_ =	shalt  }
0x70: {  	_ =	shalt  }
0x71: {  	_ =	shalt  }
0x72: {  	_ =	shalt  }
0x73: {  	_ =	shalt  }
0x74: {  	_ =	shalt  }
0x75: {  	_ =	shalt  }
0x76: {  	_ =	shalt  }
0x77: {  	_ =	shalt  }
0x78: {  	_ =	shalt  }
0x79: {  	_ =	shalt  }
0x7a: {  	_ =	shalt  }
0x7b: {  	_ =	shalt  }
0x7c: {  	_ =	shalt  }
0x7d: {  	_ =	shalt  }
0x7e: {  	_ =	shalt  }
0x7f: {  	_ =	shalt  }
0x80: {  	_ =	shalt  }
0x81: {  	_ =	shalt  }
0x82: {  	_ =	shalt  }
0x83: {  	_ =	shalt  }
0x84: {  	_ =	shalt  }
0x85: {  	_ =	shalt  }
0x86: {  	_ =	shalt  }
0x87: {  	_ =	shalt  }
.Lfunc_end0:
.L_simem_size_0:
called_computation.1_lowered:
.L_overlay_start_0:
0x88: {  	s2 =	sld [smem:$0x3FD9]  }
0x89: {  	s3 =	sld [smem:$0x3FFE];
	_ =	sdelay $0x1  }
0x8a: {  	s1 =	srdreg.scid  }
0x8b: {  	s0 =	sand.u32 $0x1, s1  }
0x8c: {  	s16 =	sshll.u32 s0, $0xA;
	s2 =	sadd.s32 s3, s2  }
0x8d: {  	s2 =	sadd.s32 s2, s16  }
0x8e: {  	[smem:$0x3FBC] =	sst s2  }
0x8f: {  	_ = 	snop  }
0x90: {  	(tm) =	ssettm $0x1  }
0x91: {  	s17 =	sld [smem:$0x3FFB];
	_ =	sdelay $0x3  }
0x92: {  	_ =	strace s17  }
0x93: {  	s2 =	sld [smem:$0x3FFC];
	_ =	sdelay $0x3  }
0x94: {  	_ =	strace s2  }
0x95: {  	s2 =	sld [smem:$0x3FFD];
	_ =	sdelay $0x3  }
0x96: {  	_ =	strace s2  }
0x97: {  	_ =	strace $0x8FFFFFFF  }
0x98: {  	s18 =	sld [smem:$0x3FDB];
	_ =	sdelay $0x1  }
0x99: {  	s19 =	simm.s32 $_scs_section_size  }
0x9a: {  	s4 =	simm.s32 $_size__tile_overlayer_lowered;
	s5 =	simm.s32 $_tile_overlayer_lowered  }
0x9b: {  	s22 =	simm.s32 $0x1BFF;
	s21 =	sshll.u32 s5, $0x1;
	s2 =	sadd.s32 s19, s18  }
0x9c: {  	s6 =	simm.s32 $0x0;
	s20 =	sshll.u32 s4, $0x1;
	s4 =	sadd.s32 s21, s2  }
0x9d: {  	[timem:s6], [sflag:s22] =	dma.local [hbm:s4], s20  }
0x9e: {  	_ =	swait.ge [sflag:s22], s20  }
0x9f: {  	s3 =	ssub.s32 $0x0, s20;
	[sflag:s22] =	ssyncset.done $0x0  }
0xa0: {  	[sflag:s22] =	ssyncadd.s32 s3;
	_ =	sdelay $0x1  }
0xa1: {  	s23 =	simm.s32 $0x1B8B  }
0xa2: {  	_ =	swait.ge [sflag:s23], $0x1  }
0xa3: {  	[sflag:s23] =	ssyncset.done $0x0  }
0xa4: {  	s25 =	simm.s32 $0x1B8E;
	s24 =	sld [smem:$0x3FFE];
	[sflag:s23] =	ssyncadd.s32 $0xFFFFFFFF  }
0xa5: {  	s26 =	simm.s32 $execute0_lowered;
	[smem:$0x3FD2] =	sst s25  }
0xa6: {  	s4 =	sshll.u32 s26, $0x1;
	_ =	strace $0x80000049;
	[dreg:$0x1] =	wrdreg $0xFFFFFFFF  }
0xa7: {  	s28 =	simm.s32 $_size_execute0_lowered;
	s2 =	sadd.s32 s2, s4;
	[dreg:$0x0] =	wrdreg $0x0  }
0xa8: {  	s4 =	sshll.u32 s28, $0x1;
	[dreg:$0x2] =	wrdreg s2  }
0xa9: {  	[dreg:$0x3] =	wrdreg s4  }
0xaa: {  	[dreg:$0x4] =	wrdreg $0xC0  }
0xab: {  	_ =	task [dreg:s6], $0x5FFFF  }
0xac: {  	[dreg:$0x1] =	wrdreg $0xFFFFFFFF  }
0xad: {  	[dreg:$0x0] =	wrdreg $0x60  }
0xae: {  	[dreg:$0x2] =	wrdreg s24  }
0xaf: {  	[dreg:$0x3] =	wrdreg $0x0  }
0xb0: {  	[dreg:$0x4] =	wrdreg $0x9  }
0xb1: {  	_ =	task.clear_ibuf [dreg:s6], $0x5FFFF;
	_ =	strace $0x90000049  }
0xb2: {  	s29 =	simm.s32 $0x9;
	_ =	strace $0x8000004B  }
0xb3: {  	_ =	swait.ge [sflag:s29], $0x1  }
0xb4: {  	[sflag:s29] =	ssyncadd.s32 $0xFFFFFFFF  }
0xb5: {  	_ =	strace $0x9000004B  }
0xb6: {  	_ =	sfence  }
0xb7: {  	s30 =	sld [smem:$0x0];
	_ =	sdelay $0x2  }
0xb8: {  	s31 =	sshll.u32 s1, $0xD;
	s1 =	sshrl.u32 s1, $0x2  }
0xb9: {  	s3 =	sand.u32 $0x4000, s31;
	s1 =	sadd.s32 s1, s30  }
0xba: {  	s0 =	sor.u32 s3, s0;
	s1 =	sshll.u32 s1, $0x11  }
0xbb: {  	s0 =	sor.u32 s1, s0  }
0xbc: {  	s0 =	sadd.s32 $0x8F2B, s0  }
0xbd: {  	[sflag:s0] =	ssyncadd.remote.s32 $0x1  }
0xbe: {  	_ =	sfence.sel $0xFFFF  }
0xbf: {  	[dreg:$0x0] =	wrdreg $0xFFFFFFFF;
	(pc) =	sbr.abs _section_cstart, $3  }
0xc0: {  	[dreg:$0x1] =	wrdreg $0xFFFFFFFF  }
0xc1: {  	_ =	task.clear_ibuf [dreg:s6], $0x2FFFF;
	_ =	strace $0x9FFFFFFF  }
0xc2: {  	(tm) =	ssettm $0x7FFFFFFF  }
0xc3: {  	_ =	shalt  }
tec
execute0_lowered:
.L_overlay_start_1:
0x0: {  	(tag) =	ssettag $0x1  }
0x1: {  	s0 =	rddreg [dreg:$0x0]  }
0x2: {  	s2 =	rddreg [dreg:$0x1]  }
0x3: {  	s11 =	stileid.u32;
	s1 =	srdreg.scid  }
0x4: {  	s3 =	simm.s32 $0x0;
	s29 =	simm.s32 $0x13E00;
	s14 =	simm.s32 $0x14200  }
0x5: {  	s25 =	simm.s32 $0x13E80;
	s26 =	simm.s32 $0x14080;
	s15 =	simm.s32 $0x19A00  }
0x6: {  	s28 =	simm.s32 $0x2;
	s12 =	simm.s32 $0x13C80;
	s30 =	simm.s32 $0x3  }
0x7: {  	s13 =	simm.s32 $0x14180;
	s31 =	simm.s32 $0x14000;
	s5 =	smul.u32 $0x2780, s11  }
0x8: {  	s1 =	sand.u32 $0x1, s1;
	[smem:$0x7FF] =	sst s3;
	s10 =	smul.u32 $0x4F000, s11  }
0x9: {  	s4 =	sadd.s32 $0x58800, s0;
	s7 =	sadd.s32 $0x1F800, s0;
	s22 =	smul.u32 $0x1C80, s11  }
0xa: {  	s19 =	sshll.u32 s11, $0x6;
	s6 =	smul.u32 $0x27800, s1;
	_ =	strace $0x8000004A  }
0xb: {  	s16 =	ssub.s32 $0x2, s1;
	s9 =	sshll.u32 s1, $0x4;
	[dreg:$0x3] =	wrdreg s25  }
0xc: {  	s1 =	smul.u32 $0x1C800, s1;
	[dreg:$0x4] =	wrdreg s26;
	s25 =	simm.s32 $0x0  }
0xd: {  	s26 =	simm.s32 $0x16E00;
	s8 =	sadd.s32 s5, s0;
	s17 =	sshrl.u32 s16, $0x1  }
0xe: {  	s9 =	sor.u32 s11, s9;
	s18 =	sshrl.u32 s10, $0x2;
	s10 =	sor.u32 $0x1C07, s19  }
0xf: {  	s19 =	simm.s32 $0x13D00;
	s11 =	simm.s32 $0x13F00;
	s5 =	sadd.s32 s5, s6  }
0x10: {  	s9 =	smul.u32 $0x1C80, s9;
	s6 =	sadd.s32 s18, s2;
	s8 =	sadd.s32 $0xA6A00, s8  }
0x11: {  	s23 =	sadd.s32 s1, s7;
	s1 =	simm.s32 $0x4;
	[dreg:$0x7] =	wrdreg s10  }
0x12: {  	s18 =	simm.s32 $0x13F80;
	[dreg:$0x6] =	wrdreg s8;
	s6 =	sshrl.u32 s6, $0x3  }
0x13: {  	s0 =	sadd.s32 s5, s0;
	s9 =	sadd.s32 s7, s9;
	[dreg:$0xe] =	wrdreg s6  }
0x14: {  	s5 =	ssub.s32 s16, s17;
	s0 =	sadd.s32 $0xCE200, s0;
	[dreg:$0x8] =	wrdreg s9  }
0x15: {  	s8 =	simm.s32 $0x13C00;
	s24 =	smax.u32 s5, $0x1;
	[dreg:$0xc] =	wrdreg s0  }
0x16: {  	s16 =	simm.s32 $0x14000;
	s20 =	sadd.s32 $0x20, s9;
	[dreg:$0xd] =	wrdreg s24  }
0x17: {  	s17 =	simm.s32 $0x13D80;
	s21 =	sadd.s32 $0x40, s9;
	[dreg:$0x9] =	wrdreg s20  }
0x18: {  	s7 =	simm.s32 $0x7;
	s9 =	sadd.s32 $0x60, s9;
	[dreg:$0xa] =	wrdreg s21  }
0x19: {  	s5 =	simm.s32 $0x5;
	s24 =	simm.s32 $0x14100;
	[dreg:$0xb] =	wrdreg s9  }
0x1a: {  	s21 =	sadd.s32 s22, s23;
	s20 =	simm.s32 $0x58;
	s22 =	simm.s32 $0x1  }
0x1b: {  	s23 =	simm.s32 $0x16E00;
	s9 =	simm.s32 $0x6;
	[dreg:$0x5] =	wrdreg s21  }
.LBB2_1:
0x1c: {  	[dreg:$0xf] =	wrdreg s25  }
0x1d: {  	s0 =	rddreg [dreg:$0x6]  }
0x1e: {  	[spmem:s6], [sflag:s10] =	dma.local [hbm:s0], $0x2780  }
0x1f: {  	_ =	swait.ge [sflag:s7], $0x2780  }
0x20: {  	[sflag:s7] =	ssyncset.done $0x0  }
0x21: {  	s10 =	rddreg [dreg:$0x8];
	[sflag:s7] =	ssyncadd.s32 $0xFFFFD880  }
0x22: {  	[tilespmem:s8], [sflag:$0x7] =	stream.linear.gather [hbm4b:s10+s3], $0x100, $0x38;
	[tilespmem:$0x1F200] =	vst v63  }
0x23: {  	_ =	swait.ge [sflag:s7], $0x100  }
0x24: {  	[sflag:s7] =	ssyncset.done $0x0  }
0x25: {  	s25 =	rddreg [dreg:$0x9];
	[sflag:s7] =	ssyncadd.s32 $0xFFFFFF00  }
0x26: {  	[tilespmem:s19], [sflag:$0x1] =	stream.linear.gather [hbm4b:s25+s3], $0x100, $0x38;
	[tilespmem:$0x1F200] =	vst v63  }
0x27: {  	s6 =	rddreg [dreg:$0xa]  }
0x28: {  	[tilespmem:s29], [sflag:$0x1] =	stream.linear.gather [hbm4b:s6+s3], $0x100, $0x38;
	[tilespmem:$0x1F200] =	vst v63  }
0x29: {  	s7 =	rddreg [dreg:$0xb]  }
0x2a: {  	[tilespmem:s11], [sflag:$0x1] =	stream.linear.gather [hbm4b:s7+s3], $0x100, $0x38;
	[tilespmem:$0x1F200] =	vst v63  }
0x2b: {  	[bflag:$0x0] =	sbarrier.arrive $0xFFFF  }
0x2c: {  	[tilespmem:s14], [sflag:$0x2] =	stream.indirect.gather [hbm4b:s4+s20], $0x80, s8, s20, $0xb8;
	[tilespmem:$0x1F200] =	vst v63  }
0x2d: {  	_ =	swait.ge [sflag:s22], $0x100  }
0x2e: {  	[sflag:s22] =	ssyncset.done $0x0  }
0x2f: {  	[sflag:s22] =	ssyncadd.s32 $0xFFFFFF00  }
0x30: {  	[tilespmem:s23], [sflag:$0x2] =	stream.indirect.gather [hbm4b:s4+s20], $0x80, s19, s20, $0xb8;
	[tilespmem:$0x1F200] =	vst v63  }
0x31: {  	_ =	swait.ge [sflag:s22], $0x100  }
0x32: {  	[sflag:s22] =	ssyncset.done $0x0  }
0x33: {  	[sflag:s22] =	ssyncadd.s32 $0xFFFFFF00  }
0x34: {  	[tilespmem:s15], [sflag:$0x2] =	stream.indirect.gather [hbm4b:s4+s20], $0x80, s29, s20, $0xb8;
	[tilespmem:$0x1F200] =	vst v63  }
0x35: {  	_ =	swait.ge [sflag:s22], $0x100  }
0x36: {  	p0 =	por $0x1, $0x1;
	[sflag:s22] =	ssyncset.done $0x0  }
0x37: {  	s7 =	simm.s32 @!p0 $0x6;
	[sflag:s22] =	ssyncadd.s32 $0xFFFFFF00  }
0x38: {  	_ =	swait.ge @!p0 [sflag:s7], $0x2C00  }
0x39: {  	s6 =	sadd.s32 $0x0, s21;
	[sflag:s7] =	ssyncset.done @!p0 $0x0  }
0x3a: {  	s10 =	sadd.s32 $0x80, s6;
	[sflag:s7] =	ssyncadd.s32 @!p0 $0xFFFFD400  }
0x3b: {  	[tilespmem:s16], [sflag:$0x1] =	stream.linear.gather [hbm4b:s10+s3], $0x100, $0x38;
	[tilespmem:$0x1F200] =	vst v63  }
0x3c: {  	s0 =	simm.s32 $0x1C600  }
0x3d: {  	[tilespmem:s0], [sflag:$0x2] =	stream.indirect.gather [hbm4b:s4+s20], $0x80, s11, s20, $0xb8;
	[tilespmem:$0x1F200] =	vst v63  }
0x3e: {  	_ =	swait.ge [sflag:s28], $0x2C00  }
0x3f: {  	[sflag:s28] =	ssyncset.done $0x0  }
0x40: {  	[sflag:s28] =	ssyncadd.s32 $0xFFFFD400  }
0x41: {  	[spmem:s2] =	stream.indirect.scatter.add.f32 [tilespmem:s14], [sflag:$0x3], $0x80, s12, s20, $0xb8;
	[tilespmem:$0x1F200] =	vst v63  }
0x42: {  	_ =	swait.ge [sflag:s22], $0x100  }
0x43: {  	[sflag:s22] =	ssyncset.done $0x0  }
0x44: {  	[sflag:s22] =	ssyncadd.s32 $0xFFFFFF00  }
0x45: {  	_ =	swait.ge [sflag:s30], $0x2C00  }
0x46: {  	[sflag:s30] =	ssyncset.done $0x0  }
0x47: {  	s25 =	sadd.s32 $0xA0, s6;
	[sflag:s30] =	ssyncadd.s32 $0xFFFFD400  }
0x48: {  	[tilespmem:s24], [sflag:$0x1] =	stream.linear.gather [hbm4b:s25+s3], $0x100, $0x38;
	[tilespmem:$0x1F200] =	vst v63  }
0x49: {  	_ = 	snop  }
0x4a: {  	[tilespmem:s14], [sflag:$0x2] =	stream.indirect.gather [hbm4b:s4+s20], $0x80, s16, s20, $0xb8;
	[tilespmem:$0x1F200] =	vst v63  }
0x4b: {  	_ =	swait.ge [sflag:s28], $0x2C00  }
0x4c: {  	[sflag:s28] =	ssyncset.done $0x0  }
0x4d: {  	[sflag:s28] =	ssyncadd.s32 $0xFFFFD400  }
0x4e: {  	[spmem:s2] =	stream.indirect.scatter.add.f32 [tilespmem:s23], [sflag:$0x4], $0x80, s17, s20, $0xb8;
	[tilespmem:$0x1F200] =	vst v63  }
0x4f: {  	_ =	swait.ge [sflag:s22], $0x100  }
0x50: {  	[sflag:s22] =	ssyncset.done $0x0  }
0x51: {  	[sflag:s22] =	ssyncadd.s32 $0xFFFFFF00  }
0x52: {  	_ =	swait.ge [sflag:s1], $0x2C00  }
0x53: {  	[sflag:s1] =	ssyncset.done $0x0  }
0x54: {  	s10 =	sadd.s32 $0xC0, s6;
	[sflag:s1] =	ssyncadd.s32 $0xFFFFD400  }
0x55: {  	[tilespmem:s8], [sflag:$0x1] =	stream.linear.gather [hbm4b:s10+s3], $0x100, $0x38;
	[tilespmem:$0x1F200] =	vst v63  }
0x56: {  	_ = 	snop  }
0x57: {  	[tilespmem:s23], [sflag:$0x2] =	stream.indirect.gather [hbm4b:s4+s20], $0x80, s24, s20, $0xb8;
	[tilespmem:$0x1F200] =	vst v63  }
0x58: {  	_ =	swait.ge [sflag:s28], $0x2C00  }
0x59: {  	[sflag:s28] =	ssyncset.done $0x0  }
0x5a: {  	s25 =	rddreg [dreg:$0x3];
	[sflag:s28] =	ssyncadd.s32 $0xFFFFD400  }
0x5b: {  	[spmem:s2] =	stream.indirect.scatter.add.f32 [tilespmem:s15], [sflag:$0x5], $0x80, s25, s20, $0xb8;
	[tilespmem:$0x1F200] =	vst v63  }
0x5c: {  	_ =	swait.ge [sflag:s22], $0x100  }
0x5d: {  	[sflag:s22] =	ssyncset.done $0x0  }
0x5e: {  	[sflag:s22] =	ssyncadd.s32 $0xFFFFFF00  }
0x5f: {  	_ =	swait.ge [sflag:s5], $0x2C00  }
0x60: {  	[sflag:s5] =	ssyncset.done $0x0  }
0x61: {  	s10 =	sadd.s32 $0xE0, s6;
	[sflag:s5] =	ssyncadd.s32 $0xFFFFD400  }
0x62: {  	[tilespmem:s19], [sflag:$0x1] =	stream.linear.gather [hbm4b:s10+s3], $0x100, $0x38;
	[tilespmem:$0x1F200] =	vst v63  }
0x63: {  	_ = 	snop  }
0x64: {  	[tilespmem:s15], [sflag:$0x2] =	stream.indirect.gather [hbm4b:s4+s20], $0x80, s8, s20, $0xb8;
	[tilespmem:$0x1F200] =	vst v63  }
0x65: {  	_ =	swait.ge [sflag:s28], $0x2C00  }
0x66: {  	[sflag:s28] =	ssyncset.done $0x0  }
0x67: {  	[sflag:s28] =	ssyncadd.s32 $0xFFFFD400  }
0x68: {  	[spmem:s2] =	stream.indirect.scatter.add.f32 [tilespmem:s0], [sflag:$0x6], $0x80, s18, s20, $0xb8;
	[tilespmem:$0x1F200] =	vst v63  }
0x69: {  	_ =	swait.ge [sflag:s22], $0x100  }
0x6a: {  	[sflag:s22] =	ssyncset.done $0x0  }
0x6b: {  	[sflag:s22] =	ssyncadd.s32 $0xFFFFFF00  }
0x6c: {  	_ =	swait.ge [sflag:s9], $0x2C00  }
0x6d: {  	[sflag:s9] =	ssyncset.done $0x0  }
0x6e: {  	s18 =	sadd.s32 $0x100, s6;
	[sflag:s9] =	ssyncadd.s32 $0xFFFFD400  }
0x6f: {  	[tilespmem:s29], [sflag:$0x1] =	stream.linear.gather [hbm4b:s18+s3], $0x100, $0x38;
	[tilespmem:$0x1F200] =	vst v63  }
0x70: {  	_ = 	snop  }
0x71: {  	[tilespmem:s0], [sflag:$0x2] =	stream.indirect.gather [hbm4b:s4+s20], $0x80, s19, s20, $0xb8;
	[tilespmem:$0x1F200] =	vst v63  }
0x72: {  	_ =	swait.ge [sflag:s28], $0x2C00  }
0x73: {  	[sflag:s28] =	ssyncset.done $0x0  }
0x74: {  	s25 =	rddreg [dreg:$0x4];
	[sflag:s28] =	ssyncadd.s32 $0xFFFFD400  }
0x75: {  	[spmem:s2] =	stream.indirect.scatter.add.f32 [tilespmem:s14], [sflag:$0x3], $0x80, s25, s20, $0xb8;
	[tilespmem:$0x1F200] =	vst v63  }
0x76: {  	_ =	swait.ge [sflag:s22], $0x100  }
0x77: {  	[sflag:s22] =	ssyncset.done $0x0  }
0x78: {  	[sflag:s22] =	ssyncadd.s32 $0xFFFFFF00  }
0x79: {  	_ =	swait.ge [sflag:s30], $0x2C00  }
0x7a: {  	[sflag:s30] =	ssyncset.done $0x0  }
0x7b: {  	s10 =	sadd.s32 $0x120, s6;
	[sflag:s30] =	ssyncadd.s32 $0xFFFFD400  }
0x7c: {  	[tilespmem:s11], [sflag:$0x1] =	stream.linear.gather [hbm4b:s10+s3], $0x100, $0x38;
	[tilespmem:$0x1F200] =	vst v63  }
0x7d: {  	_ = 	snop  }
0x7e: {  	[tilespmem:s14], [sflag:$0x2] =	stream.indirect.gather [hbm4b:s4+s20], $0x80, s29, s20, $0xb8;
	[tilespmem:$0x1F200] =	vst v63  }
0x7f: {  	_ =	swait.ge [sflag:s28], $0x2C00  }
0x80: {  	[sflag:s28] =	ssyncset.done $0x0  }
0x81: {  	[sflag:s28] =	ssyncadd.s32 $0xFFFFD400  }
0x82: {  	[spmem:s2] =	stream.indirect.scatter.add.f32 [tilespmem:s23], [sflag:$0x4], $0x80, s13, s20, $0xb8;
	[tilespmem:$0x1F200] =	vst v63  }
0x83: {  	_ =	swait.ge [sflag:s22], $0x100  }
0x84: {  	[sflag:s22] =	ssyncset.done $0x0  }
0x85: {  	[sflag:s22] =	ssyncadd.s32 $0xFFFFFF00  }
0x86: {  	_ =	swait.ge [sflag:s1], $0x2C00  }
0x87: {  	[sflag:s1] =	ssyncset.done $0x0  }
0x88: {  	s18 =	sadd.s32 $0x140, s6;
	[sflag:s1] =	ssyncadd.s32 $0xFFFFD400  }
0x89: {  	[tilespmem:s16], [sflag:$0x1] =	stream.linear.gather [hbm4b:s18+s3], $0x100, $0x38;
	[tilespmem:$0x1F200] =	vst v63  }
0x8a: {  	_ = 	snop  }
0x8b: {  	[tilespmem:s23], [sflag:$0x2] =	stream.indirect.gather [hbm4b:s4+s20], $0x80, s11, s20, $0xb8;
	[tilespmem:$0x1F200] =	vst v63  }
0x8c: {  	_ =	swait.ge [sflag:s28], $0x2C00  }
0x8d: {  	[sflag:s28] =	ssyncset.done $0x0  }
0x8e: {  	[sflag:s28] =	ssyncadd.s32 $0xFFFFD400  }
0x8f: {  	[spmem:s2] =	stream.indirect.scatter.add.f32 [tilespmem:s15], [sflag:$0x5], $0x80, s12, s20, $0xb8;
	[tilespmem:$0x1F200] =	vst v63  }
0x90: {  	_ =	swait.ge [sflag:s22], $0x100  }
0x91: {  	[sflag:s22] =	ssyncset.done $0x0  }
0x92: {  	[sflag:s22] =	ssyncadd.s32 $0xFFFFFF00  }
0x93: {  	_ =	swait.ge [sflag:s5], $0x2C00  }
0x94: {  	[sflag:s5] =	ssyncset.done $0x0  }
0x95: {  	s6 =	sadd.s32 $0x160, s6;
	[sflag:s5] =	ssyncadd.s32 $0xFFFFD400  }
0x96: {  	[tilespmem:s24], [sflag:$0x1] =	stream.linear.gather [hbm4b:s6+s3], $0x100, $0x38;
	[tilespmem:$0x1F200] =	vst v63  }
0x97: {  	_ = 	snop  }
0x98: {  	[tilespmem:s15], [sflag:$0x2] =	stream.indirect.gather [hbm4b:s4+s20], $0x80, s16, s20, $0xb8;
	[tilespmem:$0x1F200] =	vst v63  }
0x99: {  	_ =	swait.ge [sflag:s28], $0x2C00  }
0x9a: {  	[sflag:s28] =	ssyncset.done $0x0  }
0x9b: {  	[sflag:s28] =	ssyncadd.s32 $0xFFFFD400  }
0x9c: {  	[spmem:s2] =	stream.indirect.scatter.add.f32 [tilespmem:s0], [sflag:$0x6], $0x80, s17, s20, $0xb8;
	[tilespmem:$0x1F200] =	vst v63  }
0x9d: {  	_ =	swait.ge [sflag:s22], $0x100  }
0x9e: {  	[sflag:s22] =	ssyncset.done $0x0  }
0x9f: {  	[sflag:s22] =	ssyncadd.s32 $0xFFFFFF00  }
0xa0: {  	p0 =	por $0x0, $0x0;
	_ =	swait.ge [sflag:s9], $0x2C00  }
0xa1: {  	s7 =	simm.s32 @p0 $0x1C600;
	s13 =	simm.s32 @p0 $0x58;
	[sflag:s9] =	ssyncset.done $0x0  }
0xa2: {  	s12 =	simm.s32 @p0 $0x2;
	s6 =	simm.s32 @p0 $0x14100;
	[sflag:s9] =	ssyncadd.s32 $0xFFFFD400  }
0xa3: {  	[tilespmem:s7], [sflag:$0x2] =	stream.indirect.gather @p0 [hbm4b:s4+s13], $0x80, s6, s13, $0xb8;
	[tilespmem:$0x1F200] =	vst v63  }
0xa4: {  	_ =	swait.ge @p0 [sflag:s12], $0x2C00  }
0xa5: {  	s10 =	simm.s32 @!p0 $0x0;
	s11 =	sadd.s32 @!p0 $0x0, s21;
	[sflag:s12] =	ssyncset.done @p0 $0x0  }
0xa6: {  	s15 =	simm.s32 @p0 $0x14200;
	s6 =	simm.s32 @p0 $0x13E80;
	[sflag:s12] =	ssyncadd.s32 @p0 $0xFFFFD400  }
0xa7: {  	[spmem:s2] =	stream.indirect.scatter.add.f32 @p0 [tilespmem:s15], [sflag:$0x3], $0x80, s6, s13, $0xb8;
	[tilespmem:$0x1F200] =	vst v63  }
0xa8: {  	s18 =	simm.s32 @!p0 $0x2;
	s14 =	sadd.s32 @!p0 $0x180, s11;
	s15 =	simm.s32 @!p0 $0x13C00  }
0xa9: {  	[tilespmem:s15], [sflag:$0x1] =	stream.linear.gather @!p0 [hbm4b:s14+s10], $0x100, $0x38;
	[tilespmem:$0x1F200] =	vst v63  }
0xaa: {  	s16 =	simm.s32 @!p0 $0x58;
	s17 =	simm.s32 @!p0 $0x1C600;
	s14 =	simm.s32 @!p0 $0x14100  }
0xab: {  	[tilespmem:s17], [sflag:$0x2] =	stream.indirect.gather @!p0 [hbm4b:s4+s16], $0x80, s14, s16, $0xb8;
	[tilespmem:$0x1F200] =	vst v63  }
0xac: {  	_ =	swait.ge @!p0 [sflag:s18], $0x2C00  }
0xad: {  	s6 =	simm.s32 @!p0 $0x1;
	[sflag:s18] =	ssyncset.done @!p0 $0x0  }
0xae: {  	s14 =	simm.s32 @!p0 $0x13E80;
	s17 =	simm.s32 @!p0 $0x14200;
	[sflag:s18] =	ssyncadd.s32 @!p0 $0xFFFFD400  }
0xaf: {  	[spmem:s2] =	stream.indirect.scatter.add.f32 @!p0 [tilespmem:s17], [sflag:$0x3], $0x80, s14, s16, $0xb8;
	[tilespmem:$0x1F200] =	vst v63  }
0xb0: {  	_ =	swait.ge @!p0 [sflag:s6], $0x100  }
0xb1: {  	[sflag:s6] =	ssyncset.done @!p0 $0x0  }
0xb2: {  	s14 =	simm.s32 @!p0 $0x3;
	[sflag:s6] =	ssyncadd.s32 @!p0 $0xFFFFFF00  }
0xb3: {  	_ =	swait.ge @!p0 [sflag:s14], $0x2C00  }
0xb4: {  	[sflag:s14] =	ssyncset.done @!p0 $0x0  }
0xb5: {  	s7 =	sadd.s32 @!p0 $0x1A0, s11;
	[sflag:s14] =	ssyncadd.s32 @!p0 $0xFFFFD400;
	s14 =	simm.s32 @!p0 $0x13D00  }
0xb6: {  	[tilespmem:s14], [sflag:$0x1] =	stream.linear.gather @!p0 [hbm4b:s7+s10], $0x100, $0x38;
	[tilespmem:$0x1F200] =	vst v63  }
0xb7: {  	_ = 	snop  }
0xb8: {  	[tilespmem:s17], [sflag:$0x2] =	stream.indirect.gather @!p0 [hbm4b:s4+s16], $0x80, s15, s16, $0xb8;
	[tilespmem:$0x1F200] =	vst v63  }
0xb9: {  	_ =	swait.ge [sflag:s28], $0x2C00  }
0xba: {  	[sflag:s28] =	ssyncset.done $0x0  }
0xbb: {  	s24 =	simm.s32 $0x13F80;
	[sflag:s28] =	ssyncadd.s32 $0xFFFFD400  }
0xbc: {  	[spmem:s2] =	stream.indirect.scatter.add.f32 [tilespmem:s23], [sflag:$0x4], $0x80, s24, s20, $0xb8;
	[tilespmem:$0x1F200] =	vst v63  }
0xbd: {  	_ =	swait.ge @p0 [sflag:s12], $0x2C00  }
0xbe: {  	[sflag:s12] =	ssyncset.done @p0 $0x0  }
0xbf: {  	s7 =	simm.s32 @p0 $0x14080;
	[sflag:s12] =	ssyncadd.s32 @p0 $0xFFFFD400;
	s12 =	simm.s32 @p0 $0x19A00  }
0xc0: {  	[spmem:s2] =	stream.indirect.scatter.add.f32 @p0 [tilespmem:s12], [sflag:$0x5], $0x80, s7, s13, $0xb8;
	[tilespmem:$0x1F200] =	vst v63  }
0xc1: {  	_ =	swait.ge @!p0 [sflag:s6], $0x100  }
0xc2: {  	[sflag:s6] =	ssyncset.done @!p0 $0x0  }
0xc3: {  	s7 =	simm.s32 @!p0 $0x4;
	[sflag:s6] =	ssyncadd.s32 @!p0 $0xFFFFFF00  }
0xc4: {  	_ =	swait.ge @!p0 [sflag:s7], $0x2C00  }
0xc5: {  	[sflag:s7] =	ssyncset.done @!p0 $0x0  }
0xc6: {  	s12 =	sadd.s32 @!p0 $0x1C0, s11;
	[sflag:s7] =	ssyncadd.s32 @!p0 $0xFFFFD400;
	s7 =	simm.s32 @!p0 $0x13E00  }
0xc7: {  	[tilespmem:s7], [sflag:$0x1] =	stream.linear.gather @!p0 [hbm4b:s12+s10], $0x100, $0x38;
	[tilespmem:$0x1F200] =	vst v63  }
0xc8: {  	s12 =	simm.s32 @!p0 $0x16E00  }
0xc9: {  	[tilespmem:s12], [sflag:$0x2] =	stream.indirect.gather @!p0 [hbm4b:s4+s16], $0x80, s14, s16, $0xb8;
	[tilespmem:$0x1F200] =	vst v63  }
0xca: {  	_ =	swait.ge @!p0 [sflag:s18], $0x2C00  }
0xcb: {  	[sflag:s18] =	ssyncset.done @!p0 $0x0  }
0xcc: {  	s12 =	simm.s32 @!p0 $0x14080;
	s14 =	simm.s32 @!p0 $0x19A00;
	[sflag:s18] =	ssyncadd.s32 @!p0 $0xFFFFD400  }
0xcd: {  	[spmem:s2] =	stream.indirect.scatter.add.f32 @!p0 [tilespmem:s14], [sflag:$0x5], $0x80, s12, s16, $0xb8;
	[tilespmem:$0x1F200] =	vst v63  }
0xce: {  	_ =	swait.ge @!p0 [sflag:s6], $0x100  }
0xcf: {  	[sflag:s6] =	ssyncset.done @!p0 $0x0  }
0xd0: {  	[sflag:s6] =	ssyncadd.s32 @!p0 $0xFFFFFF00;
	s6 =	simm.s32 @!p0 $0x5  }
0xd1: {  	_ =	swait.ge @!p0 [sflag:s6], $0x2C00  }
0xd2: {  	[sflag:s6] =	ssyncset.done @!p0 $0x0  }
0xd3: {  	s11 =	sadd.s32 @!p0 $0x1E0, s11;
	[sflag:s6] =	ssyncadd.s32 @!p0 $0xFFFFD400;
	s6 =	simm.s32 @!p0 $0x13F00  }
0xd4: {  	[tilespmem:s6], [sflag:$0x1] =	stream.linear.gather @!p0 [hbm4b:s11+s10], $0x100, $0x38;
	[tilespmem:$0x1F200] =	vst v63  }
0xd5: {  	_ = 	snop  }
0xd6: {  	[tilespmem:s14], [sflag:$0x2] =	stream.indirect.gather @!p0 [hbm4b:s4+s16], $0x80, s7, s16, $0xb8;
	[tilespmem:$0x1F200] =	vst v63  }
0xd7: {  	s25 =	simm.s32 $0x19A00;
	_ =	swait.ge [sflag:s28], $0x2C00  }
0xd8: {  	s21 =	simm.s32 $0x14200;
	s12 =	simm.s32 $0x180;
	[sflag:s28] =	ssyncset.done $0x0  }
.LBB2_2:
0xd9: {  	[sflag:s28] =	ssyncadd.s32 $0xFFFFD400;
	s0 =	simm.s32 $0x14180;
	s16 =	simm.s32 $0x1C600  }
0xda: {  	[spmem:s2] =	stream.indirect.scatter.add.f32 [tilespmem:s16], [sflag:$0x6], $0x80, s0, s20, $0xb8;
	[tilespmem:$0x1F200] =	vst v63  }
0xdb: {  	s7 =	smov.u32 s12;
	_ =	swait.ge [sflag:s22], $0x100  }
0xdc: {  	p1 =	seq.s32 s7, $0x0;
	[sflag:s22] =	ssyncset.done $0x0  }
0xdd: {  	s11 =	simm.s32 @!p1 $0x6;
	[sflag:s22] =	ssyncadd.s32 $0xFFFFFF00  }
0xde: {  	_ =	swait.ge @!p1 [sflag:s11], $0x2C00  }
0xdf: {  	s18 =	rddreg [dreg:$0x5]  }
0xe0: {  	[sflag:s11] =	ssyncset.done @!p1 $0x0;
	s6 =	sadd.s32 s7, s18  }
0xe1: {  	[sflag:s11] =	ssyncadd.s32 @!p1 $0xFFFFD400;
	s17 =	sadd.s32 $0x80, s6  }
0xe2: {  	[tilespmem:s31], [sflag:$0x1] =	stream.linear.gather [hbm4b:s17+s3], $0x100, $0x38;
	[tilespmem:$0x1F200] =	vst v63  }
0xe3: {  	s14 =	simm.s32 $0x13F00  }
0xe4: {  	[tilespmem:s16], [sflag:$0x2] =	stream.indirect.gather [hbm4b:s4+s20], $0x80, s14, s20, $0xb8;
	[tilespmem:$0x1F200] =	vst v63  }
0xe5: {  	_ =	swait.ge [sflag:s28], $0x2C00  }
0xe6: {  	[sflag:s28] =	ssyncset.done $0x0  }
0xe7: {  	s10 =	simm.s32 $0x13C80;
	[sflag:s28] =	ssyncadd.s32 $0xFFFFD400  }
0xe8: {  	[spmem:s2] =	stream.indirect.scatter.add.f32 [tilespmem:s21], [sflag:$0x3], $0x80, s10, s20, $0xb8;
	[tilespmem:$0x1F200] =	vst v63  }
0xe9: {  	_ =	swait.ge [sflag:s22], $0x100  }
0xea: {  	[sflag:s22] =	ssyncset.done $0x0  }
0xeb: {  	[sflag:s22] =	ssyncadd.s32 $0xFFFFFF00  }
0xec: {  	_ =	swait.ge [sflag:s30], $0x2C00  }
0xed: {  	[sflag:s30] =	ssyncset.done $0x0  }
0xee: {  	s15 =	simm.s32 $0x14100;
	s24 =	sadd.s32 $0xA0, s6;
	[sflag:s30] =	ssyncadd.s32 $0xFFFFD400  }
0xef: {  	[tilespmem:s15], [sflag:$0x1] =	stream.linear.gather [hbm4b:s24+s3], $0x100, $0x38;
	[tilespmem:$0x1F200] =	vst v63  }
0xf0: {  	_ = 	snop  }
0xf1: {  	[tilespmem:s21], [sflag:$0x2] =	stream.indirect.gather [hbm4b:s4+s20], $0x80, s31, s20, $0xb8;
	[tilespmem:$0x1F200] =	vst v63  }
0xf2: {  	_ =	swait.ge [sflag:s28], $0x2C00  }
0xf3: {  	[sflag:s28] =	ssyncset.done $0x0  }
0xf4: {  	s17 =	simm.s32 $0x13D80;
	[sflag:s28] =	ssyncadd.s32 $0xFFFFD400  }
0xf5: {  	[spmem:s2] =	stream.indirect.scatter.add.f32 [tilespmem:s23], [sflag:$0x4], $0x80, s17, s20, $0xb8;
	[tilespmem:$0x1F200] =	vst v63  }
0xf6: {  	_ =	swait.ge [sflag:s22], $0x100  }
0xf7: {  	[sflag:s22] =	ssyncset.done $0x0  }
0xf8: {  	[sflag:s22] =	ssyncadd.s32 $0xFFFFFF00  }
0xf9: {  	_ =	swait.ge [sflag:s1], $0x2C00  }
0xfa: {  	[sflag:s1] =	ssyncset.done $0x0  }
0xfb: {  	s13 =	sadd.s32 $0xC0, s6;
	[sflag:s1] =	ssyncadd.s32 $0xFFFFD400  }
0xfc: {  	[tilespmem:s8], [sflag:$0x1] =	stream.linear.gather [hbm4b:s13+s3], $0x100, $0x38;
	[tilespmem:$0x1F200] =	vst v63  }
0xfd: {  	_ = 	snop  }
0xfe: {  	[tilespmem:s23], [sflag:$0x2] =	stream.indirect.gather [hbm4b:s4+s20], $0x80, s15, s20, $0xb8;
	[tilespmem:$0x1F200] =	vst v63  }
0xff: {  	_ =	swait.ge [sflag:s28], $0x2C00  }
0x100: {  	[sflag:s28] =	ssyncset.done $0x0  }
0x101: {  	s23 =	rddreg [dreg:$0x3];
	[sflag:s28] =	ssyncadd.s32 $0xFFFFD400  }
0x102: {  	[spmem:s2] =	stream.indirect.scatter.add.f32 [tilespmem:s25], [sflag:$0x5], $0x80, s23, s20, $0xb8;
	[tilespmem:$0x1F200] =	vst v63  }
0x103: {  	_ =	swait.ge [sflag:s22], $0x100  }
0x104: {  	[sflag:s22] =	ssyncset.done $0x0  }
0x105: {  	[sflag:s22] =	ssyncadd.s32 $0xFFFFFF00  }
0x106: {  	_ =	swait.ge [sflag:s5], $0x2C00  }
0x107: {  	[sflag:s5] =	ssyncset.done $0x0  }
0x108: {  	s24 =	sadd.s32 $0xE0, s6;
	[sflag:s5] =	ssyncadd.s32 $0xFFFFD400  }
0x109: {  	[tilespmem:s19], [sflag:$0x1] =	stream.linear.gather [hbm4b:s24+s3], $0x100, $0x38;
	[tilespmem:$0x1F200] =	vst v63  }
0x10a: {  	_ = 	snop  }
0x10b: {  	[tilespmem:s25], [sflag:$0x2] =	stream.indirect.gather [hbm4b:s4+s20], $0x80, s8, s20, $0xb8;
	[tilespmem:$0x1F200] =	vst v63  }
0x10c: {  	_ =	swait.ge [sflag:s28], $0x2C00  }
0x10d: {  	[sflag:s28] =	ssyncset.done $0x0  }
0x10e: {  	s23 =	simm.s32 $0x13F80;
	[sflag:s28] =	ssyncadd.s32 $0xFFFFD400  }
0x10f: {  	[spmem:s2] =	stream.indirect.scatter.add.f32 [tilespmem:s16], [sflag:$0x6], $0x80, s23, s20, $0xb8;
	[tilespmem:$0x1F200] =	vst v63  }
0x110: {  	_ =	swait.ge [sflag:s22], $0x100  }
0x111: {  	[sflag:s22] =	ssyncset.done $0x0  }
0x112: {  	[sflag:s22] =	ssyncadd.s32 $0xFFFFFF00  }
0x113: {  	_ =	swait.ge [sflag:s9], $0x2C00  }
0x114: {  	[sflag:s9] =	ssyncset.done $0x0  }
0x115: {  	s8 =	sadd.s32 $0x100, s6;
	[sflag:s9] =	ssyncadd.s32 $0xFFFFD400  }
0x116: {  	[tilespmem:s29], [sflag:$0x1] =	stream.linear.gather [hbm4b:s8+s3], $0x100, $0x38;
	[tilespmem:$0x1F200] =	vst v63  }
0x117: {  	_ = 	snop  }
0x118: {  	[tilespmem:s16], [sflag:$0x2] =	stream.indirect.gather [hbm4b:s4+s20], $0x80, s19, s20, $0xb8;
	[tilespmem:$0x1F200] =	vst v63  }
0x119: {  	_ =	swait.ge [sflag:s28], $0x2C00  }
0x11a: {  	[sflag:s28] =	ssyncset.done $0x0  }
0x11b: {  	s13 =	rddreg [dreg:$0x4];
	[sflag:s28] =	ssyncadd.s32 $0xFFFFD400  }
0x11c: {  	[spmem:s2] =	stream.indirect.scatter.add.f32 [tilespmem:s21], [sflag:$0x3], $0x80, s13, s20, $0xb8;
	[tilespmem:$0x1F200] =	vst v63  }
0x11d: {  	_ =	swait.ge [sflag:s22], $0x100  }
0x11e: {  	[sflag:s22] =	ssyncset.done $0x0  }
0x11f: {  	[sflag:s22] =	ssyncadd.s32 $0xFFFFFF00  }
0x120: {  	_ =	swait.ge [sflag:s30], $0x2C00  }
0x121: {  	[sflag:s30] =	ssyncset.done $0x0  }
0x122: {  	s19 =	sadd.s32 $0x120, s6;
	[sflag:s30] =	ssyncadd.s32 $0xFFFFD400  }
0x123: {  	[tilespmem:s14], [sflag:$0x1] =	stream.linear.gather [hbm4b:s19+s3], $0x100, $0x38;
	[tilespmem:$0x1F200] =	vst v63  }
0x124: {  	_ = 	snop  }
0x125: {  	[tilespmem:s21], [sflag:$0x2] =	stream.indirect.gather [hbm4b:s4+s20], $0x80, s29, s20, $0xb8;
	[tilespmem:$0x1F200] =	vst v63  }
0x126: {  	_ =	swait.ge [sflag:s28], $0x2C00  }
0x127: {  	[sflag:s28] =	ssyncset.done $0x0  }
0x128: {  	[sflag:s28] =	ssyncadd.s32 $0xFFFFD400  }
0x129: {  	[spmem:s2] =	stream.indirect.scatter.add.f32 [tilespmem:s26], [sflag:$0x4], $0x80, s0, s20, $0xb8;
	[tilespmem:$0x1F200] =	vst v63  }
0x12a: {  	_ =	swait.ge [sflag:s22], $0x100  }
0x12b: {  	[sflag:s22] =	ssyncset.done $0x0  }
0x12c: {  	[sflag:s22] =	ssyncadd.s32 $0xFFFFFF00  }
0x12d: {  	_ =	swait.ge [sflag:s1], $0x2C00  }
0x12e: {  	[sflag:s1] =	ssyncset.done $0x0  }
0x12f: {  	s24 =	sadd.s32 $0x140, s6;
	[sflag:s1] =	ssyncadd.s32 $0xFFFFD400  }
0x130: {  	[tilespmem:s31], [sflag:$0x1] =	stream.linear.gather [hbm4b:s24+s3], $0x100, $0x38;
	[tilespmem:$0x1F200] =	vst v63  }
0x131: {  	_ = 	snop  }
0x132: {  	[tilespmem:s26], [sflag:$0x2] =	stream.indirect.gather [hbm4b:s4+s20], $0x80, s14, s20, $0xb8;
	[tilespmem:$0x1F200] =	vst v63  }
0x133: {  	_ =	swait.ge [sflag:s28], $0x2C00  }
0x134: {  	[sflag:s28] =	ssyncset.done $0x0  }
0x135: {  	[sflag:s28] =	ssyncadd.s32 $0xFFFFD400  }
0x136: {  	[spmem:s2] =	stream.indirect.scatter.add.f32 [tilespmem:s25], [sflag:$0x5], $0x80, s10, s20, $0xb8;
	[tilespmem:$0x1F200] =	vst v63  }
0x137: {  	_ =	swait.ge [sflag:s22], $0x100  }
0x138: {  	[sflag:s22] =	ssyncset.done $0x0  }
0x139: {  	[sflag:s22] =	ssyncadd.s32 $0xFFFFFF00  }
0x13a: {  	_ =	swait.ge [sflag:s5], $0x2C00  }
0x13b: {  	[sflag:s5] =	ssyncset.done $0x0  }
0x13c: {  	s6 =	sadd.s32 $0x160, s6;
	[sflag:s5] =	ssyncadd.s32 $0xFFFFD400  }
0x13d: {  	[tilespmem:s15], [sflag:$0x1] =	stream.linear.gather [hbm4b:s6+s3], $0x100, $0x38;
	[tilespmem:$0x1F200] =	vst v63  }
0x13e: {  	_ = 	snop  }
0x13f: {  	[tilespmem:s25], [sflag:$0x2] =	stream.indirect.gather [hbm4b:s4+s20], $0x80, s31, s20, $0xb8;
	[tilespmem:$0x1F200] =	vst v63  }
0x140: {  	_ =	swait.ge [sflag:s28], $0x2C00  }
0x141: {  	[sflag:s28] =	ssyncset.done $0x0  }
0x142: {  	[sflag:s28] =	ssyncadd.s32 $0xFFFFD400  }
0x143: {  	[spmem:s2] =	stream.indirect.scatter.add.f32 [tilespmem:s16], [sflag:$0x6], $0x80, s17, s20, $0xb8;
	[tilespmem:$0x1F200] =	vst v63  }
0x144: {  	_ =	swait.ge [sflag:s22], $0x100  }
0x145: {  	[sflag:s22] =	ssyncset.done $0x0  }
0x146: {  	[sflag:s22] =	ssyncadd.s32 $0xFFFFFF00  }
0x147: {  	p1 =	seq.s32 s7, $0x1B00;
	_ =	swait.ge [sflag:s9], $0x2C00  }
0x148: {  	s11 =	simm.s32 @p1 $0x1C600;
	s15 =	simm.s32 @p1 $0x58;
	[sflag:s9] =	ssyncset.done $0x0  }
0x149: {  	s6 =	simm.s32 @p1 $0x14100;
	s17 =	simm.s32 @p1 $0x2;
	[sflag:s9] =	ssyncadd.s32 $0xFFFFD400  }
0x14a: {  	[tilespmem:s11], [sflag:$0x2] =	stream.indirect.gather @p1 [hbm4b:s4+s15], $0x80, s6, s15, $0xb8;
	[tilespmem:$0x1F200] =	vst v63  }
0x14b: {  	_ =	swait.ge @p1 [sflag:s17], $0x2C00  }
0x14c: {  	s8 =	simm.s32 @!p1 $0x1C600;
	s14 =	sadd.s32 @!p1 s7, s18;
	[sflag:s17] =	ssyncset.done @p1 $0x0  }
0x14d: {  	s7 =	simm.s32 @p1 $0x13E80;
	s16 =	simm.s32 @p1 $0x14200;
	[sflag:s17] =	ssyncadd.s32 @p1 $0xFFFFD400  }
0x14e: {  	[spmem:s2] =	stream.indirect.scatter.add.f32 @p1 [tilespmem:s16], [sflag:$0x3], $0x80, s7, s15, $0xb8;
	[tilespmem:$0x1F200] =	vst v63  }
0x14f: {  	s0 =	simm.s32 @!p1 $0x13C00;
	s11 =	sadd.s32 @!p1 $0x180, s14;
	s6 =	simm.s32 @!p1 $0x0  }
0x150: {  	[tilespmem:s0], [sflag:$0x1] =	stream.linear.gather @!p1 [hbm4b:s11+s6], $0x100, $0x38;
	[tilespmem:$0x1F200] =	vst v63  }
0x151: {  	s7 =	simm.s32 @!p1 $0x58;
	s16 =	simm.s32 @!p1 $0x14100;
	s11 =	simm.s32 @!p1 $0x2  }
0x152: {  	[tilespmem:s8], [sflag:$0x2] =	stream.indirect.gather @!p1 [hbm4b:s4+s7], $0x80, s16, s7, $0xb8;
	[tilespmem:$0x1F200] =	vst v63  }
0x153: {  	_ =	swait.ge @!p1 [sflag:s11], $0x2C00  }
0x154: {  	s10 =	simm.s32 @!p1 $0x14200;
	[sflag:s11] =	ssyncset.done @!p1 $0x0  }
0x155: {  	s8 =	simm.s32 @!p1 $0x13E80;
	s16 =	simm.s32 @!p1 $0x1;
	[sflag:s11] =	ssyncadd.s32 @!p1 $0xFFFFD400  }
0x156: {  	[spmem:s2] =	stream.indirect.scatter.add.f32 @!p1 [tilespmem:s10], [sflag:$0x3], $0x80, s8, s7, $0xb8;
	[tilespmem:$0x1F200] =	vst v63  }
0x157: {  	_ =	swait.ge @!p1 [sflag:s16], $0x100  }
0x158: {  	[sflag:s16] =	ssyncset.done @!p1 $0x0  }
0x159: {  	s8 =	simm.s32 @!p1 $0x3;
	[sflag:s16] =	ssyncadd.s32 @!p1 $0xFFFFFF00  }
0x15a: {  	_ =	swait.ge @!p1 [sflag:s8], $0x2C00  }
0x15b: {  	[sflag:s8] =	ssyncset.done @!p1 $0x0  }
0x15c: {  	s19 =	simm.s32 @!p1 $0x13D00;
	s29 =	sadd.s32 @!p1 $0x1A0, s14;
	[sflag:s8] =	ssyncadd.s32 @!p1 $0xFFFFD400  }
0x15d: {  	[tilespmem:s19], [sflag:$0x1] =	stream.linear.gather @!p1 [hbm4b:s29+s6], $0x100, $0x38;
	[tilespmem:$0x1F200] =	vst v63  }
0x15e: {  	_ = 	snop  }
0x15f: {  	[tilespmem:s10], [sflag:$0x2] =	stream.indirect.gather @!p1 [hbm4b:s4+s7], $0x80, s0, s7, $0xb8;
	[tilespmem:$0x1F200] =	vst v63  }
0x160: {  	_ =	swait.ge [sflag:s28], $0x2C00  }
0x161: {  	[sflag:s28] =	ssyncset.done $0x0  }
0x162: {  	[sflag:s28] =	ssyncadd.s32 $0xFFFFD400  }
0x163: {  	[spmem:s2] =	stream.indirect.scatter.add.f32 [tilespmem:s26], [sflag:$0x4], $0x80, s23, s20, $0xb8;
	[tilespmem:$0x1F200] =	vst v63  }
0x164: {  	_ =	swait.ge @p1 [sflag:s17], $0x2C00  }
0x165: {  	[sflag:s17] =	ssyncset.done @p1 $0x0  }
0x166: {  	s8 =	simm.s32 @p1 $0x19A00;
	s0 =	simm.s32 @p1 $0x14080;
	[sflag:s17] =	ssyncadd.s32 @p1 $0xFFFFD400  }
0x167: {  	[spmem:s2] =	stream.indirect.scatter.add.f32 @p1 [tilespmem:s8], [sflag:$0x5], $0x80, s0, s15, $0xb8;
	[tilespmem:$0x1F200] =	vst v63  }
0x168: {  	_ =	swait.ge @!p1 [sflag:s16], $0x100  }
0x169: {  	[sflag:s16] =	ssyncset.done @!p1 $0x0  }
0x16a: {  	s0 =	simm.s32 @!p1 $0x4;
	[sflag:s16] =	ssyncadd.s32 @!p1 $0xFFFFFF00  }
0x16b: {  	_ =	swait.ge @!p1 [sflag:s0], $0x2C00  }
0x16c: {  	[sflag:s0] =	ssyncset.done @!p1 $0x0  }
0x16d: {  	s18 =	sadd.s32 @!p1 $0x1C0, s14;
	s8 =	simm.s32 @!p1 $0x13E00;
	[sflag:s0] =	ssyncadd.s32 @!p1 $0xFFFFD400  }
0x16e: {  	[tilespmem:s8], [sflag:$0x1] =	stream.linear.gather @!p1 [hbm4b:s18+s6], $0x100, $0x38;
	[tilespmem:$0x1F200] =	vst v63  }
0x16f: {  	s0 =	simm.s32 @!p1 $0x16E00  }
0x170: {  	[tilespmem:s0], [sflag:$0x2] =	stream.indirect.gather @!p1 [hbm4b:s4+s7], $0x80, s19, s7, $0xb8;
	[tilespmem:$0x1F200] =	vst v63  }
0x171: {  	_ =	swait.ge @!p1 [sflag:s11], $0x2C00  }
0x172: {  	[sflag:s11] =	ssyncset.done @!p1 $0x0  }
0x173: {  	s10 =	simm.s32 @!p1 $0x19A00;
	s0 =	simm.s32 @!p1 $0x14080;
	[sflag:s11] =	ssyncadd.s32 @!p1 $0xFFFFD400  }
0x174: {  	[spmem:s2] =	stream.indirect.scatter.add.f32 @!p1 [tilespmem:s10], [sflag:$0x5], $0x80, s0, s7, $0xb8;
	[tilespmem:$0x1F200] =	vst v63  }
0x175: {  	_ =	swait.ge @!p1 [sflag:s16], $0x100  }
0x176: {  	[sflag:s16] =	ssyncset.done @!p1 $0x0  }
0x177: {  	s0 =	simm.s32 @!p1 $0x5;
	[sflag:s16] =	ssyncadd.s32 @!p1 $0xFFFFFF00  }
0x178: {  	s12 =	sadd.s32 $0x180, s12;
	_ =	swait.ge @!p1 [sflag:s0], $0x2C00  }
0x179: {  	p0 =	sne.s32 s12, $0x1C80;
	[sflag:s0] =	ssyncset.done @!p1 $0x0  }
0x17a: {  	s14 =	sadd.s32 @!p1 $0x1E0, s14;
	s11 =	simm.s32 @!p1 $0x13F00;
	[sflag:s0] =	ssyncadd.s32 @!p1 $0xFFFFD400  }
0x17b: {  	[tilespmem:s11], [sflag:$0x1] =	stream.linear.gather @!p1 [hbm4b:s14+s6], $0x100, $0x38;
	[tilespmem:$0x1F200] =	vst v63  }
.Ltmp0:
0x17c: {  	_ = 	snop;
	(pc) =	sbr.rel @p0 .LBB2_2-.Ltmp0, $4  }
0x17d: {  	s13 =	simm.s32 $0x14180;
	s24 =	simm.s32 $0x1C600  }
0x17e: {  	[tilespmem:s10], [sflag:$0x2] =	stream.indirect.gather @!p1 [hbm4b:s4+s7], $0x80, s8, s7, $0xb8;
	[tilespmem:$0x1F200] =	vst v63  }
0x17f: {  	s29 =	simm.s32 $0x13E00;
	s23 =	simm.s32 $0x16E00;
	_ =	swait.ge [sflag:s28], $0x2C00  }
0x180: {  	s19 =	simm.s32 $0x13D00;
	s8 =	simm.s32 $0x13C00;
	[sflag:s28] =	ssyncset.done $0x0  }
0x181: {  	[sflag:s28] =	ssyncadd.s32 $0xFFFFD400  }
0x182: {  	[spmem:s2] =	stream.indirect.scatter.add.f32 [tilespmem:s24], [sflag:$0x6], $0x80, s13, s20, $0xb8;
	[tilespmem:$0x1F200] =	vst v63  }
0x183: {  	_ =	swait.ge [sflag:s30], $0x2C00  }
0x184: {  	[sflag:s30] =	ssyncset.done $0x0  }
0x185: {  	[sflag:s30] =	ssyncadd.s32 $0xFFFFD400  }
0x186: {  	_ =	swait.ge [sflag:s1], $0x2C00  }
0x187: {  	[sflag:s1] =	ssyncset.done $0x0  }
0x188: {  	[sflag:s1] =	ssyncadd.s32 $0xFFFFD400  }
0x189: {  	_ =	swait.ge [sflag:s5], $0x2C00  }
0x18a: {  	[sflag:s5] =	ssyncset.done $0x0  }
0x18b: {  	[sflag:s5] =	ssyncadd.s32 $0xFFFFD400  }
0x18c: {  	_ =	swait.ge [sflag:s9], $0x2C00  }
0x18d: {  	[sflag:s9] =	ssyncset.done $0x0  }
0x18e: {  	[sflag:s9] =	ssyncadd.s32 $0xFFFFD400  }
0x18f: {  	[bflag:$0x0] =	sbarrier.arrive $0xFFFF  }
0x190: {  	s10 =	rddreg [dreg:$0x7]  }
0x191: {  	s0 =	rddreg [dreg:$0xc]  }
0x192: {  	s7 =	simm.s32 $0x7;
	s6 =	rddreg [dreg:$0xe]  }
0x193: {  	[hbm:s0], [sflag:s10] =	dma.local [spmem:s6], $0x2780  }
0x194: {  	_ =	swait.ge [sflag:s7], $0x2780  }
0x195: {  	s25 =	rddreg [dreg:$0xf]  }
0x196: {  	s24 =	rddreg [dreg:$0xd];
	s25 =	sadd.s32 $0x1, s25  }
0x197: {  	p0 =	sne.s32 s25, s24  }
.Ltmp1:
0x198: {  	_ = 	snop;
	(pc) =	sbr.rel @p0 .LBB2_1-.Ltmp1, $4  }
0x199: {  	s11 =	simm.s32 $0x13F00;
	s12 =	simm.s32 $0x13C80  }
0x19a: {  	s14 =	simm.s32 $0x14200;
	s15 =	simm.s32 $0x19A00;
	s16 =	simm.s32 $0x14000  }
0x19b: {  	s17 =	simm.s32 $0x13D80;
	s18 =	simm.s32 $0x13F80;
	[sflag:s7] =	ssyncset.done $0x0  }
0x19c: {  	s21 =	rddreg [dreg:$0x5];
	[sflag:s7] =	ssyncadd.s32 $0xFFFFD880;
	s24 =	simm.s32 $0x14100  }
0x19d: {  	_ =	sfence.sel $0x180000  }
0x19e: {  	[bflag:$0x0] =	sbarrier.arrive $0xFFFF  }
0x19f: {  	_ =	strace $0x9000004A  }
0x1a0: {  	s0 =	stileid.u32;
	[bflag:$0x2] =	sbarrier.arrive $0xFFFF  }
0x1a1: {  	p0 =	sne.s32 s0, $0x0;
	s0 =	rddreg [dreg:$0x2]  }
0x1a2: {  	s0 =	sadd.s32 @!p0 $0x100000, s0  }
0x1a3: {  	[sflag:s0] =	ssyncadd.tile.s32 @!p0 $0x1;
	_ =	shalt  }
.Lfunc_end2:
_tile_overlayer_lowered:
.L_overlay_start_2:
0x1a4: {  	(tag) =	ssettag $0x2  }
0x1a5: {  	s0 =	rddreg [dreg:$0x0];
	s2 =	stileid.u32  }
0x1a6: {  	s1 =	rddreg [dreg:$0x1];
	p0 =	sne.s32 s2, $0x0  }
0x1a7: {  	s3 =	rddreg [dreg:$0x2];
	[bflag:$0x3] =	sbarrier.arrive $0xFFFF;
	s2 =	simm.s32 @!p0 $0x1C07  }
0x1a8: {  	[timem:s3], [sflag:s2] =	dma.local @!p0 [hbm:s0], s1  }
0x1a9: {  	s0 =	simm.s32 @!p0 $0x7  }
0x1aa: {  	_ =	swait.ge @!p0 [sflag:s0], s1  }
0x1ab: {  	s1 =	ssub.s32 @!p0 $0x0, s1;
	[sflag:s0] =	ssyncset.done @!p0 $0x0  }
0x1ac: {  	[sflag:s0] =	ssyncadd.s32 @!p0 s1  }
0x1ad: {  	[bflag:$0x3] =	sbarrier.arrive $0xFFFF  }
0x1ae: {  	_ =	shalt  }

// kernel: kernel.7.cloned.1.call-start
scs
__scs_entry_jumppad:
0x0: {  	(pc) =	sbr.rel $0x88, $3  }
0x1: {  	(tag) =	ssettag $0x0;
	lr =	simm.s32 $0x1  }
0x2: {  	[smem:$0x3F95] =	sst lr;
	_ =	strace $0xD0000000  }
0x3: {  	_ = 	snop  }
0x4: {  	_ = 	snop  }
0x5: {  	_ = 	snop  }
0x6: {  	_ = 	snop  }
0x7: {  	_ = 	snop  }
__scs_overlays_trampoline_lowered:
0x8: {  	[smem:$0x3FA4] =	sst s0  }
0x9: {  	[smem:$0x3FA5] =	sst s1  }
0xa: {  	[smem:$0x3FA6] =	sst s2  }
0xb: {  	[smem:$0x3FA7] =	sst s3  }
0xc: {  	[smem:$0x3FA8] =	sst s4  }
0xd: {  	[smem:$0x3FA9] =	sst s5  }
0xe: {  	[smem:$0x3FAA] =	sst s6  }
0xf: {  	[smem:$0x3FAB] =	sst s7  }
0x10: {  	[smem:$0x3FAC] =	sst s8  }
0x11: {  	[smem:$0x3FAD] =	sst s9;
	s0 =	simm.s32 @!p0 $0x0  }
0x12: {  	s1 =	sld [smem:$0x3F93];
	s0 =	simm.s32 @p0 $0x1  }
0x13: {  	[smem:$0x3FAE] =	sst s0;
	s0 =	simm.s32 @!p1 $0x0  }
0x14: {  	s2 =	sld [smem:$0x3F92];
	s0 =	simm.s32 @p1 $0x1  }
0x15: {  	[smem:$0x3FAF] =	sst s0;
	s0 =	simm.s32 @!p2 $0x0  }
0x16: {  	s3 =	sld [smem:$0x3FDB];
	s0 =	simm.s32 @p2 $0x1  }
0x17: {  	s4 =	simm.s32 $0x1BF5;
	[smem:$0x3FB1] =	sst s0  }
0x18: {  	s0 =	sld [smem:$0x3F94];
	_ =	swait.ge [sflag:s4], $0x0  }
0x19: {  	s7 =	sld [smem:$0x3F95]  }
0x1a: {  	s8 =	sadd.s32 $0xFFFFE003, lr  }
0x1b: {  	s9 =	sadd.s32 $0xFFFFFEF7, lr;
	s5 =	simm.s32 $0xFFFFFFFF;
	p2 =	slt.u32 s8, $0xFFFFF086  }
0x1c: {  	p1 =	slt.u32 s9, $0xF7A;
	s5 =	simm.s32 @!p2 $0x0  }
0x1d: {  	s5 =	simm.s32 @p1 $0x1;
	p0 =	seq.s32 s7, s2  }
0x1e: {  	s7 =	smul.u32 @!p0 $0xF7A, s2;
	p2 =	seq.s32 @!p0 s5, $0x0  }
0x1f: {  	s9 =	smul.u32 $0xF7A, s1;
	s8 =	simm.s32 @!p0 $0x1BF5;
	p2 =	por !p2, p0  }
0x20: {  	[sflag:s8] =	ssyncset.s32 @!p0 $0xFFFFF086;
	s6 =	sadd.s32 @!p0 s3, s7;
	s7 =	simm.s32 @!p0 $0x108  }
0x21: {  	s3 =	sadd.s32 s3, s9;
	s6 =	sadd.s32 @!p0 $0x88, s6;
	s7 =	simm.s32 @p2 $0x1082  }
0x22: {  	[simem:s7], [sflag:s8] =	dma.local @!p0 [hbm:s6], $0xF7A  }
0x23: {  	s9 =	sor.u32 $0xD0000000, s2;
	s6 =	simm.s32 $0x108;
	_ =	swait.ge @!p0 [sflag:s8], $0x0  }
0x24: {  	s3 =	sadd.s32 $0x88, s3;
	s6 =	simm.s32 @!p1 $0x1082;
	[sflag:s4] =	ssyncset.s32 $0xFFFFF086  }
0x25: {  	[simem:s6], [sflag:s4] =	dma.local [hbm:s3], $0xF7A  }
0x26: {  	[smem:$0x3F95] =	sst s1;
	(tag) =	ssettag s2;
	_ =	strace s9  }
0x27: {  	s1 =	sld [smem:$0x3FA5]  }
0x28: {  	s2 =	sld [smem:$0x3FA6]  }
0x29: {  	s4 =	sld [smem:$0x3FA8]  }
0x2a: {  	p0 =	seq.s32 s5, $0x0;
	s5 =	sld [smem:$0x3FA9]  }
0x2b: {  	s6 =	sld [smem:$0x3FAA]  }
0x2c: {  	s7 =	sld [smem:$0x3FAB]  }
0x2d: {  	s3 =	simm.s32 $0x108;
	s8 =	sld [smem:$0x3FAC]  }
0x2e: {  	s3 =	simm.s32 @!p0 $0x1082;
	s9 =	sld [smem:$0x3FAD]  }
0x2f: {  	lr =	sadd.s32 s0, s3;
	s0 =	sld [smem:$0x3FA4]  }
0x30: {  	s3 =	sld [smem:$0x3FA7]  }
0x31: {  	[smem:$0x3FB0] =	sst s10  }
0x32: {  	s10 =	sld [smem:$0x3FAE];
	_ =	sdelay $0x3  }
0x33: {  	p0 =	seq.s32 s10, $0x1;
	s10 =	sld [smem:$0x3FB0];
	_ =	sdelay $0x3  }
0x34: {  	[smem:$0x3FB0] =	sst s10  }
0x35: {  	s10 =	sld [smem:$0x3FAF];
	_ =	sdelay $0x3  }
0x36: {  	p1 =	seq.s32 s10, $0x1;
	s10 =	sld [smem:$0x3FB0];
	_ =	sdelay $0x3  }
0x37: {  	[smem:$0x3FB0] =	sst s10  }
0x38: {  	s10 =	sld [smem:$0x3FB1]  }
0x39: {  	_ = 	snop;
	(pc) =	sbr.ind lr, $3  }
0x3a: {  	_ = 	snop  }
0x3b: {  	_ = 	snop  }
0x3c: {  	p2 =	seq.s32 s10, $0x1;
	s10 =	sld [smem:$0x3FB0]  }
0x3d: {  	_ =	shalt  }
0x3e: {  	_ =	shalt  }
0x3f: {  	_ =	shalt  }
0x40: {  	_ =	shalt  }
0x41: {  	_ =	shalt  }
0x42: {  	_ =	shalt  }
0x43: {  	_ =	shalt  }
0x44: {  	_ =	shalt  }
0x45: {  	_ =	shalt  }
0x46: {  	_ =	shalt  }
0x47: {  	_ =	shalt  }
0x48: {  	_ =	shalt  }
0x49: {  	_ =	shalt  }
0x4a: {  	_ =	shalt  }
0x4b: {  	_ =	shalt  }
0x4c: {  	_ =	shalt  }
0x4d: {  	_ =	shalt  }
0x4e: {  	_ =	shalt  }
0x4f: {  	_ =	shalt  }
0x50: {  	_ =	shalt  }
0x51: {  	_ =	shalt  }
0x52: {  	_ =	shalt  }
0x53: {  	_ =	shalt  }
0x54: {  	_ =	shalt  }
0x55: {  	_ =	shalt  }
0x56: {  	_ =	shalt  }
0x57: {  	_ =	shalt  }
0x58: {  	_ =	shalt  }
0x59: {  	_ =	shalt  }
0x5a: {  	_ =	shalt  }
0x5b: {  	_ =	shalt  }
0x5c: {  	_ =	shalt  }
0x5d: {  	_ =	shalt  }
0x5e: {  	_ =	shalt  }
0x5f: {  	_ =	shalt  }
0x60: {  	_ =	shalt  }
0x61: {  	_ =	shalt  }
0x62: {  	_ =	shalt  }
0x63: {  	_ =	shalt  }
0x64: {  	_ =	shalt  }
0x65: {  	_ =	shalt  }
0x66: {  	_ =	shalt  }
0x67: {  	_ =	shalt  }
0x68: {  	_ =	shalt  }
0x69: {  	_ =	shalt  }
0x6a: {  	_ =	shalt  }
0x6b: {  	_ =	shalt  }
0x6c: {  	_ =	shalt  }
0x6d: {  	_ =	shalt  }
0x6e: {  	_ =	shalt  }
0x6f: {  	_ =	shalt  }
0x70: {  	_ =	shalt  }
0x71: {  	_ =	shalt  }
0x72: {  	_ =	shalt  }
0x73: {  	_ =	shalt  }
0x74: {  	_ =	shalt  }
0x75: {  	_ =	shalt  }
0x76: {  	_ =	shalt  }
0x77: {  	_ =	shalt  }
0x78: {  	_ =	shalt  }
0x79: {  	_ =	shalt  }
0x7a: {  	_ =	shalt  }
0x7b: {  	_ =	shalt  }
0x7c: {  	_ =	shalt  }
0x7d: {  	_ =	shalt  }
0x7e: {  	_ =	shalt  }
0x7f: {  	_ =	shalt  }
0x80: {  	_ =	shalt  }
0x81: {  	_ =	shalt  }
0x82: {  	_ =	shalt  }
0x83: {  	_ =	shalt  }
0x84: {  	_ =	shalt  }
0x85: {  	_ =	shalt  }
0x86: {  	_ =	shalt  }
0x87: {  	_ =	shalt  }
.Lfunc_end0:
.L_simem_size_0:
called_computation_lowered:
.L_overlay_start_0:
0x88: {  	s2 =	sld [smem:$0x3FD9]  }
0x89: {  	s3 =	sld [smem:$0x3FFE];
	_ =	sdelay $0x1  }
0x8a: {  	s1 =	srdreg.scid  }
0x8b: {  	s0 =	sand.u32 $0x1, s1  }
0x8c: {  	s16 =	sshll.u32 s0, $0xA;
	s2 =	sadd.s32 s3, s2  }
0x8d: {  	s2 =	sadd.s32 s2, s16  }
0x8e: {  	[smem:$0x3FBC] =	sst s2  }
0x8f: {  	_ = 	snop  }
0x90: {  	(tm) =	ssettm $0x1  }
0x91: {  	s17 =	sld [smem:$0x3FFB];
	_ =	sdelay $0x3  }
0x92: {  	_ =	strace s17  }
0x93: {  	s2 =	sld [smem:$0x3FFC];
	_ =	sdelay $0x3  }
0x94: {  	_ =	strace s2  }
0x95: {  	s2 =	sld [smem:$0x3FFD];
	_ =	sdelay $0x3  }
0x96: {  	_ =	strace s2  }
0x97: {  	_ =	strace $0x8FFFFFFF  }
0x98: {  	s18 =	sld [smem:$0x3FDB];
	_ =	sdelay $0x1  }
0x99: {  	s19 =	simm.s32 $_scs_section_size  }
0x9a: {  	s4 =	simm.s32 $_size__tile_overlayer_lowered;
	s5 =	simm.s32 $_tile_overlayer_lowered  }
0x9b: {  	s22 =	simm.s32 $0x1BFF;
	s21 =	sshll.u32 s5, $0x1;
	s2 =	sadd.s32 s19, s18  }
0x9c: {  	s6 =	simm.s32 $0x0;
	s20 =	sshll.u32 s4, $0x1;
	s4 =	sadd.s32 s21, s2  }
0x9d: {  	[timem:s6], [sflag:s22] =	dma.local [hbm:s4], s20  }
0x9e: {  	_ =	swait.ge [sflag:s22], s20  }
0x9f: {  	s3 =	ssub.s32 $0x0, s20;
	[sflag:s22] =	ssyncset.done $0x0  }
0xa0: {  	[sflag:s22] =	ssyncadd.s32 s3;
	_ =	sdelay $0x1  }
0xa1: {  	s23 =	simm.s32 $0x1B8B  }
0xa2: {  	_ =	swait.ge [sflag:s23], $0x1  }
0xa3: {  	[sflag:s23] =	ssyncset.done $0x0  }
0xa4: {  	s25 =	simm.s32 $0x1B8E;
	s24 =	sld [smem:$0x3FFE];
	[sflag:s23] =	ssyncadd.s32 $0xFFFFFFFF  }
0xa5: {  	s26 =	simm.s32 $execute0_lowered;
	[smem:$0x3FD2] =	sst s25  }
0xa6: {  	s4 =	sshll.u32 s26, $0x1;
	_ =	strace $0x80000046;
	[dreg:$0x1] =	wrdreg $0xFFFFFFFF  }
0xa7: {  	s28 =	simm.s32 $_size_execute0_lowered;
	s2 =	sadd.s32 s2, s4;
	[dreg:$0x0] =	wrdreg $0x0  }
0xa8: {  	s4 =	sshll.u32 s28, $0x1;
	[dreg:$0x2] =	wrdreg s2  }
0xa9: {  	[dreg:$0x3] =	wrdreg s4  }
0xaa: {  	[dreg:$0x4] =	wrdreg $0xC0  }
0xab: {  	_ =	task [dreg:s6], $0x5FFFF  }
0xac: {  	[dreg:$0x1] =	wrdreg $0xFFFFFFFF  }
0xad: {  	[dreg:$0x0] =	wrdreg $0x60  }
0xae: {  	[dreg:$0x2] =	wrdreg s24  }
0xaf: {  	[dreg:$0x3] =	wrdreg $0x9  }
0xb0: {  	_ =	task.clear_ibuf [dreg:s6], $0x4FFFF;
	_ =	strace $0x90000046  }
0xb1: {  	s29 =	simm.s32 $0x9;
	_ =	strace $0x80000048  }
0xb2: {  	_ =	swait.ge [sflag:s29], $0x1  }
0xb3: {  	[sflag:s29] =	ssyncadd.s32 $0xFFFFFFFF  }
0xb4: {  	_ =	strace $0x90000048  }
0xb5: {  	_ =	sfence  }
0xb6: {  	s30 =	sld [smem:$0x0];
	_ =	sdelay $0x2  }
0xb7: {  	s31 =	sshll.u32 s1, $0xD;
	s1 =	sshrl.u32 s1, $0x2  }
0xb8: {  	s3 =	sand.u32 $0x4000, s31;
	s1 =	sadd.s32 s1, s30  }
0xb9: {  	s0 =	sor.u32 s3, s0;
	s1 =	sshll.u32 s1, $0x11  }
0xba: {  	s0 =	sor.u32 s1, s0  }
0xbb: {  	s0 =	sadd.s32 $0x8F2B, s0  }
0xbc: {  	[sflag:s0] =	ssyncadd.remote.s32 $0x1  }
0xbd: {  	_ =	sfence.sel $0xFFFF  }
0xbe: {  	[dreg:$0x0] =	wrdreg $0xFFFFFFFF;
	(pc) =	sbr.abs _section_cstart, $3  }
0xbf: {  	[dreg:$0x1] =	wrdreg $0xFFFFFFFF  }
0xc0: {  	_ =	task.clear_ibuf [dreg:s6], $0x2FFFF;
	_ =	strace $0x9FFFFFFF  }
0xc1: {  	(tm) =	ssettm $0x7FFFFFFF  }
tec
execute0_lowered:
.L_overlay_start_1:
0x0: {  	(tag) =	ssettag $0x1  }
0x1: {  	s0 =	srdreg.scid;
	s4 =	rddreg [dreg:$0x0];
	s2 =	simm.s32 $0x0  }
0x2: {  	s3 =	sand.u32 $0x1, s0;
	s0 =	stileid.u32;
	[smem:$0x7FF] =	sst s2  }
0x3: {  	s1 =	sshll.u32 s3, $0x4;
	s6 =	ssub.s32 $0x2, s3;
	s7 =	smul.u32 $0x4E200, s3  }
0x4: {  	s9 =	smul.u32 $0x4E20, s0;
	s3 =	sadd.s32 $0x2000, s4;
	s5 =	sor.u32 s0, s1  }
0x5: {  	s1 =	rddreg [dreg:$0x1];
	s8 =	sshrl.u32 s6, $0x1;
	s5 =	smul.u32 $0x4F0, s5  }
0x6: {  	_ =	strace $0x80000047;
	s6 =	ssub.s32 s6, s8;
	s8 =	simm.s32 $0x1  }
0x7: {  	s6 =	smax.u32 s6, $0x1;
	s5 =	sadd.s32 s5, s4;
	s4 =	sadd.s32 s9, s7  }
0x8: {  	v0 =	vimm.f32 $0.0e+00;
	v1 =	vimm.f32 $1.000000000e+00;
	s7 =	simm.s32 $0x2780;
	s9 =	simm.s32 $0x0;
	s5 =	sadd.s32 $0x15A00, s5  }
.LBB2_1:
0x9: {  	s10 =	simm.s32 $0x40;
	s11 =	simm.s32 $0x0  }
.LBB2_2:
0xa: {  	p0 =	sne.s32 s10, $0x9DC0;
	[tilespmem:s11+$0x0] =	vst v0;
	s11 =	smov.u32 s10;
	s10 =	sadd.s32 $0x40, s10  }
.Ltmp0:
0xb: {  	(pc) =	sbr.rel @p0 .LBB2_2-.Ltmp0, $2  }
0xc: {  	_ =	sdelay $0x2  }
0xd: {  	s11 =	sshra.s32 s11, $0x2  }
0xe: {  	[tilespmem:s11+$0x0] =	vst v0;
	s10 =	simm.s32 $0x0;
	s11 =	simm.s32 $0x0  }
.LBB2_4:
0xf: {  	s12 =	smul.u32 $0x7D0, s11;
	_ =	sdelay $0x1  }
0x10: {  	s12 =	sadd.s32 s12, s4  }
0x11: {  	s12 =	sshrl.u32 s12, $0x3  }
0x12: {  	s12 =	sadd.s32 s3, s12  }
0x13: {  	[tilespmem:s7], [sflag:$0x1] =	stream.linear.gather [hbm4b:s12+s10], $0x7D0, $0x38;
	[tilespmem:$0x2F80] =	vst v63  }
0x14: {  	_ =	swait.ge [sflag:s8], $0x7D0  }
0x15: {  	[sflag:s8] =	ssyncset.done $0x0  }
0x16: {  	s13 =	simm.s32 $0x0;
	s12 =	simm.s32 $0x40;
	[sflag:s8] =	ssyncadd.s32 $0xFFFFF830  }
.LBB2_5:
0x17: {  	p0 =	sne.s32 s12, $0x1F00;
	v2 =	vld [tilespmem:s13+$0x2780];
	_ =	sdelay $0x3  }
.Ltmp1:
0x18: {  	(pc) =	sbr.rel @p0 .LBB2_5-.Ltmp1, $2  }
0x19: {  	_ =	sdelay $0x2  }
0x1a: {  	s13 =	sshra.s32 s12, $0x2;
	s12 =	sadd.s32 $0x40, s12;
	[tilespmem:v2+s2+$0x0] =	vst.idx.add.f32.msk $0xffff, v1  }
0x1b: {  	v2 =	vld [tilespmem:s13+$0x2780];
	_ =	sdelay $0x1  }
0x1c: {  	s11 =	sadd.s32 $0x1, s11  }
0x1d: {  	p0 =	sne.s32 s11, $0xA  }
.Ltmp2:
0x1e: {  	_ = 	snop;
	(pc) =	sbr.rel @p0 .LBB2_4-.Ltmp2, $2  }
0x1f: {  	_ =	sdelay $0x2  }
0x20: {  	[tilespmem:v2+s2+$0x0] =	vst.idx.add.f32.msk $0xffff, v1  }
0x21: {  	s9 =	sadd.s32 $0x1, s9  }
0x22: {  	p0 =	sne.s32 s9, s6  }
.Ltmp3:
0x23: {  	_ = 	snop;
	(pc) =	sbr.rel @p0 .LBB2_1-.Ltmp3, $4  }
0x24: {  	[hbm4b:s5+s2] =	stream.linear.scatter [tilespmem:s2], [sflag:$0x1], $0x2780, $0x38;
	[tilespmem:$0x2F80] =	vst v63  }
0x25: {  	_ =	swait.ge [sflag:s8], $0x2780  }
0x26: {  	[sflag:s8] =	ssyncset.done $0x0  }
0x27: {  	[sflag:s8] =	ssyncadd.s32 $0xFFFFD880  }
0x28: {  	_ =	sfence.sel $0x180000  }
0x29: {  	[bflag:$0x0] =	sbarrier.arrive $0xFFFF  }
0x2a: {  	p0 =	sne.s32 s0, $0x0;
	_ =	strace $0x90000047  }
0x2b: {  	s0 =	sadd.s32 @!p0 $0x100000, s1;
	[bflag:$0x2] =	sbarrier.arrive $0xFFFF  }
0x2c: {  	[sflag:s0] =	ssyncadd.tile.s32 @!p0 $0x1;
	_ =	shalt  }
.Lfunc_end2:
_tile_overlayer_lowered:
.L_overlay_start_2:
0x2d: {  	(tag) =	ssettag $0x2  }
0x2e: {  	s0 =	rddreg [dreg:$0x0];
	s2 =	stileid.u32  }
0x2f: {  	s1 =	rddreg [dreg:$0x1];
	p0 =	sne.s32 s2, $0x0  }
0x30: {  	s3 =	rddreg [dreg:$0x2];
	[bflag:$0x3] =	sbarrier.arrive $0xFFFF;
	s2 =	simm.s32 @!p0 $0x1C01  }
0x31: {  	[timem:s3], [sflag:s2] =	dma.local @!p0 [hbm:s0], s1  }
0x32: {  	s0 =	simm.s32 @!p0 $0x1  }
0x33: {  	_ =	swait.ge @!p0 [sflag:s0], s1  }
0x34: {  	s1 =	ssub.s32 @!p0 $0x0, s1;
	[sflag:s0] =	ssyncset.done @!p0 $0x0  }
0x35: {  	[sflag:s0] =	ssyncadd.s32 @!p0 s1  }
0x36: {  	[bflag:$0x3] =	sbarrier.arrive $0xFFFF  }
0x37: {  	_ =	shalt  }

</sc_bundles>
